<compile_context>
chip_gen: v7x
topology: tpu7x:2x2x1
jax: 0.10.2.dev20260603
libtpu: 0.0.44.dev20260713+nightly
codegen_flags: <defaults>
</compile_context>

<pallas_src>
import functools

import jax
import jax.numpy as jnp
from jax import lax
from jax.experimental import pallas as pl
from jax.experimental.pallas import tpu as pltpu
from jax.experimental.pallas import tpu_sc as plsc

N = 10000
E = 320000
D = 128
H = 128
G = 16
GF = 1
OUT = 1

NC = 2
NS = 16
NW = NC * NS
EPW = E // NW
CH = 128
NCH = 79
PADD = NCH * CH - EPW
CHS = 40
PADE = 0
EPWP = EPW + PADE
NCHS = EPWP // CHS
NPR = NCHS // 2
RPT = 624
NTAIL = N - NS * RPT

_F32 = jnp.float32
_HIGH = lax.Precision.HIGHEST

@functools.cache
def _mesh():
    return plsc.VectorSubcoreMesh(
        core_axis_name="c", subcore_axis_name="s", num_cores=NC, num_subcores=NS
    )



def _sc_degree(dst, ones128, z128):

    @functools.partial(
        pl.kernel,
        out_type=jax.ShapeDtypeStruct((NC, N, D), _F32),
        mesh=_mesh(),
        scratch_types=[
            pltpu.VMEM((NCH, CH), jnp.int32),
            pltpu.VMEM((CH, D), _F32),
            pltpu.VMEM_SHARED((N + 8, D), _F32),
            pltpu.SemaphoreType.DMA,
        ],
    )
    def deg_kernel(dst_hbm, ones_hbm, z16_hbm, out_hbm, dsts, ones_v, hist, sem):
        c = lax.axis_index("c")
        s = lax.axis_index("s")
        wid = c * NS + s
        pltpu.sync_copy(z16_hbm.at[pl.ds(s * RPT, RPT)], hist.at[pl.ds(s * RPT, RPT)])

        @pl.when(s == NS - 1)
        def _():
            pltpu.sync_copy(
                z16_hbm.at[pl.ds(NS * RPT, NTAIL)], hist.at[pl.ds(NS * RPT, NTAIL)]
            )

        pltpu.sync_copy(ones_hbm, ones_v)
        pltpu.sync_copy(dst_hbm.at[wid], dsts)
        plsc.subcore_barrier()

        @pl.loop(0, NCH)
        def _(k):
            pltpu.async_copy(ones_v, hist.at[dsts.at[k]], sem, add=True)

        @pl.loop(0, NCH)
        def _(k):
            pltpu.make_async_copy(ones_v, hist.at[dsts.at[k]], sem).wait()

        plsc.subcore_barrier()
        pltpu.sync_copy(
            hist.at[pl.ds(s * RPT, RPT)],
            out_hbm.at[c, pl.ds(s * RPT, RPT)],
        )

        @pl.when(s == NS - 1)
        def _():
            pltpu.sync_copy(
                hist.at[pl.ds(NS * RPT, NTAIL)],
                out_hbm.at[c, pl.ds(NS * RPT, NTAIL)],
            )

    return deg_kernel(dst, ones128, z128)


def _sc_scatter(hs, eidx, z128):

    @functools.partial(
        pl.kernel,
        out_type=jax.ShapeDtypeStruct((NC, N, D), _F32),
        mesh=_mesh(),
        scratch_types=[
            pltpu.VMEM((2, 2, 2, CHS), jnp.int32),
            pltpu.VMEM((2, CHS, D), _F32),
            pltpu.VMEM_SHARED((N + 8, D), _F32),
            pltpu.SemaphoreType.DMA,
            pltpu.SemaphoreType.DMA,
            pltpu.SemaphoreType.DMA,
            pltpu.SemaphoreType.DMA,
        ],
    )
    def scatter_kernel(
        hs_hbm, eidx_hbm, z_hbm, out_hbm, ei, rows, acc, sem0, sem1, semi0, semi1
    ):
        c = lax.axis_index("c")
        s = lax.axis_index("s")
        wid = c * NS + s
        pltpu.sync_copy(z_hbm.at[pl.ds(s * RPT, RPT)], acc.at[pl.ds(s * RPT, RPT)])

        @pl.when(s == NS - 1)
        def _():
            pltpu.sync_copy(
                z_hbm.at[pl.ds(NS * RPT, NTAIL)], acc.at[pl.ds(NS * RPT, NTAIL)]
            )

        plsc.subcore_barrier()

        pltpu.sync_copy(eidx_hbm.at[wid, pl.ds(0, 2)], ei.at[0])
        pltpu.async_copy(eidx_hbm.at[wid, pl.ds(2, 2)], ei.at[1], semi1)
        pltpu.async_copy(hs_hbm.at[ei.at[0, 0, 0]], rows.at[0], sem0)

        @pl.loop(0, NPR - 1, step=2)
        def _(p):
            pltpu.make_async_copy(hs_hbm.at[ei.at[0, 0, 0]], rows.at[0], sem0).wait()
            pltpu.async_copy(hs_hbm.at[ei.at[0, 1, 0]], rows.at[1], sem1)
            pltpu.sync_copy(rows.at[0], acc.at[ei.at[0, 0, 1]], add=True)
            pltpu.make_async_copy(
                eidx_hbm.at[wid, pl.ds(2 * (p + 1), 2)], ei.at[1], semi1
            ).wait()
            pltpu.make_async_copy(hs_hbm.at[ei.at[0, 1, 0]], rows.at[1], sem1).wait()
            pltpu.async_copy(hs_hbm.at[ei.at[1, 0, 0]], rows.at[0], sem0)
            pltpu.sync_copy(rows.at[1], acc.at[ei.at[0, 1, 1]], add=True)
            pltpu.async_copy(eidx_hbm.at[wid, pl.ds(2 * (p + 2), 2)], ei.at[0], semi0)
            pltpu.make_async_copy(hs_hbm.at[ei.at[1, 0, 0]], rows.at[0], sem0).wait()
            pltpu.async_copy(hs_hbm.at[ei.at[1, 1, 0]], rows.at[1], sem1)
            pltpu.sync_copy(rows.at[0], acc.at[ei.at[1, 0, 1]], add=True)
            pltpu.make_async_copy(
                eidx_hbm.at[wid, pl.ds(2 * (p + 2), 2)], ei.at[0], semi0
            ).wait()
            pltpu.make_async_copy(hs_hbm.at[ei.at[1, 1, 0]], rows.at[1], sem1).wait()
            pltpu.async_copy(hs_hbm.at[ei.at[0, 0, 0]], rows.at[0], sem0)
            pltpu.sync_copy(rows.at[1], acc.at[ei.at[1, 1, 1]], add=True)

            @pl.when(p + 3 < NPR)
            def _():
                pltpu.async_copy(
                    eidx_hbm.at[wid, pl.ds(2 * (p + 3), 2)], ei.at[1], semi1
                )

        pltpu.make_async_copy(hs_hbm.at[ei.at[0, 0, 0]], rows.at[0], sem0).wait()
        pltpu.async_copy(hs_hbm.at[ei.at[0, 1, 0]], rows.at[1], sem1)
        pltpu.sync_copy(rows.at[0], acc.at[ei.at[0, 0, 1]], add=True)
        pltpu.make_async_copy(hs_hbm.at[ei.at[0, 1, 0]], rows.at[1], sem1).wait()
        pltpu.sync_copy(rows.at[1], acc.at[ei.at[0, 1, 1]], add=True)

        plsc.subcore_barrier()
        pltpu.sync_copy(
            acc.at[pl.ds(s * RPT, RPT)],
            out_hbm.at[c, pl.ds(s * RPT, RPT)],
        )

        @pl.when(s == NS - 1)
        def _():
            pltpu.sync_copy(
                acc.at[pl.ds(NS * RPT, NTAIL)],
                out_hbm.at[c, pl.ds(NS * RPT, NTAIL)],
            )

    return scatter_kernel(hs, eidx, z128)



RB = 1000
NB = N // RB

_row = pl.BlockSpec((RB, H), lambda i: (i, 0))
_degs = pl.BlockSpec((NC, RB, D), lambda i: (0, i, 0))
_part = pl.BlockSpec((NC, RB, D), lambda i: (0, i, 0))
_wspec = pl.BlockSpec((H, H), lambda i: (0, 0))
_bspec = pl.BlockSpec((1, H), lambda i: (0, 0))


def _deg_cols(degp_ref):
    deg = degp_ref[0, :, 0:1] + degp_ref[1, :, 0:1] + 1.0
    dinv = lax.rsqrt(deg)
    ideg = 1.0 / deg
    return dinv, ideg


def _mm_body(x_ref, w_ref, o_ref):
    o_ref[...] = jnp.dot(x_ref[...], w_ref[...], preferred_element_type=_F32)


def _tc_mm(x, W1):
    return pl.pallas_call(
        _mm_body,
        grid=(NB,),
        in_specs=[pl.BlockSpec((RB, D), lambda i: (i, 0)), _wspec],
        out_specs=_row,
        out_shape=jax.ShapeDtypeStruct((N, H), _F32),
    )(x, W1)


def _prep_body(h_ref, degp_ref, b_ref, hs_ref, self_ref, dinv_ref):
    dinv, ideg = _deg_cols(degp_ref)
    h = h_ref[...]
    hs_ref[...] = h * dinv
    self_ref[...] = h * ideg + b_ref[...]
    dinv_ref[...] = jnp.broadcast_to(dinv, (RB, 8))


def _tc_prep(h1, degp, b1):
    return pl.pallas_call(
        _prep_body,
        grid=(NB,),
        in_specs=[_row, _degs, _bspec],
        out_specs=(_row, _row, pl.BlockSpec((RB, 8), lambda i: (i, 0))),
        out_shape=(
            jax.ShapeDtypeStruct((N, H), _F32),
            jax.ShapeDtypeStruct((N, H), _F32),
            jax.ShapeDtypeStruct((N, 8), _F32),
        ),
    )(h1, degp, b1)


def _combine_body(ap_ref, dinv_ref, self1_ref, w2_ref, b2_ref, hs2_ref, self2_ref):
    dinv = dinv_ref[:, 0:1]
    ideg = dinv * dinv
    a = ap_ref[0] + ap_ref[1]
    h2in = jnp.maximum(dinv * a + self1_ref[...], 0.0)
    h2 = jnp.dot(h2in, w2_ref[...], preferred_element_type=_F32)
    hs2_ref[...] = h2 * dinv
    self2_ref[...] = h2 * ideg + b2_ref[...]


def _tc_combine(ap, dinv8, self1, W2, b2):
    return pl.pallas_call(
        _combine_body,
        grid=(NB,),
        in_specs=[_part, pl.BlockSpec((RB, 8), lambda i: (i, 0)), _row, _wspec, _bspec],
        out_specs=(_row, _row),
        out_shape=(
            jax.ShapeDtypeStruct((N, H), _F32),
            jax.ShapeDtypeStruct((N, H), _F32),
        ),
    )(ap, dinv8, self1, W2, b2)


def _final_body(
    bp_ref, dinv_ref, self2_ref, batch_ref, gf_ref, wl_ref, bl_ref, o_ref, pacc
):
    i = pl.program_id(0)
    dinv = dinv_ref[:, 0:1]
    b = bp_ref[0] + bp_ref[1]
    out2 = jnp.maximum(dinv * b + self2_ref[...], 0.0)
    seg = batch_ref[0]
    gids = lax.broadcasted_iota(jnp.int32, (G, RB), 0)
    M = (seg == gids).astype(_F32)
    part = jnp.dot(M, out2, precision=_HIGH, preferred_element_type=_F32)

    @pl.when(i == 0)
    def _():
        pacc[...] = jnp.zeros((G, H), _F32)

    pacc[...] += part

    @pl.when(i == NB - 1)
    def _():
        z = jnp.concatenate([pacc[...], gf_ref[...]], axis=1)
        o_ref[...] = jnp.dot(z, wl_ref[...], preferred_element_type=_F32) + bl_ref[...]


def _tc_final(bp, dinv8, self2, batch2d, graph_feat, Wlin, blin2d):
    return pl.pallas_call(
        _final_body,
        grid=(NB,),
        in_specs=[
            _part,
            pl.BlockSpec((RB, 8), lambda i: (i, 0)),
            _row,
            pl.BlockSpec((1, 1, RB), lambda i: (i, 0, 0)),
            pl.BlockSpec((G, GF), lambda i: (0, 0)),
            pl.BlockSpec((H + GF, OUT), lambda i: (0, 0)),
            pl.BlockSpec((1, OUT), lambda i: (0, 0)),
        ],
        out_specs=pl.BlockSpec((G, OUT), lambda i: (0, 0)),
        out_shape=jax.ShapeDtypeStruct((G, OUT), _F32),
        scratch_shapes=[pltpu.VMEM((G, H), _F32)],
    )(bp, dinv8, self2, batch2d, graph_feat, Wlin, blin2d)



def kernel(x, edge_index, batch, graph_feat, W1, b1, W2, b2, Wlin, blin):
    dstw = edge_index[1].reshape(NW, EPW)
    dst = jnp.concatenate(
        [dstw, jnp.full((NW, PADD), N, jnp.int32)], 1
    ).reshape(NW, NCH, CH)
    ew = edge_index.reshape(2, NW, EPW).transpose(1, 2, 0)
    if PADE:
        pad_s = jnp.zeros((NW, PADE, 1, 1), jnp.int32)
        pad_d = jnp.full((NW, PADE, 1, 1), N, jnp.int32)
        pad = jnp.concatenate([pad_s, pad_d], 3).reshape(NW, PADE, 2)
        ew = jnp.concatenate([ew, pad], 1)
    eidx = ew.reshape(NW, NCHS, CHS, 2).transpose(0, 1, 3, 2)
    z128 = jnp.zeros((N, D), _F32)
    ones128 = jnp.ones((CH, D), _F32)

    degp = _sc_degree(dst, ones128, z128)
    h1 = _tc_mm(x, W1)
    hs1, self1, dinv8 = _tc_prep(h1, degp, b1.reshape(1, H))
    ap = _sc_scatter(hs1, eidx, z128)
    hs2, self2 = _tc_combine(ap, dinv8, self1, W2, b2.reshape(1, H))
    bp = _sc_scatter(hs2, eidx, z128)
    return _tc_final(
        bp, dinv8, self2, batch.reshape(NB, 1, RB), graph_feat, Wlin,
        blin.reshape(1, OUT),
    )

# --- scband reference (transcript-rebuilt; emitter-appended) ---
"""Pipeline reference for scband-gnn-2465311228180 (READ-ONLY COPY).

The authoritative reference and input builder live on the scoring server;
editing this copy changes nothing except your own understanding.
"""

import jax, jax.numpy as jnp
import numpy as np

N = 10000
E = 320000
D = 128
H = 128
G = 16
GF = 1
OUT = 1


def setup_inputs(seed: int = 0) -> dict:
    key = jax.random.key(seed)
    ks = jax.random.split(key, 10)
    x = jax.random.normal(ks[0], (N, D), dtype=jnp.float32)
    edge_index = jax.random.randint(ks[1], (2, E), 0, N, dtype=jnp.int32)
    batch = jnp.sort(jax.random.randint(ks[2], (N,), 0, G, dtype=jnp.int32))
    graph_feat = jax.random.normal(ks[3], (G, GF), dtype=jnp.float32)
    W1 = jax.random.normal(ks[4], (D, H), dtype=jnp.float32) * (1.0 / np.sqrt(D))
    b1 = jnp.zeros((H,), dtype=jnp.float32)
    W2 = jax.random.normal(ks[5], (H, H), dtype=jnp.float32) * (1.0 / np.sqrt(H))
    b2 = jnp.zeros((H,), dtype=jnp.float32)
    Wlin = jax.random.normal(ks[6], (H + GF, OUT), dtype=jnp.float32) * (1.0 / np.sqrt(H + GF))
    blin = jnp.zeros((OUT,), dtype=jnp.float32)
    return {
        "x": x,
        "edge_index": edge_index,
        "batch": batch,
        "graph_feat": graph_feat,
        "W1": W1,
        "b1": b1,
        "W2": W2,
        "b2": b2,
        "Wlin": Wlin,
        "blin": blin,
    }


def _gcn_conv(x, src, dst, W, b, num_nodes):
    # GCNConv: add self-loops, symmetric degree normalization, scatter-add aggregation
    h = x @ W
    loop = jnp.arange(num_nodes, dtype=src.dtype)
    s = jnp.concatenate([src, loop])
    d = jnp.concatenate([dst, loop])
    deg = jnp.zeros((num_nodes,), dtype=h.dtype).at[d].add(1.0)
    dinv = 1.0 / jnp.sqrt(deg)
    norm = dinv[s] * dinv[d]
    msg = h[s] * norm[:, None]
    out = jnp.zeros((num_nodes, h.shape[1]), dtype=h.dtype).at[d].add(msg)
    return out + b


def reference(x, edge_index, batch, graph_feat, W1, b1, W2, b2, Wlin, blin):
    num_nodes = x.shape[0]
    src = edge_index[0]
    dst = edge_index[1]
    h = jax.nn.relu(_gcn_conv(x, src, dst, W1, b1, num_nodes))
    # dropout(0.5) is identity at inference
    h = jax.nn.relu(_gcn_conv(h, src, dst, W2, b2, num_nodes))
    pooled = jax.ops.segment_sum(h, batch, num_segments=G)
    z = jnp.concatenate([pooled, graph_feat], axis=1)
    return z @ Wlin + blin

if __name__ == "__main__":
    import jax
    _d = setup_inputs()
    print(jax.jit(kernel)(*tuple(_d.values())))

</pallas_src>

<mosaic_0001>
#map = affine_map<(d0, d1) -> (0, 0)>
#map1 = affine_map<(d0, d1) -> (0, 0, 0, 0)>
#map2 = affine_map<(d0, d1) -> (0, 0, 0)>
module attributes {stable_mosaic.version = 14 : i64} {
  func.func @scatter_kernel(%arg0: i32, %arg1: i32, %arg2: memref<10000x128xf32, #tpu.memory_space<hbm>>, %arg3: memref<32x250x2x40xi32, #tpu.memory_space<hbm>>, %arg4: memref<10000x128xf32, #tpu.memory_space<hbm>>, %arg5: memref<2x10000x128xf32, #tpu.memory_space<hbm>>, %arg6: memref<2x2x2x40xi32, #tpu.memory_space<vmem>>, %arg7: memref<2x40x128xf32, #tpu.memory_space<vmem>>, %arg8: memref<10008x128xf32, #tpu.memory_space<vmem_shared>>, %arg9: memref<!tpu.dma_semaphore, #tpu.memory_space<semaphore_mem>>, %arg10: memref<!tpu.dma_semaphore, #tpu.memory_space<semaphore_mem>>, %arg11: memref<!tpu.dma_semaphore, #tpu.memory_space<semaphore_mem>>, %arg12: memref<!tpu.dma_semaphore, #tpu.memory_space<semaphore_mem>>) attributes {dimension_semantics = [#tpu.dimension_semantics<core_parallel>, #tpu.dimension_semantics<subcore_parallel>], iteration_bounds = array<i64: 2, 16>, scalar_prefetch = 0 : i64, scratch_operands = 7 : i64, tpu.core_type = #tpu.core_type<sc_vector_subcore>, window_params = [{transform_indices = #map}, {transform_indices = #map1}, {transform_indices = #map}, {transform_indices = #map2}]} {
    %mul3A = arith.constant 16 : i32
    %mul3A_0 = arith.muli %arg0, %mul3A : i32
    %add3A = arith.addi %mul3A_0, %arg1 : i32
    %mul3A_1 = arith.constant 624 : i32
    %mul3A_2 = arith.muli %arg1, %mul3A_1 : i32
    %mul3A_3 = arith.constant 624 : i32
    %mul3A_4 = arith.muli %arg1, %mul3A_3 : i32
    "tpu.region"() ({
      %run_scoped3A_104 = tpu.sem_alloc : memref<!tpu.dma_semaphore, #tpu.memory_space<semaphore_mem>>
      %dma_start3A_105 = arith.constant 0 : i32
      %dma_start3A_106 = tpu.memref_slice %arg8[%mul3A_4, %dma_start3A_105] : memref<10008x128xf32, #tpu.memory_space<vmem_shared>> -> memref<624x128xf32, #tpu.memory_space<vmem_shared>>
      %dma_start3A_107 = arith.constant 0 : i32
      %dma_start3A_108 = tpu.memref_slice %arg4[%mul3A_2, %dma_start3A_107] : memref<10000x128xf32, #tpu.memory_space<hbm>> -> memref<624x128xf32, #tpu.memory_space<hbm>>
      tpu.enqueue_dma source(%dma_start3A_108 : memref<624x128xf32, #tpu.memory_space<hbm>>) target(%dma_start3A_106 : memref<624x128xf32, #tpu.memory_space<vmem_shared>>) target_semaphore(%run_scoped3A_104 : memref<!tpu.dma_semaphore, #tpu.memory_space<semaphore_mem>>)
      %dma_wait3A_109 = arith.constant 0 : i32
      %dma_wait3A_110 = tpu.memref_slice %arg8[%mul3A_4, %dma_wait3A_109] : memref<10008x128xf32, #tpu.memory_space<vmem_shared>> -> memref<624x128xf32, #tpu.memory_space<vmem_shared>>
      %dma_wait3A_111 = arith.constant 0 : i32
      %dma_wait3A_112 = tpu.memref_slice %arg4[%mul3A_2, %dma_wait3A_111] : memref<10000x128xf32, #tpu.memory_space<hbm>> -> memref<624x128xf32, #tpu.memory_space<hbm>>
      tpu.wait_dma2 semaphore(%run_scoped3A_104 : memref<!tpu.dma_semaphore, #tpu.memory_space<semaphore_mem>>) src(%dma_wait3A_112 : memref<624x128xf32, #tpu.memory_space<hbm>>) dst(%dma_wait3A_110 : memref<624x128xf32, #tpu.memory_space<vmem_shared>>)
      tpu.yield
    }) : () -> ()
    %eq3A = arith.constant 15 : i32
    %eq3A_5 = arith.cmpi eq, %arg1, %eq3A : i32
    %convert_element_type3A = arith.extui %eq3A_5 : i1 to i32
    %cond3A = arith.constant 0 : i32
    %cond3A_6 = arith.cmpi ne, %convert_element_type3A, %cond3A : i32
    scf.if %cond3A_6 {
      "tpu.region"() ({
        %run_scoped3A_104 = tpu.sem_alloc : memref<!tpu.dma_semaphore, #tpu.memory_space<semaphore_mem>>
        %dma_start3A_105 = arith.constant 9984 : i32
        %dma_start3A_106 = arith.constant 0 : i32
        %dma_start3A_107 = tpu.memref_slice %arg8[%dma_start3A_105, %dma_start3A_106] : memref<10008x128xf32, #tpu.memory_space<vmem_shared>> -> memref<16x128xf32, #tpu.memory_space<vmem_shared>>
        %dma_start3A_108 = arith.constant 9984 : i32
        %dma_start3A_109 = arith.constant 0 : i32
        %dma_start3A_110 = tpu.memref_slice %arg4[%dma_start3A_108, %dma_start3A_109] : memref<10000x128xf32, #tpu.memory_space<hbm>> -> memref<16x128xf32, #tpu.memory_space<hbm>>
        tpu.enqueue_dma source(%dma_start3A_110 : memref<16x128xf32, #tpu.memory_space<hbm>>) target(%dma_start3A_107 : memref<16x128xf32, #tpu.memory_space<vmem_shared>>) target_semaphore(%run_scoped3A_104 : memref<!tpu.dma_semaphore, #tpu.memory_space<semaphore_mem>>)
        %dma_wait3A_111 = arith.constant 9984 : i32
        %dma_wait3A_112 = arith.constant 0 : i32
        %dma_wait3A_113 = tpu.memref_slice %arg8[%dma_wait3A_111, %dma_wait3A_112] : memref<10008x128xf32, #tpu.memory_space<vmem_shared>> -> memref<16x128xf32, #tpu.memory_space<vmem_shared>>
        %dma_wait3A_114 = arith.constant 9984 : i32
        %dma_wait3A_115 = arith.constant 0 : i32
        %dma_wait3A_116 = tpu.memref_slice %arg4[%dma_wait3A_114, %dma_wait3A_115] : memref<10000x128xf32, #tpu.memory_space<hbm>> -> memref<16x128xf32, #tpu.memory_space<hbm>>
        tpu.wait_dma2 semaphore(%run_scoped3A_104 : memref<!tpu.dma_semaphore, #tpu.memory_space<semaphore_mem>>) src(%dma_wait3A_116 : memref<16x128xf32, #tpu.memory_space<hbm>>) dst(%dma_wait3A_113 : memref<16x128xf32, #tpu.memory_space<vmem_shared>>)
        tpu.yield
      }) : () -> ()
    } else {
    }
    %barrier3A = arith.constant 0 : index
    tpu.barrier barrier_id(%barrier3A)
    %run_scoped3A = arith.constant 0 : i32
    "tpu.region"() ({
      %run_scoped3A_104 = tpu.sem_alloc : memref<!tpu.dma_semaphore, #tpu.memory_space<semaphore_mem>>
      %dma_start3A_105 = arith.constant 0 : i32
      %dma_start3A_106 = arith.constant 0 : i32
      %dma_start3A_107 = arith.constant 0 : i32
      %dma_start3A_108 = tpu.memref_slice %arg6[%run_scoped3A, %dma_start3A_105, %dma_start3A_106, %dma_start3A_107] : memref<2x2x2x40xi32, #tpu.memory_space<vmem>> -> memref<1x2x2x40xi32, #tpu.memory_space<vmem>>
      %dma_start3A_109 = tpu.memref_squeeze %dma_start3A_108 : memref<1x2x2x40xi32, #tpu.memory_space<vmem>> -> memref<2x2x40xi32, #tpu.memory_space<vmem>>
      %dma_start3A_110 = arith.constant 0 : i32
      %dma_start3A_111 = arith.constant 0 : i32
      %dma_start3A_112 = arith.constant 0 : i32
      %dma_start3A_113 = tpu.memref_slice %arg3[%add3A, %dma_start3A_110, %dma_start3A_111, %dma_start3A_112] : memref<32x250x2x40xi32, #tpu.memory_space<hbm>> -> memref<1x2x2x40xi32, #tpu.memory_space<hbm>>
      %dma_start3A_114 = tpu.memref_squeeze %dma_start3A_113 : memref<1x2x2x40xi32, #tpu.memory_space<hbm>> -> memref<2x2x40xi32, #tpu.memory_space<hbm>>
      %dma_start3A_115 = arith.constant 0 : i32
      %dma_start3A_116 = arith.constant 0 : i32
      %dma_start3A_117 = arith.constant 0 : i32
      %dma_start3A_118 = tpu.memref_slice %arg6[%run_scoped3A, %dma_start3A_115, %dma_start3A_116, %dma_start3A_117] : memref<2x2x2x40xi32, #tpu.memory_space<vmem>> -> memref<1x2x2x40xi32, #tpu.memory_space<vmem>>
      %dma_start3A_119 = tpu.memref_squeeze %dma_start3A_118 : memref<1x2x2x40xi32, #tpu.memory_space<vmem>> -> memref<2x2x40xi32, #tpu.memory_space<vmem>>
      %dma_start3A_120 = arith.constant 0 : i32
      %dma_start3A_121 = arith.constant 0 : i32
      %dma_start3A_122 = arith.constant 0 : i32
      %dma_start3A_123 = tpu.memref_slice %arg3[%add3A, %dma_start3A_120, %dma_start3A_121, %dma_start3A_122] : memref<32x250x2x40xi32, #tpu.memory_space<hbm>> -> memref<1x2x2x40xi32, #tpu.memory_space<hbm>>
      %dma_start3A_124 = tpu.memref_squeeze %dma_start3A_123 : memref<1x2x2x40xi32, #tpu.memory_space<hbm>> -> memref<2x2x40xi32, #tpu.memory_space<hbm>>
      tpu.enqueue_dma source(%dma_start3A_124 : memref<2x2x40xi32, #tpu.memory_space<hbm>>) target(%dma_start3A_119 : memref<2x2x40xi32, #tpu.memory_space<vmem>>) target_semaphore(%run_scoped3A_104 : memref<!tpu.dma_semaphore, #tpu.memory_space<semaphore_mem>>)
      %dma_wait3A_125 = arith.constant 0 : i32
      %dma_wait3A_126 = arith.constant 0 : i32
      %dma_wait3A_127 = arith.constant 0 : i32
      %dma_wait3A_128 = tpu.memref_slice %arg6[%run_scoped3A, %dma_wait3A_125, %dma_wait3A_126, %dma_wait3A_127] : memref<2x2x2x40xi32, #tpu.memory_space<vmem>> -> memref<1x2x2x40xi32, #tpu.memory_space<vmem>>
      %dma_wait3A_129 = tpu.memref_squeeze %dma_wait3A_128 : memref<1x2x2x40xi32, #tpu.memory_space<vmem>> -> memref<2x2x40xi32, #tpu.memory_space<vmem>>
      %dma_wait3A_130 = arith.constant 0 : i32
      %dma_wait3A_131 = arith.constant 0 : i32
      %dma_wait3A_132 = arith.constant 0 : i32
      %dma_wait3A_133 = tpu.memref_slice %arg3[%add3A, %dma_wait3A_130, %dma_wait3A_131, %dma_wait3A_132] : memref<32x250x2x40xi32, #tpu.memory_space<hbm>> -> memref<1x2x2x40xi32, #tpu.memory_space<hbm>>
      %dma_wait3A_134 = tpu.memref_squeeze %dma_wait3A_133 : memref<1x2x2x40xi32, #tpu.memory_space<hbm>> -> memref<2x2x40xi32, #tpu.memory_space<hbm>>
      %dma_wait3A_135 = arith.constant 0 : i32
      %dma_wait3A_136 = arith.constant 0 : i32
      %dma_wait3A_137 = arith.constant 0 : i32
      %dma_wait3A_138 = tpu.memref_slice %arg6[%run_scoped3A, %dma_wait3A_135, %dma_wait3A_136, %dma_wait3A_137] : memref<2x2x2x40xi32, #tpu.memory_space<vmem>> -> memref<1x2x2x40xi32, #tpu.memory_space<vmem>>
      %dma_wait3A_139 = tpu.memref_squeeze %dma_wait3A_138 : memref<1x2x2x40xi32, #tpu.memory_space<vmem>> -> memref<2x2x40xi32, #tpu.memory_space<vmem>>
      %dma_wait3A_140 = arith.constant 0 : i32
      %dma_wait3A_141 = arith.constant 0 : i32
      %dma_wait3A_142 = arith.constant 0 : i32
      %dma_wait3A_143 = tpu.memref_slice %arg3[%add3A, %dma_wait3A_140, %dma_wait3A_141, %dma_wait3A_142] : memref<32x250x2x40xi32, #tpu.memory_space<hbm>> -> memref<1x2x2x40xi32, #tpu.memory_space<hbm>>
      %dma_wait3A_144 = tpu.memref_squeeze %dma_wait3A_143 : memref<1x2x2x40xi32, #tpu.memory_space<hbm>> -> memref<2x2x40xi32, #tpu.memory_space<hbm>>
      tpu.wait_dma2 semaphore(%run_scoped3A_104 : memref<!tpu.dma_semaphore, #tpu.memory_space<semaphore_mem>>) src(%dma_wait3A_144 : memref<2x2x40xi32, #tpu.memory_space<hbm>>) dst(%dma_wait3A_139 : memref<2x2x40xi32, #tpu.memory_space<vmem>>)
      tpu.yield
    }) : () -> ()
    %dma_start3A = arith.constant 1 : i32
    %dma_start3A_7 = arith.constant 0 : i32
    %dma_start3A_8 = arith.constant 0 : i32
    %dma_start3A_9 = arith.constant 0 : i32
    %dma_start3A_10 = tpu.memref_slice %arg6[%dma_start3A, %dma_start3A_7, %dma_start3A_8, %dma_start3A_9] : memref<2x2x2x40xi32, #tpu.memory_space<vmem>> -> memref<1x2x2x40xi32, #tpu.memory_space<vmem>>
    %dma_start3A_11 = tpu.memref_squeeze %dma_start3A_10 : memref<1x2x2x40xi32, #tpu.memory_space<vmem>> -> memref<2x2x40xi32, #tpu.memory_space<vmem>>
    %dma_start3A_12 = arith.constant 2 : i32
    %dma_start3A_13 = arith.constant 0 : i32
    %dma_start3A_14 = arith.constant 0 : i32
    %dma_start3A_15 = tpu.memref_slice %arg3[%add3A, %dma_start3A_12, %dma_start3A_13, %dma_start3A_14] : memref<32x250x2x40xi32, #tpu.memory_space<hbm>> -> memref<1x2x2x40xi32, #tpu.memory_space<hbm>>
    %dma_start3A_16 = tpu.memref_squeeze %dma_start3A_15 : memref<1x2x2x40xi32, #tpu.memory_space<hbm>> -> memref<2x2x40xi32, #tpu.memory_space<hbm>>
    %dma_start3A_17 = arith.constant 0 : i32
    %dma_start3A_18 = arith.constant 0 : i32
    %dma_start3A_19 = arith.constant 0 : i32
    %dma_start3A_20 = tpu.memref_slice %arg6[%dma_start3A, %dma_start3A_17, %dma_start3A_18, %dma_start3A_19] : memref<2x2x2x40xi32, #tpu.memory_space<vmem>> -> memref<1x2x2x40xi32, #tpu.memory_space<vmem>>
    %dma_start3A_21 = tpu.memref_squeeze %dma_start3A_20 : memref<1x2x2x40xi32, #tpu.memory_space<vmem>> -> memref<2x2x40xi32, #tpu.memory_space<vmem>>
    %dma_start3A_22 = arith.constant 2 : i32
    %dma_start3A_23 = arith.constant 0 : i32
    %dma_start3A_24 = arith.constant 0 : i32
    %dma_start3A_25 = tpu.memref_slice %arg3[%add3A, %dma_start3A_22, %dma_start3A_23, %dma_start3A_24] : memref<32x250x2x40xi32, #tpu.memory_space<hbm>> -> memref<1x2x2x40xi32, #tpu.memory_space<hbm>>
    %dma_start3A_26 = tpu.memref_squeeze %dma_start3A_25 : memref<1x2x2x40xi32, #tpu.memory_space<hbm>> -> memref<2x2x40xi32, #tpu.memory_space<hbm>>
    tpu.enqueue_dma source(%dma_start3A_26 : memref<2x2x40xi32, #tpu.memory_space<hbm>>) target(%dma_start3A_21 : memref<2x2x40xi32, #tpu.memory_space<vmem>>) target_semaphore(%arg12 : memref<!tpu.dma_semaphore, #tpu.memory_space<semaphore_mem>>)
    %dma_start3A_27 = arith.constant 0 : i32
    %dma_start3A_28 = arith.constant 0 : i32
    %dma_start3A_29 = arith.constant 0 : i32
    %dma_start3A_30 = arith.constant 0 : i32
    %dma_start3A_31 = arith.constant 0 : i32
    %dma_start3A_32 = arith.constant 0 : i32
    %dma_start3A_33 = tpu.memref_slice %arg7[%dma_start3A_30, %dma_start3A_31, %dma_start3A_32] : memref<2x40x128xf32, #tpu.memory_space<vmem>> -> memref<1x40x128xf32, #tpu.memory_space<vmem>>
    %dma_start3A_34 = tpu.memref_squeeze %dma_start3A_33 : memref<1x40x128xf32, #tpu.memory_space<vmem>> -> memref<40x128xf32, #tpu.memory_space<vmem>>
    %dma_start3A_35 = arith.constant 0 : i32
    %dma_start3A_36 = tpu.memref_slice %arg6[%dma_start3A_27, %dma_start3A_28, %dma_start3A_29, %dma_start3A_35] : memref<2x2x2x40xi32, #tpu.memory_space<vmem>> -> memref<1x1x1x40xi32, #tpu.memory_space<vmem>>
    %dma_start3A_37 = tpu.memref_squeeze %dma_start3A_36 : memref<1x1x1x40xi32, #tpu.memory_space<vmem>> -> memref<40xi32, #tpu.memory_space<vmem>>
    %dma_start3A_38 = arith.constant 0 : i32
    %dma_start3A_39 = arith.constant 0 : i32
    %dma_start3A_40 = tpu.memref_slice %arg2[%dma_start3A_38, %dma_start3A_39] : memref<10000x128xf32, #tpu.memory_space<hbm>> -> memref<10000x128xf32, #tpu.memory_space<hbm>>
    tpu.enqueue_indirect_dma source(%dma_start3A_40 : memref<10000x128xf32, #tpu.memory_space<hbm>>) target(%dma_start3A_34 : memref<40x128xf32, #tpu.memory_space<vmem>>) offsets(%dma_start3A_37 : memref<40xi32, #tpu.memory_space<vmem>>) semaphore(%arg9 : memref<!tpu.dma_semaphore, #tpu.memory_space<semaphore_mem>>)
    %scan3A = arith.constant 0 : i32
    %scan3A_41 = arith.constant 62 : i32
    %scan3A_42 = arith.addi %scan3A, %scan3A_41 : i32
    %scan3A_43 = arith.constant 1 : i32
    scf.for %scan3A_104 = %scan3A to %scan3A_42 step %scan3A_43  : i32 {
      %mul3A_105 = arith.constant 2 : i32
      %mul3A_106 = arith.muli %scan3A_104, %mul3A_105 : i32
      %add3A_107 = arith.constant 0 : i32
      %add3A_108 = arith.addi %add3A_107, %mul3A_106 : i32
      %dma_wait3A_109 = arith.constant 0 : i32
      %dma_wait3A_110 = arith.constant 0 : i32
      %dma_wait3A_111 = arith.constant 0 : i32
      %dma_wait3A_112 = arith.constant 0 : i32
      %dma_wait3A_113 = arith.constant 0 : i32
      %dma_wait3A_114 = arith.constant 0 : i32
      %dma_wait3A_115 = tpu.memref_slice %arg7[%dma_wait3A_112, %dma_wait3A_113, %dma_wait3A_114] : memref<2x40x128xf32, #tpu.memory_space<vmem>> -> memref<1x40x128xf32, #tpu.memory_space<vmem>>
      %dma_wait3A_116 = tpu.memref_squeeze %dma_wait3A_115 : memref<1x40x128xf32, #tpu.memory_space<vmem>> -> memref<40x128xf32, #tpu.memory_space<vmem>>
      %dma_wait3A_117 = arith.constant 0 : i32
      %dma_wait3A_118 = tpu.memref_slice %arg6[%dma_wait3A_109, %dma_wait3A_110, %dma_wait3A_111, %dma_wait3A_117] : memref<2x2x2x40xi32, #tpu.memory_space<vmem>> -> memref<1x1x1x40xi32, #tpu.memory_space<vmem>>
      %dma_wait3A_119 = tpu.memref_squeeze %dma_wait3A_118 : memref<1x1x1x40xi32, #tpu.memory_space<vmem>> -> memref<40xi32, #tpu.memory_space<vmem>>
      %dma_wait3A_120 = arith.constant 0 : i32
      %dma_wait3A_121 = arith.constant 0 : i32
      %dma_wait3A_122 = tpu.memref_slice %arg2[%dma_wait3A_120, %dma_wait3A_121] : memref<10000x128xf32, #tpu.memory_space<hbm>> -> memref<10000x128xf32, #tpu.memory_space<hbm>>
      tpu.wait_indirect_dma semaphore(%arg9 : memref<!tpu.dma_semaphore, #tpu.memory_space<semaphore_mem>>) src(%dma_wait3A_122 : memref<10000x128xf32, #tpu.memory_space<hbm>>) dst(%dma_wait3A_116 : memref<40x128xf32, #tpu.memory_space<vmem>>)
      %dma_start3A_123 = arith.constant 0 : i32
      %dma_start3A_124 = arith.constant 1 : i32
      %dma_start3A_125 = arith.constant 0 : i32
      %dma_start3A_126 = arith.constant 1 : i32
      %dma_start3A_127 = arith.constant 0 : i32
      %dma_start3A_128 = arith.constant 0 : i32
      %dma_start3A_129 = tpu.memref_slice %arg7[%dma_start3A_126, %dma_start3A_127, %dma_start3A_128] : memref<2x40x128xf32, #tpu.memory_space<vmem>> -> memref<1x40x128xf32, #tpu.memory_space<vmem>>
      %dma_start3A_130 = tpu.memref_squeeze %dma_start3A_129 : memref<1x40x128xf32, #tpu.memory_space<vmem>> -> memref<40x128xf32, #tpu.memory_space<vmem>>
      %dma_start3A_131 = arith.constant 0 : i32
      %dma_start3A_132 = tpu.memref_slice %arg6[%dma_start3A_123, %dma_start3A_124, %dma_start3A_125, %dma_start3A_131] : memref<2x2x2x40xi32, #tpu.memory_space<vmem>> -> memref<1x1x1x40xi32, #tpu.memory_space<vmem>>
      %dma_start3A_133 = tpu.memref_squeeze %dma_start3A_132 : memref<1x1x1x40xi32, #tpu.memory_space<vmem>> -> memref<40xi32, #tpu.memory_space<vmem>>
      %dma_start3A_134 = arith.constant 0 : i32
      %dma_start3A_135 = arith.constant 0 : i32
      %dma_start3A_136 = tpu.memref_slice %arg2[%dma_start3A_134, %dma_start3A_135] : memref<10000x128xf32, #tpu.memory_space<hbm>> -> memref<10000x128xf32, #tpu.memory_space<hbm>>
      tpu.enqueue_indirect_dma source(%dma_start3A_136 : memref<10000x128xf32, #tpu.memory_space<hbm>>) target(%dma_start3A_130 : memref<40x128xf32, #tpu.memory_space<vmem>>) offsets(%dma_start3A_133 : memref<40xi32, #tpu.memory_space<vmem>>) semaphore(%arg10 : memref<!tpu.dma_semaphore, #tpu.memory_space<semaphore_mem>>)
      %run_scoped3A_137 = arith.constant 0 : i32
      %run_scoped3A_138 = arith.constant 0 : i32
      %run_scoped3A_139 = arith.constant 0 : i32
      %run_scoped3A_140 = arith.constant 1 : i32
      "tpu.region"() ({
        %run_scoped3A_312 = tpu.sem_alloc : memref<!tpu.dma_semaphore, #tpu.memory_space<semaphore_mem>>
        %dma_start3A_313 = arith.constant 0 : i32
        %dma_start3A_314 = arith.constant 0 : i32
        %dma_start3A_315 = tpu.memref_slice %arg7[%run_scoped3A_137, %dma_start3A_313, %dma_start3A_314] : memref<2x40x128xf32, #tpu.memory_space<vmem>> -> memref<1x40x128xf32, #tpu.memory_space<vmem>>
        %dma_start3A_316 = tpu.memref_squeeze %dma_start3A_315 : memref<1x40x128xf32, #tpu.memory_space<vmem>> -> memref<40x128xf32, #tpu.memory_space<vmem>>
        %dma_start3A_317 = arith.constant 0 : i32
        %dma_start3A_318 = tpu.memref_slice %arg6[%run_scoped3A_138, %run_scoped3A_139, %run_scoped3A_140, %dma_start3A_317] : memref<2x2x2x40xi32, #tpu.memory_space<vmem>> -> memref<1x1x1x40xi32, #tpu.memory_space<vmem>>
        %dma_start3A_319 = tpu.memref_squeeze %dma_start3A_318 : memref<1x1x1x40xi32, #tpu.memory_space<vmem>> -> memref<40xi32, #tpu.memory_space<vmem>>
        %dma_start3A_320 = arith.constant 0 : i32
        %dma_start3A_321 = arith.constant 0 : i32
        %dma_start3A_322 = tpu.memref_slice %arg8[%dma_start3A_320, %dma_start3A_321] : memref<10008x128xf32, #tpu.memory_space<vmem_shared>> -> memref<10008x128xf32, #tpu.memory_space<vmem_shared>>
        tpu.enqueue_indirect_dma source(%dma_start3A_316 : memref<40x128xf32, #tpu.memory_space<vmem>>) target(%dma_start3A_322 : memref<10008x128xf32, #tpu.memory_space<vmem_shared>>) offsets(%dma_start3A_319 : memref<40xi32, #tpu.memory_space<vmem>>) semaphore(%run_scoped3A_312 : memref<!tpu.dma_semaphore, #tpu.memory_space<semaphore_mem>>) {add = true}
        %dma_wait3A_323 = arith.constant 0 : i32
        %dma_wait3A_324 = arith.constant 0 : i32
        %dma_wait3A_325 = tpu.memref_slice %arg7[%run_scoped3A_137, %dma_wait3A_323, %dma_wait3A_324] : memref<2x40x128xf32, #tpu.memory_space<vmem>> -> memref<1x40x128xf32, #tpu.memory_space<vmem>>
        %dma_wait3A_326 = tpu.memref_squeeze %dma_wait3A_325 : memref<1x40x128xf32, #tpu.memory_space<vmem>> -> memref<40x128xf32, #tpu.memory_space<vmem>>
        %dma_wait3A_327 = arith.constant 0 : i32
        %dma_wait3A_328 = tpu.memref_slice %arg6[%run_scoped3A_138, %run_scoped3A_139, %run_scoped3A_140, %dma_wait3A_327] : memref<2x2x2x40xi32, #tpu.memory_space<vmem>> -> memref<1x1x1x40xi32, #tpu.memory_space<vmem>>
        %dma_wait3A_329 = tpu.memref_squeeze %dma_wait3A_328 : memref<1x1x1x40xi32, #tpu.memory_space<vmem>> -> memref<40xi32, #tpu.memory_space<vmem>>
        %dma_wait3A_330 = arith.constant 0 : i32
        %dma_wait3A_331 = arith.constant 0 : i32
        %dma_wait3A_332 = tpu.memref_slice %arg8[%dma_wait3A_330, %dma_wait3A_331] : memref<10008x128xf32, #tpu.memory_space<vmem_shared>> -> memref<10008x128xf32, #tpu.memory_space<vmem_shared>>
        tpu.wait_indirect_dma semaphore(%run_scoped3A_312 : memref<!tpu.dma_semaphore, #tpu.memory_space<semaphore_mem>>) src(%dma_wait3A_326 : memref<40x128xf32, #tpu.memory_space<vmem>>) dst(%dma_wait3A_332 : memref<10008x128xf32, #tpu.memory_space<vmem_shared>>)
        tpu.yield
      }) : () -> ()
      %add3A_141 = arith.constant 1 : i32
      %add3A_142 = arith.addi %add3A_108, %add3A_141 : i32
      %mul3A_143 = arith.constant 2 : i32
      %mul3A_144 = arith.muli %mul3A_143, %add3A_142 : i32
      %dma_wait3A_145 = arith.constant 1 : i32
      %dma_wait3A_146 = arith.constant 0 : i32
      %dma_wait3A_147 = arith.constant 0 : i32
      %dma_wait3A_148 = arith.constant 0 : i32
      %dma_wait3A_149 = tpu.memref_slice %arg6[%dma_wait3A_145, %dma_wait3A_146, %dma_wait3A_147, %dma_wait3A_148] : memref<2x2x2x40xi32, #tpu.memory_space<vmem>> -> memref<1x2x2x40xi32, #tpu.memory_space<vmem>>
      %dma_wait3A_150 = tpu.memref_squeeze %dma_wait3A_149 : memref<1x2x2x40xi32, #tpu.memory_space<vmem>> -> memref<2x2x40xi32, #tpu.memory_space<vmem>>
      %dma_wait3A_151 = arith.constant 0 : i32
      %dma_wait3A_152 = arith.constant 0 : i32
      %dma_wait3A_153 = tpu.memref_slice %arg3[%add3A, %mul3A_144, %dma_wait3A_151, %dma_wait3A_152] : memref<32x250x2x40xi32, #tpu.memory_space<hbm>> -> memref<1x2x2x40xi32, #tpu.memory_space<hbm>>
      %dma_wait3A_154 = tpu.memref_squeeze %dma_wait3A_153 : memref<1x2x2x40xi32, #tpu.memory_space<hbm>> -> memref<2x2x40xi32, #tpu.memory_space<hbm>>
      %dma_wait3A_155 = arith.constant 0 : i32
      %dma_wait3A_156 = arith.constant 0 : i32
      %dma_wait3A_157 = arith.constant 0 : i32
      %dma_wait3A_158 = tpu.memref_slice %arg6[%dma_wait3A_145, %dma_wait3A_155, %dma_wait3A_156, %dma_wait3A_157] : memref<2x2x2x40xi32, #tpu.memory_space<vmem>> -> memref<1x2x2x40xi32, #tpu.memory_space<vmem>>
      %dma_wait3A_159 = tpu.memref_squeeze %dma_wait3A_158 : memref<1x2x2x40xi32, #tpu.memory_space<vmem>> -> memref<2x2x40xi32, #tpu.memory_space<vmem>>
      %dma_wait3A_160 = arith.constant 0 : i32
      %dma_wait3A_161 = arith.constant 0 : i32
      %dma_wait3A_162 = tpu.memref_slice %arg3[%add3A, %mul3A_144, %dma_wait3A_160, %dma_wait3A_161] : memref<32x250x2x40xi32, #tpu.memory_space<hbm>> -> memref<1x2x2x40xi32, #tpu.memory_space<hbm>>
      %dma_wait3A_163 = tpu.memref_squeeze %dma_wait3A_162 : memref<1x2x2x40xi32, #tpu.memory_space<hbm>> -> memref<2x2x40xi32, #tpu.memory_space<hbm>>
      tpu.wait_dma2 semaphore(%arg12 : memref<!tpu.dma_semaphore, #tpu.memory_space<semaphore_mem>>) src(%dma_wait3A_163 : memref<2x2x40xi32, #tpu.memory_space<hbm>>) dst(%dma_wait3A_159 : memref<2x2x40xi32, #tpu.memory_space<vmem>>)
      %dma_wait3A_164 = arith.constant 0 : i32
      %dma_wait3A_165 = arith.constant 1 : i32
      %dma_wait3A_166 = arith.constant 0 : i32
      %dma_wait3A_167 = arith.constant 1 : i32
      %dma_wait3A_168 = arith.constant 0 : i32
      %dma_wait3A_169 = arith.constant 0 : i32
      %dma_wait3A_170 = tpu.memref_slice %arg7[%dma_wait3A_167, %dma_wait3A_168, %dma_wait3A_169] : memref<2x40x128xf32, #tpu.memory_space<vmem>> -> memref<1x40x128xf32, #tpu.memory_space<vmem>>
      %dma_wait3A_171 = tpu.memref_squeeze %dma_wait3A_170 : memref<1x40x128xf32, #tpu.memory_space<vmem>> -> memref<40x128xf32, #tpu.memory_space<vmem>>
      %dma_wait3A_172 = arith.constant 0 : i32
      %dma_wait3A_173 = tpu.memref_slice %arg6[%dma_wait3A_164, %dma_wait3A_165, %dma_wait3A_166, %dma_wait3A_172] : memref<2x2x2x40xi32, #tpu.memory_space<vmem>> -> memref<1x1x1x40xi32, #tpu.memory_space<vmem>>
      %dma_wait3A_174 = tpu.memref_squeeze %dma_wait3A_173 : memref<1x1x1x40xi32, #tpu.memory_space<vmem>> -> memref<40xi32, #tpu.memory_space<vmem>>
      %dma_wait3A_175 = arith.constant 0 : i32
      %dma_wait3A_176 = arith.constant 0 : i32
      %dma_wait3A_177 = tpu.memref_slice %arg2[%dma_wait3A_175, %dma_wait3A_176] : memref<10000x128xf32, #tpu.memory_space<hbm>> -> memref<10000x128xf32, #tpu.memory_space<hbm>>
      tpu.wait_indirect_dma semaphore(%arg10 : memref<!tpu.dma_semaphore, #tpu.memory_space<semaphore_mem>>) src(%dma_wait3A_177 : memref<10000x128xf32, #tpu.memory_space<hbm>>) dst(%dma_wait3A_171 : memref<40x128xf32, #tpu.memory_space<vmem>>)
      %dma_start3A_178 = arith.constant 1 : i32
      %dma_start3A_179 = arith.constant 0 : i32
      %dma_start3A_180 = arith.constant 0 : i32
      %dma_start3A_181 = arith.constant 0 : i32
      %dma_start3A_182 = arith.constant 0 : i32
      %dma_start3A_183 = arith.constant 0 : i32
      %dma_start3A_184 = tpu.memref_slice %arg7[%dma_start3A_181, %dma_start3A_182, %dma_start3A_183] : memref<2x40x128xf32, #tpu.memory_space<vmem>> -> memref<1x40x128xf32, #tpu.memory_space<vmem>>
      %dma_start3A_185 = tpu.memref_squeeze %dma_start3A_184 : memref<1x40x128xf32, #tpu.memory_space<vmem>> -> memref<40x128xf32, #tpu.memory_space<vmem>>
      %dma_start3A_186 = arith.constant 0 : i32
      %dma_start3A_187 = tpu.memref_slice %arg6[%dma_start3A_178, %dma_start3A_179, %dma_start3A_180, %dma_start3A_186] : memref<2x2x2x40xi32, #tpu.memory_space<vmem>> -> memref<1x1x1x40xi32, #tpu.memory_space<vmem>>
      %dma_start3A_188 = tpu.memref_squeeze %dma_start3A_187 : memref<1x1x1x40xi32, #tpu.memory_space<vmem>> -> memref<40xi32, #tpu.memory_space<vmem>>
      %dma_start3A_189 = arith.constant 0 : i32
      %dma_start3A_190 = arith.constant 0 : i32
      %dma_start3A_191 = tpu.memref_slice %arg2[%dma_start3A_189, %dma_start3A_190] : memref<10000x128xf32, #tpu.memory_space<hbm>> -> memref<10000x128xf32, #tpu.memory_space<hbm>>
      tpu.enqueue_indirect_dma source(%dma_start3A_191 : memref<10000x128xf32, #tpu.memory_space<hbm>>) target(%dma_start3A_185 : memref<40x128xf32, #tpu.memory_space<vmem>>) offsets(%dma_start3A_188 : memref<40xi32, #tpu.memory_space<vmem>>) semaphore(%arg9 : memref<!tpu.dma_semaphore, #tpu.memory_space<semaphore_mem>>)
      %run_scoped3A_192 = arith.constant 1 : i32
      %run_scoped3A_193 = arith.constant 0 : i32
      %run_scoped3A_194 = arith.constant 1 : i32
      %run_scoped3A_195 = arith.constant 1 : i32
      "tpu.region"() ({
        %run_scoped3A_312 = tpu.sem_alloc : memref<!tpu.dma_semaphore, #tpu.memory_space<semaphore_mem>>
        %dma_start3A_313 = arith.constant 0 : i32
        %dma_start3A_314 = arith.constant 0 : i32
        %dma_start3A_315 = tpu.memref_slice %arg7[%run_scoped3A_192, %dma_start3A_313, %dma_start3A_314] : memref<2x40x128xf32, #tpu.memory_space<vmem>> -> memref<1x40x128xf32, #tpu.memory_space<vmem>>
        %dma_start3A_316 = tpu.memref_squeeze %dma_start3A_315 : memref<1x40x128xf32, #tpu.memory_space<vmem>> -> memref<40x128xf32, #tpu.memory_space<vmem>>
        %dma_start3A_317 = arith.constant 0 : i32
        %dma_start3A_318 = tpu.memref_slice %arg6[%run_scoped3A_193, %run_scoped3A_194, %run_scoped3A_195, %dma_start3A_317] : memref<2x2x2x40xi32, #tpu.memory_space<vmem>> -> memref<1x1x1x40xi32, #tpu.memory_space<vmem>>
        %dma_start3A_319 = tpu.memref_squeeze %dma_start3A_318 : memref<1x1x1x40xi32, #tpu.memory_space<vmem>> -> memref<40xi32, #tpu.memory_space<vmem>>
        %dma_start3A_320 = arith.constant 0 : i32
        %dma_start3A_321 = arith.constant 0 : i32
        %dma_start3A_322 = tpu.memref_slice %arg8[%dma_start3A_320, %dma_start3A_321] : memref<10008x128xf32, #tpu.memory_space<vmem_shared>> -> memref<10008x128xf32, #tpu.memory_space<vmem_shared>>
        tpu.enqueue_indirect_dma source(%dma_start3A_316 : memref<40x128xf32, #tpu.memory_space<vmem>>) target(%dma_start3A_322 : memref<10008x128xf32, #tpu.memory_space<vmem_shared>>) offsets(%dma_start3A_319 : memref<40xi32, #tpu.memory_space<vmem>>) semaphore(%run_scoped3A_312 : memref<!tpu.dma_semaphore, #tpu.memory_space<semaphore_mem>>) {add = true}
        %dma_wait3A_323 = arith.constant 0 : i32
        %dma_wait3A_324 = arith.constant 0 : i32
        %dma_wait3A_325 = tpu.memref_slice %arg7[%run_scoped3A_192, %dma_wait3A_323, %dma_wait3A_324] : memref<2x40x128xf32, #tpu.memory_space<vmem>> -> memref<1x40x128xf32, #tpu.memory_space<vmem>>
        %dma_wait3A_326 = tpu.memref_squeeze %dma_wait3A_325 : memref<1x40x128xf32, #tpu.memory_space<vmem>> -> memref<40x128xf32, #tpu.memory_space<vmem>>
        %dma_wait3A_327 = arith.constant 0 : i32
        %dma_wait3A_328 = tpu.memref_slice %arg6[%run_scoped3A_193, %run_scoped3A_194, %run_scoped3A_195, %dma_wait3A_327] : memref<2x2x2x40xi32, #tpu.memory_space<vmem>> -> memref<1x1x1x40xi32, #tpu.memory_space<vmem>>
        %dma_wait3A_329 = tpu.memref_squeeze %dma_wait3A_328 : memref<1x1x1x40xi32, #tpu.memory_space<vmem>> -> memref<40xi32, #tpu.memory_space<vmem>>
        %dma_wait3A_330 = arith.constant 0 : i32
        %dma_wait3A_331 = arith.constant 0 : i32
        %dma_wait3A_332 = tpu.memref_slice %arg8[%dma_wait3A_330, %dma_wait3A_331] : memref<10008x128xf32, #tpu.memory_space<vmem_shared>> -> memref<10008x128xf32, #tpu.memory_space<vmem_shared>>
        tpu.wait_indirect_dma semaphore(%run_scoped3A_312 : memref<!tpu.dma_semaphore, #tpu.memory_space<semaphore_mem>>) src(%dma_wait3A_326 : memref<40x128xf32, #tpu.memory_space<vmem>>) dst(%dma_wait3A_332 : memref<10008x128xf32, #tpu.memory_space<vmem_shared>>)
        tpu.yield
      }) : () -> ()
      %add3A_196 = arith.constant 2 : i32
      %add3A_197 = arith.addi %add3A_108, %add3A_196 : i32
      %mul3A_198 = arith.constant 2 : i32
      %mul3A_199 = arith.muli %mul3A_198, %add3A_197 : i32
      %dma_start3A_200 = arith.constant 0 : i32
      %dma_start3A_201 = arith.constant 0 : i32
      %dma_start3A_202 = arith.constant 0 : i32
      %dma_start3A_203 = arith.constant 0 : i32
      %dma_start3A_204 = tpu.memref_slice %arg6[%dma_start3A_200, %dma_start3A_201, %dma_start3A_202, %dma_start3A_203] : memref<2x2x2x40xi32, #tpu.memory_space<vmem>> -> memref<1x2x2x40xi32, #tpu.memory_space<vmem>>
      %dma_start3A_205 = tpu.memref_squeeze %dma_start3A_204 : memref<1x2x2x40xi32, #tpu.memory_space<vmem>> -> memref<2x2x40xi32, #tpu.memory_space<vmem>>
      %dma_start3A_206 = arith.constant 0 : i32
      %dma_start3A_207 = arith.constant 0 : i32
      %dma_start3A_208 = tpu.memref_slice %arg3[%add3A, %mul3A_199, %dma_start3A_206, %dma_start3A_207] : memref<32x250x2x40xi32, #tpu.memory_space<hbm>> -> memref<1x2x2x40xi32, #tpu.memory_space<hbm>>
      %dma_start3A_209 = tpu.memref_squeeze %dma_start3A_208 : memref<1x2x2x40xi32, #tpu.memory_space<hbm>> -> memref<2x2x40xi32, #tpu.memory_space<hbm>>
      %dma_start3A_210 = arith.constant 0 : i32
      %dma_start3A_211 = arith.constant 0 : i32
      %dma_start3A_212 = arith.constant 0 : i32
      %dma_start3A_213 = tpu.memref_slice %arg6[%dma_start3A_200, %dma_start3A_210, %dma_start3A_211, %dma_start3A_212] : memref<2x2x2x40xi32, #tpu.memory_space<vmem>> -> memref<1x2x2x40xi32, #tpu.memory_space<vmem>>
      %dma_start3A_214 = tpu.memref_squeeze %dma_start3A_213 : memref<1x2x2x40xi32, #tpu.memory_space<vmem>> -> memref<2x2x40xi32, #tpu.memory_space<vmem>>
      %dma_start3A_215 = arith.constant 0 : i32
      %dma_start3A_216 = arith.constant 0 : i32
      %dma_start3A_217 = tpu.memref_slice %arg3[%add3A, %mul3A_199, %dma_start3A_215, %dma_start3A_216] : memref<32x250x2x40xi32, #tpu.memory_space<hbm>> -> memref<1x2x2x40xi32, #tpu.memory_space<hbm>>
      %dma_start3A_218 = tpu.memref_squeeze %dma_start3A_217 : memref<1x2x2x40xi32, #tpu.memory_space<hbm>> -> memref<2x2x40xi32, #tpu.memory_space<hbm>>
      tpu.enqueue_dma source(%dma_start3A_218 : memref<2x2x40xi32, #tpu.memory_space<hbm>>) target(%dma_start3A_214 : memref<2x2x40xi32, #tpu.memory_space<vmem>>) target_semaphore(%arg11 : memref<!tpu.dma_semaphore, #tpu.memory_space<semaphore_mem>>)
      %dma_wait3A_219 = arith.constant 1 : i32
      %dma_wait3A_220 = arith.constant 0 : i32
      %dma_wait3A_221 = arith.constant 0 : i32
      %dma_wait3A_222 = arith.constant 0 : i32
      %dma_wait3A_223 = arith.constant 0 : i32
      %dma_wait3A_224 = arith.constant 0 : i32
      %dma_wait3A_225 = tpu.memref_slice %arg7[%dma_wait3A_222, %dma_wait3A_223, %dma_wait3A_224] : memref<2x40x128xf32, #tpu.memory_space<vmem>> -> memref<1x40x128xf32, #tpu.memory_space<vmem>>
      %dma_wait3A_226 = tpu.memref_squeeze %dma_wait3A_225 : memref<1x40x128xf32, #tpu.memory_space<vmem>> -> memref<40x128xf32, #tpu.memory_space<vmem>>
      %dma_wait3A_227 = arith.constant 0 : i32
      %dma_wait3A_228 = tpu.memref_slice %arg6[%dma_wait3A_219, %dma_wait3A_220, %dma_wait3A_221, %dma_wait3A_227] : memref<2x2x2x40xi32, #tpu.memory_space<vmem>> -> memref<1x1x1x40xi32, #tpu.memory_space<vmem>>
      %dma_wait3A_229 = tpu.memref_squeeze %dma_wait3A_228 : memref<1x1x1x40xi32, #tpu.memory_space<vmem>> -> memref<40xi32, #tpu.memory_space<vmem>>
      %dma_wait3A_230 = arith.constant 0 : i32
      %dma_wait3A_231 = arith.constant 0 : i32
      %dma_wait3A_232 = tpu.memref_slice %arg2[%dma_wait3A_230, %dma_wait3A_231] : memref<10000x128xf32, #tpu.memory_space<hbm>> -> memref<10000x128xf32, #tpu.memory_space<hbm>>
      tpu.wait_indirect_dma semaphore(%arg9 : memref<!tpu.dma_semaphore, #tpu.memory_space<semaphore_mem>>) src(%dma_wait3A_232 : memref<10000x128xf32, #tpu.memory_space<hbm>>) dst(%dma_wait3A_226 : memref<40x128xf32, #tpu.memory_space<vmem>>)
      %dma_start3A_233 = arith.constant 1 : i32
      %dma_start3A_234 = arith.constant 1 : i32
      %dma_start3A_235 = arith.constant 0 : i32
      %dma_start3A_236 = arith.constant 1 : i32
      %dma_start3A_237 = arith.constant 0 : i32
      %dma_start3A_238 = arith.constant 0 : i32
      %dma_start3A_239 = tpu.memref_slice %arg7[%dma_start3A_236, %dma_start3A_237, %dma_start3A_238] : memref<2x40x128xf32, #tpu.memory_space<vmem>> -> memref<1x40x128xf32, #tpu.memory_space<vmem>>
      %dma_start3A_240 = tpu.memref_squeeze %dma_start3A_239 : memref<1x40x128xf32, #tpu.memory_space<vmem>> -> memref<40x128xf32, #tpu.memory_space<vmem>>
      %dma_start3A_241 = arith.constant 0 : i32
      %dma_start3A_242 = tpu.memref_slice %arg6[%dma_start3A_233, %dma_start3A_234, %dma_start3A_235, %dma_start3A_241] : memref<2x2x2x40xi32, #tpu.memory_space<vmem>> -> memref<1x1x1x40xi32, #tpu.memory_space<vmem>>
      %dma_start3A_243 = tpu.memref_squeeze %dma_start3A_242 : memref<1x1x1x40xi32, #tpu.memory_space<vmem>> -> memref<40xi32, #tpu.memory_space<vmem>>
      %dma_start3A_244 = arith.constant 0 : i32
      %dma_start3A_245 = arith.constant 0 : i32
      %dma_start3A_246 = tpu.memref_slice %arg2[%dma_start3A_244, %dma_start3A_245] : memref<10000x128xf32, #tpu.memory_space<hbm>> -> memref<10000x128xf32, #tpu.memory_space<hbm>>
      tpu.enqueue_indirect_dma source(%dma_start3A_246 : memref<10000x128xf32, #tpu.memory_space<hbm>>) target(%dma_start3A_240 : memref<40x128xf32, #tpu.memory_space<vmem>>) offsets(%dma_start3A_243 : memref<40xi32, #tpu.memory_space<vmem>>) semaphore(%arg10 : memref<!tpu.dma_semaphore, #tpu.memory_space<semaphore_mem>>)
      %run_scoped3A_247 = arith.constant 0 : i32
      %run_scoped3A_248 = arith.constant 1 : i32
      %run_scoped3A_249 = arith.constant 0 : i32
      %run_scoped3A_250 = arith.constant 1 : i32
      "tpu.region"() ({
        %run_scoped3A_312 = tpu.sem_alloc : memref<!tpu.dma_semaphore, #tpu.memory_space<semaphore_mem>>
        %dma_start3A_313 = arith.constant 0 : i32
        %dma_start3A_314 = arith.constant 0 : i32
        %dma_start3A_315 = tpu.memref_slice %arg7[%run_scoped3A_247, %dma_start3A_313, %dma_start3A_314] : memref<2x40x128xf32, #tpu.memory_space<vmem>> -> memref<1x40x128xf32, #tpu.memory_space<vmem>>
        %dma_start3A_316 = tpu.memref_squeeze %dma_start3A_315 : memref<1x40x128xf32, #tpu.memory_space<vmem>> -> memref<40x128xf32, #tpu.memory_space<vmem>>
        %dma_start3A_317 = arith.constant 0 : i32
        %dma_start3A_318 = tpu.memref_slice %arg6[%run_scoped3A_248, %run_scoped3A_249, %run_scoped3A_250, %dma_start3A_317] : memref<2x2x2x40xi32, #tpu.memory_space<vmem>> -> memref<1x1x1x40xi32, #tpu.memory_space<vmem>>
        %dma_start3A_319 = tpu.memref_squeeze %dma_start3A_318 : memref<1x1x1x40xi32, #tpu.memory_space<vmem>> -> memref<40xi32, #tpu.memory_space<vmem>>
        %dma_start3A_320 = arith.constant 0 : i32
        %dma_start3A_321 = arith.constant 0 : i32
        %dma_start3A_322 = tpu.memref_slice %arg8[%dma_start3A_320, %dma_start3A_321] : memref<10008x128xf32, #tpu.memory_space<vmem_shared>> -> memref<10008x128xf32, #tpu.memory_space<vmem_shared>>
        tpu.enqueue_indirect_dma source(%dma_start3A_316 : memref<40x128xf32, #tpu.memory_space<vmem>>) target(%dma_start3A_322 : memref<10008x128xf32, #tpu.memory_space<vmem_shared>>) offsets(%dma_start3A_319 : memref<40xi32, #tpu.memory_space<vmem>>) semaphore(%run_scoped3A_312 : memref<!tpu.dma_semaphore, #tpu.memory_space<semaphore_mem>>) {add = true}
        %dma_wait3A_323 = arith.constant 0 : i32
        %dma_wait3A_324 = arith.constant 0 : i32
        %dma_wait3A_325 = tpu.memref_slice %arg7[%run_scoped3A_247, %dma_wait3A_323, %dma_wait3A_324] : memref<2x40x128xf32, #tpu.memory_space<vmem>> -> memref<1x40x128xf32, #tpu.memory_space<vmem>>
        %dma_wait3A_326 = tpu.memref_squeeze %dma_wait3A_325 : memref<1x40x128xf32, #tpu.memory_space<vmem>> -> memref<40x128xf32, #tpu.memory_space<vmem>>
        %dma_wait3A_327 = arith.constant 0 : i32
        %dma_wait3A_328 = tpu.memref_slice %arg6[%run_scoped3A_248, %run_scoped3A_249, %run_scoped3A_250, %dma_wait3A_327] : memref<2x2x2x40xi32, #tpu.memory_space<vmem>> -> memref<1x1x1x40xi32, #tpu.memory_space<vmem>>
        %dma_wait3A_329 = tpu.memref_squeeze %dma_wait3A_328 : memref<1x1x1x40xi32, #tpu.memory_space<vmem>> -> memref<40xi32, #tpu.memory_space<vmem>>
        %dma_wait3A_330 = arith.constant 0 : i32
        %dma_wait3A_331 = arith.constant 0 : i32
        %dma_wait3A_332 = tpu.memref_slice %arg8[%dma_wait3A_330, %dma_wait3A_331] : memref<10008x128xf32, #tpu.memory_space<vmem_shared>> -> memref<10008x128xf32, #tpu.memory_space<vmem_shared>>
        tpu.wait_indirect_dma semaphore(%run_scoped3A_312 : memref<!tpu.dma_semaphore, #tpu.memory_space<semaphore_mem>>) src(%dma_wait3A_326 : memref<40x128xf32, #tpu.memory_space<vmem>>) dst(%dma_wait3A_332 : memref<10008x128xf32, #tpu.memory_space<vmem_shared>>)
        tpu.yield
      }) : () -> ()
      %add3A_251 = arith.constant 2 : i32
      %add3A_252 = arith.addi %add3A_108, %add3A_251 : i32
      %mul3A_253 = arith.constant 2 : i32
      %mul3A_254 = arith.muli %mul3A_253, %add3A_252 : i32
      %dma_wait3A_255 = arith.constant 0 : i32
      %dma_wait3A_256 = arith.constant 0 : i32
      %dma_wait3A_257 = arith.constant 0 : i32
      %dma_wait3A_258 = arith.constant 0 : i32
      %dma_wait3A_259 = tpu.memref_slice %arg6[%dma_wait3A_255, %dma_wait3A_256, %dma_wait3A_257, %dma_wait3A_258] : memref<2x2x2x40xi32, #tpu.memory_space<vmem>> -> memref<1x2x2x40xi32, #tpu.memory_space<vmem>>
      %dma_wait3A_260 = tpu.memref_squeeze %dma_wait3A_259 : memref<1x2x2x40xi32, #tpu.memory_space<vmem>> -> memref<2x2x40xi32, #tpu.memory_space<vmem>>
      %dma_wait3A_261 = arith.constant 0 : i32
      %dma_wait3A_262 = arith.constant 0 : i32
      %dma_wait3A_263 = tpu.memref_slice %arg3[%add3A, %mul3A_254, %dma_wait3A_261, %dma_wait3A_262] : memref<32x250x2x40xi32, #tpu.memory_space<hbm>> -> memref<1x2x2x40xi32, #tpu.memory_space<hbm>>
      %dma_wait3A_264 = tpu.memref_squeeze %dma_wait3A_263 : memref<1x2x2x40xi32, #tpu.memory_space<hbm>> -> memref<2x2x40xi32, #tpu.memory_space<hbm>>
      %dma_wait3A_265 = arith.constant 0 : i32
      %dma_wait3A_266 = arith.constant 0 : i32
      %dma_wait3A_267 = arith.constant 0 : i32
      %dma_wait3A_268 = tpu.memref_slice %arg6[%dma_wait3A_255, %dma_wait3A_265, %dma_wait3A_266, %dma_wait3A_267] : memref<2x2x2x40xi32, #tpu.memory_space<vmem>> -> memref<1x2x2x40xi32, #tpu.memory_space<vmem>>
      %dma_wait3A_269 = tpu.memref_squeeze %dma_wait3A_268 : memref<1x2x2x40xi32, #tpu.memory_space<vmem>> -> memref<2x2x40xi32, #tpu.memory_space<vmem>>
      %dma_wait3A_270 = arith.constant 0 : i32
      %dma_wait3A_271 = arith.constant 0 : i32
      %dma_wait3A_272 = tpu.memref_slice %arg3[%add3A, %mul3A_254, %dma_wait3A_270, %dma_wait3A_271] : memref<32x250x2x40xi32, #tpu.memory_space<hbm>> -> memref<1x2x2x40xi32, #tpu.memory_space<hbm>>
      %dma_wait3A_273 = tpu.memref_squeeze %dma_wait3A_272 : memref<1x2x2x40xi32, #tpu.memory_space<hbm>> -> memref<2x2x40xi32, #tpu.memory_space<hbm>>
      tpu.wait_dma2 semaphore(%arg11 : memref<!tpu.dma_semaphore, #tpu.memory_space<semaphore_mem>>) src(%dma_wait3A_273 : memref<2x2x40xi32, #tpu.memory_space<hbm>>) dst(%dma_wait3A_269 : memref<2x2x40xi32, #tpu.memory_space<vmem>>)
      %dma_wait3A_274 = arith.constant 1 : i32
      %dma_wait3A_275 = arith.constant 1 : i32
      %dma_wait3A_276 = arith.constant 0 : i32
      %dma_wait3A_277 = arith.constant 1 : i32
      %dma_wait3A_278 = arith.constant 0 : i32
      %dma_wait3A_279 = arith.constant 0 : i32
      %dma_wait3A_280 = tpu.memref_slice %arg7[%dma_wait3A_277, %dma_wait3A_278, %dma_wait3A_279] : memref<2x40x128xf32, #tpu.memory_space<vmem>> -> memref<1x40x128xf32, #tpu.memory_space<vmem>>
      %dma_wait3A_281 = tpu.memref_squeeze %dma_wait3A_280 : memref<1x40x128xf32, #tpu.memory_space<vmem>> -> memref<40x128xf32, #tpu.memory_space<vmem>>
      %dma_wait3A_282 = arith.constant 0 : i32
      %dma_wait3A_283 = tpu.memref_slice %arg6[%dma_wait3A_274, %dma_wait3A_275, %dma_wait3A_276, %dma_wait3A_282] : memref<2x2x2x40xi32, #tpu.memory_space<vmem>> -> memref<1x1x1x40xi32, #tpu.memory_space<vmem>>
      %dma_wait3A_284 = tpu.memref_squeeze %dma_wait3A_283 : memref<1x1x1x40xi32, #tpu.memory_space<vmem>> -> memref<40xi32, #tpu.memory_space<vmem>>
      %dma_wait3A_285 = arith.constant 0 : i32
      %dma_wait3A_286 = arith.constant 0 : i32
      %dma_wait3A_287 = tpu.memref_slice %arg2[%dma_wait3A_285, %dma_wait3A_286] : memref<10000x128xf32, #tpu.memory_space<hbm>> -> memref<10000x128xf32, #tpu.memory_space<hbm>>
      tpu.wait_indirect_dma semaphore(%arg10 : memref<!tpu.dma_semaphore, #tpu.memory_space<semaphore_mem>>) src(%dma_wait3A_287 : memref<10000x128xf32, #tpu.memory_space<hbm>>) dst(%dma_wait3A_281 : memref<40x128xf32, #tpu.memory_space<vmem>>)
      %dma_start3A_288 = arith.constant 0 : i32
      %dma_start3A_289 = arith.constant 0 : i32
      %dma_start3A_290 = arith.constant 0 : i32
      %dma_start3A_291 = arith.constant 0 : i32
      %dma_start3A_292 = arith.constant 0 : i32
      %dma_start3A_293 = arith.constant 0 : i32
      %dma_start3A_294 = tpu.memref_slice %arg7[%dma_start3A_291, %dma_start3A_292, %dma_start3A_293] : memref<2x40x128xf32, #tpu.memory_space<vmem>> -> memref<1x40x128xf32, #tpu.memory_space<vmem>>
      %dma_start3A_295 = tpu.memref_squeeze %dma_start3A_294 : memref<1x40x128xf32, #tpu.memory_space<vmem>> -> memref<40x128xf32, #tpu.memory_space<vmem>>
      %dma_start3A_296 = arith.constant 0 : i32
      %dma_start3A_297 = tpu.memref_slice %arg6[%dma_start3A_288, %dma_start3A_289, %dma_start3A_290, %dma_start3A_296] : memref<2x2x2x40xi32, #tpu.memory_space<vmem>> -> memref<1x1x1x40xi32, #tpu.memory_space<vmem>>
      %dma_start3A_298 = tpu.memref_squeeze %dma_start3A_297 : memref<1x1x1x40xi32, #tpu.memory_space<vmem>> -> memref<40xi32, #tpu.memory_space<vmem>>
      %dma_start3A_299 = arith.constant 0 : i32
      %dma_start3A_300 = arith.constant 0 : i32
      %dma_start3A_301 = tpu.memref_slice %arg2[%dma_start3A_299, %dma_start3A_300] : memref<10000x128xf32, #tpu.memory_space<hbm>> -> memref<10000x128xf32, #tpu.memory_space<hbm>>
      tpu.enqueue_indirect_dma source(%dma_start3A_301 : memref<10000x128xf32, #tpu.memory_space<hbm>>) target(%dma_start3A_295 : memref<40x128xf32, #tpu.memory_space<vmem>>) offsets(%dma_start3A_298 : memref<40xi32, #tpu.memory_space<vmem>>) semaphore(%arg9 : memref<!tpu.dma_semaphore, #tpu.memory_space<semaphore_mem>>)
      %run_scoped3A_302 = arith.constant 1 : i32
      %run_scoped3A_303 = arith.constant 1 : i32
      %run_scoped3A_304 = arith.constant 1 : i32
      %run_scoped3A_305 = arith.constant 1 : i32
      "tpu.region"() ({
        %run_scoped3A_312 = tpu.sem_alloc : memref<!tpu.dma_semaphore, #tpu.memory_space<semaphore_mem>>
        %dma_start3A_313 = arith.constant 0 : i32
        %dma_start3A_314 = arith.constant 0 : i32
        %dma_start3A_315 = tpu.memref_slice %arg7[%run_scoped3A_302, %dma_start3A_313, %dma_start3A_314] : memref<2x40x128xf32, #tpu.memory_space<vmem>> -> memref<1x40x128xf32, #tpu.memory_space<vmem>>
        %dma_start3A_316 = tpu.memref_squeeze %dma_start3A_315 : memref<1x40x128xf32, #tpu.memory_space<vmem>> -> memref<40x128xf32, #tpu.memory_space<vmem>>
        %dma_start3A_317 = arith.constant 0 : i32
        %dma_start3A_318 = tpu.memref_slice %arg6[%run_scoped3A_303, %run_scoped3A_304, %run_scoped3A_305, %dma_start3A_317] : memref<2x2x2x40xi32, #tpu.memory_space<vmem>> -> memref<1x1x1x40xi32, #tpu.memory_space<vmem>>
        %dma_start3A_319 = tpu.memref_squeeze %dma_start3A_318 : memref<1x1x1x40xi32, #tpu.memory_space<vmem>> -> memref<40xi32, #tpu.memory_space<vmem>>
        %dma_start3A_320 = arith.constant 0 : i32
        %dma_start3A_321 = arith.constant 0 : i32
        %dma_start3A_322 = tpu.memref_slice %arg8[%dma_start3A_320, %dma_start3A_321] : memref<10008x128xf32, #tpu.memory_space<vmem_shared>> -> memref<10008x128xf32, #tpu.memory_space<vmem_shared>>
        tpu.enqueue_indirect_dma source(%dma_start3A_316 : memref<40x128xf32, #tpu.memory_space<vmem>>) target(%dma_start3A_322 : memref<10008x128xf32, #tpu.memory_space<vmem_shared>>) offsets(%dma_start3A_319 : memref<40xi32, #tpu.memory_space<vmem>>) semaphore(%run_scoped3A_312 : memref<!tpu.dma_semaphore, #tpu.memory_space<semaphore_mem>>) {add = true}
        %dma_wait3A_323 = arith.constant 0 : i32
        %dma_wait3A_324 = arith.constant 0 : i32
        %dma_wait3A_325 = tpu.memref_slice %arg7[%run_scoped3A_302, %dma_wait3A_323, %dma_wait3A_324] : memref<2x40x128xf32, #tpu.memory_space<vmem>> -> memref<1x40x128xf32, #tpu.memory_space<vmem>>
        %dma_wait3A_326 = tpu.memref_squeeze %dma_wait3A_325 : memref<1x40x128xf32, #tpu.memory_space<vmem>> -> memref<40x128xf32, #tpu.memory_space<vmem>>
        %dma_wait3A_327 = arith.constant 0 : i32
        %dma_wait3A_328 = tpu.memref_slice %arg6[%run_scoped3A_303, %run_scoped3A_304, %run_scoped3A_305, %dma_wait3A_327] : memref<2x2x2x40xi32, #tpu.memory_space<vmem>> -> memref<1x1x1x40xi32, #tpu.memory_space<vmem>>
        %dma_wait3A_329 = tpu.memref_squeeze %dma_wait3A_328 : memref<1x1x1x40xi32, #tpu.memory_space<vmem>> -> memref<40xi32, #tpu.memory_space<vmem>>
        %dma_wait3A_330 = arith.constant 0 : i32
        %dma_wait3A_331 = arith.constant 0 : i32
        %dma_wait3A_332 = tpu.memref_slice %arg8[%dma_wait3A_330, %dma_wait3A_331] : memref<10008x128xf32, #tpu.memory_space<vmem_shared>> -> memref<10008x128xf32, #tpu.memory_space<vmem_shared>>
        tpu.wait_indirect_dma semaphore(%run_scoped3A_312 : memref<!tpu.dma_semaphore, #tpu.memory_space<semaphore_mem>>) src(%dma_wait3A_326 : memref<40x128xf32, #tpu.memory_space<vmem>>) dst(%dma_wait3A_332 : memref<10008x128xf32, #tpu.memory_space<vmem_shared>>)
        tpu.yield
      }) : () -> ()
      %add3A_306 = arith.constant 3 : i32
      %add3A_307 = arith.addi %add3A_108, %add3A_306 : i32
      %lt3A = arith.constant 125 : i32
      %lt3A_308 = arith.cmpi slt, %add3A_307, %lt3A : i32
      %convert_element_type3A_309 = arith.extui %lt3A_308 : i1 to i32
      %cond3A_310 = arith.constant 0 : i32
      %cond3A_311 = arith.cmpi ne, %convert_element_type3A_309, %cond3A_310 : i32
      scf.if %cond3A_311 {
        %add3A_312 = arith.constant 3 : i32
        %add3A_313 = arith.addi %add3A_108, %add3A_312 : i32
        %mul3A_314 = arith.constant 2 : i32
        %mul3A_315 = arith.muli %mul3A_314, %add3A_313 : i32
        %dma_start3A_316 = arith.constant 1 : i32
        %dma_start3A_317 = arith.constant 0 : i32
        %dma_start3A_318 = arith.constant 0 : i32
        %dma_start3A_319 = arith.constant 0 : i32
        %dma_start3A_320 = tpu.memref_slice %arg6[%dma_start3A_316, %dma_start3A_317, %dma_start3A_318, %dma_start3A_319] : memref<2x2x2x40xi32, #tpu.memory_space<vmem>> -> memref<1x2x2x40xi32, #tpu.memory_space<vmem>>
        %dma_start3A_321 = tpu.memref_squeeze %dma_start3A_320 : memref<1x2x2x40xi32, #tpu.memory_space<vmem>> -> memref<2x2x40xi32, #tpu.memory_space<vmem>>
        %dma_start3A_322 = arith.constant 0 : i32
        %dma_start3A_323 = arith.constant 0 : i32
        %dma_start3A_324 = tpu.memref_slice %arg3[%add3A, %mul3A_315, %dma_start3A_322, %dma_start3A_323] : memref<32x250x2x40xi32, #tpu.memory_space<hbm>> -> memref<1x2x2x40xi32, #tpu.memory_space<hbm>>
        %dma_start3A_325 = tpu.memref_squeeze %dma_start3A_324 : memref<1x2x2x40xi32, #tpu.memory_space<hbm>> -> memref<2x2x40xi32, #tpu.memory_space<hbm>>
        %dma_start3A_326 = arith.constant 0 : i32
        %dma_start3A_327 = arith.constant 0 : i32
        %dma_start3A_328 = arith.constant 0 : i32
        %dma_start3A_329 = tpu.memref_slice %arg6[%dma_start3A_316, %dma_start3A_326, %dma_start3A_327, %dma_start3A_328] : memref<2x2x2x40xi32, #tpu.memory_space<vmem>> -> memref<1x2x2x40xi32, #tpu.memory_space<vmem>>
        %dma_start3A_330 = tpu.memref_squeeze %dma_start3A_329 : memref<1x2x2x40xi32, #tpu.memory_space<vmem>> -> memref<2x2x40xi32, #tpu.memory_space<vmem>>
        %dma_start3A_331 = arith.constant 0 : i32
        %dma_start3A_332 = arith.constant 0 : i32
        %dma_start3A_333 = tpu.memref_slice %arg3[%add3A, %mul3A_315, %dma_start3A_331, %dma_start3A_332] : memref<32x250x2x40xi32, #tpu.memory_space<hbm>> -> memref<1x2x2x40xi32, #tpu.memory_space<hbm>>
        %dma_start3A_334 = tpu.memref_squeeze %dma_start3A_333 : memref<1x2x2x40xi32, #tpu.memory_space<hbm>> -> memref<2x2x40xi32, #tpu.memory_space<hbm>>
        tpu.enqueue_dma source(%dma_start3A_334 : memref<2x2x40xi32, #tpu.memory_space<hbm>>) target(%dma_start3A_330 : memref<2x2x40xi32, #tpu.memory_space<vmem>>) target_semaphore(%arg12 : memref<!tpu.dma_semaphore, #tpu.memory_space<semaphore_mem>>)
      } else {
      }
    }
    %scan3A_44 = arith.constant 62 : i32
    %dma_wait3A = arith.constant 0 : i32
    %dma_wait3A_45 = arith.constant 0 : i32
    %dma_wait3A_46 = arith.constant 0 : i32
    %dma_wait3A_47 = arith.constant 0 : i32
    %dma_wait3A_48 = arith.constant 0 : i32
    %dma_wait3A_49 = arith.constant 0 : i32
    %dma_wait3A_50 = tpu.memref_slice %arg7[%dma_wait3A_47, %dma_wait3A_48, %dma_wait3A_49] : memref<2x40x128xf32, #tpu.memory_space<vmem>> -> memref<1x40x128xf32, #tpu.memory_space<vmem>>
    %dma_wait3A_51 = tpu.memref_squeeze %dma_wait3A_50 : memref<1x40x128xf32, #tpu.memory_space<vmem>> -> memref<40x128xf32, #tpu.memory_space<vmem>>
    %dma_wait3A_52 = arith.constant 0 : i32
    %dma_wait3A_53 = tpu.memref_slice %arg6[%dma_wait3A, %dma_wait3A_45, %dma_wait3A_46, %dma_wait3A_52] : memref<2x2x2x40xi32, #tpu.memory_space<vmem>> -> memref<1x1x1x40xi32, #tpu.memory_space<vmem>>
    %dma_wait3A_54 = tpu.memref_squeeze %dma_wait3A_53 : memref<1x1x1x40xi32, #tpu.memory_space<vmem>> -> memref<40xi32, #tpu.memory_space<vmem>>
    %dma_wait3A_55 = arith.constant 0 : i32
    %dma_wait3A_56 = arith.constant 0 : i32
    %dma_wait3A_57 = tpu.memref_slice %arg2[%dma_wait3A_55, %dma_wait3A_56] : memref<10000x128xf32, #tpu.memory_space<hbm>> -> memref<10000x128xf32, #tpu.memory_space<hbm>>
    tpu.wait_indirect_dma semaphore(%arg9 : memref<!tpu.dma_semaphore, #tpu.memory_space<semaphore_mem>>) src(%dma_wait3A_57 : memref<10000x128xf32, #tpu.memory_space<hbm>>) dst(%dma_wait3A_51 : memref<40x128xf32, #tpu.memory_space<vmem>>)
    %dma_start3A_58 = arith.constant 0 : i32
    %dma_start3A_59 = arith.constant 1 : i32
    %dma_start3A_60 = arith.constant 0 : i32
    %dma_start3A_61 = arith.constant 1 : i32
    %dma_start3A_62 = arith.constant 0 : i32
    %dma_start3A_63 = arith.constant 0 : i32
    %dma_start3A_64 = tpu.memref_slice %arg7[%dma_start3A_61, %dma_start3A_62, %dma_start3A_63] : memref<2x40x128xf32, #tpu.memory_space<vmem>> -> memref<1x40x128xf32, #tpu.memory_space<vmem>>
    %dma_start3A_65 = tpu.memref_squeeze %dma_start3A_64 : memref<1x40x128xf32, #tpu.memory_space<vmem>> -> memref<40x128xf32, #tpu.memory_space<vmem>>
    %dma_start3A_66 = arith.constant 0 : i32
    %dma_start3A_67 = tpu.memref_slice %arg6[%dma_start3A_58, %dma_start3A_59, %dma_start3A_60, %dma_start3A_66] : memref<2x2x2x40xi32, #tpu.memory_space<vmem>> -> memref<1x1x1x40xi32, #tpu.memory_space<vmem>>
    %dma_start3A_68 = tpu.memref_squeeze %dma_start3A_67 : memref<1x1x1x40xi32, #tpu.memory_space<vmem>> -> memref<40xi32, #tpu.memory_space<vmem>>
    %dma_start3A_69 = arith.constant 0 : i32
    %dma_start3A_70 = arith.constant 0 : i32
    %dma_start3A_71 = tpu.memref_slice %arg2[%dma_start3A_69, %dma_start3A_70] : memref<10000x128xf32, #tpu.memory_space<hbm>> -> memref<10000x128xf32, #tpu.memory_space<hbm>>
    tpu.enqueue_indirect_dma source(%dma_start3A_71 : memref<10000x128xf32, #tpu.memory_space<hbm>>) target(%dma_start3A_65 : memref<40x128xf32, #tpu.memory_space<vmem>>) offsets(%dma_start3A_68 : memref<40xi32, #tpu.memory_space<vmem>>) semaphore(%arg10 : memref<!tpu.dma_semaphore, #tpu.memory_space<semaphore_mem>>)
    %run_scoped3A_72 = arith.constant 0 : i32
    %run_scoped3A_73 = arith.constant 0 : i32
    %run_scoped3A_74 = arith.constant 0 : i32
    %run_scoped3A_75 = arith.constant 1 : i32
    "tpu.region"() ({
      %run_scoped3A_104 = tpu.sem_alloc : memref<!tpu.dma_semaphore, #tpu.memory_space<semaphore_mem>>
      %dma_start3A_105 = arith.constant 0 : i32
      %dma_start3A_106 = arith.constant 0 : i32
      %dma_start3A_107 = tpu.memref_slice %arg7[%run_scoped3A_72, %dma_start3A_105, %dma_start3A_106] : memref<2x40x128xf32, #tpu.memory_space<vmem>> -> memref<1x40x128xf32, #tpu.memory_space<vmem>>
      %dma_start3A_108 = tpu.memref_squeeze %dma_start3A_107 : memref<1x40x128xf32, #tpu.memory_space<vmem>> -> memref<40x128xf32, #tpu.memory_space<vmem>>
      %dma_start3A_109 = arith.constant 0 : i32
      %dma_start3A_110 = tpu.memref_slice %arg6[%run_scoped3A_73, %run_scoped3A_74, %run_scoped3A_75, %dma_start3A_109] : memref<2x2x2x40xi32, #tpu.memory_space<vmem>> -> memref<1x1x1x40xi32, #tpu.memory_space<vmem>>
      %dma_start3A_111 = tpu.memref_squeeze %dma_start3A_110 : memref<1x1x1x40xi32, #tpu.memory_space<vmem>> -> memref<40xi32, #tpu.memory_space<vmem>>
      %dma_start3A_112 = arith.constant 0 : i32
      %dma_start3A_113 = arith.constant 0 : i32
      %dma_start3A_114 = tpu.memref_slice %arg8[%dma_start3A_112, %dma_start3A_113] : memref<10008x128xf32, #tpu.memory_space<vmem_shared>> -> memref<10008x128xf32, #tpu.memory_space<vmem_shared>>
      tpu.enqueue_indirect_dma source(%dma_start3A_108 : memref<40x128xf32, #tpu.memory_space<vmem>>) target(%dma_start3A_114 : memref<10008x128xf32, #tpu.memory_space<vmem_shared>>) offsets(%dma_start3A_111 : memref<40xi32, #tpu.memory_space<vmem>>) semaphore(%run_scoped3A_104 : memref<!tpu.dma_semaphore, #tpu.memory_space<semaphore_mem>>) {add = true}
      %dma_wait3A_115 = arith.constant 0 : i32
      %dma_wait3A_116 = arith.constant 0 : i32
      %dma_wait3A_117 = tpu.memref_slice %arg7[%run_scoped3A_72, %dma_wait3A_115, %dma_wait3A_116] : memref<2x40x128xf32, #tpu.memory_space<vmem>> -> memref<1x40x128xf32, #tpu.memory_space<vmem>>
      %dma_wait3A_118 = tpu.memref_squeeze %dma_wait3A_117 : memref<1x40x128xf32, #tpu.memory_space<vmem>> -> memref<40x128xf32, #tpu.memory_space<vmem>>
      %dma_wait3A_119 = arith.constant 0 : i32
      %dma_wait3A_120 = tpu.memref_slice %arg6[%run_scoped3A_73, %run_scoped3A_74, %run_scoped3A_75, %dma_wait3A_119] : memref<2x2x2x40xi32, #tpu.memory_space<vmem>> -> memref<1x1x1x40xi32, #tpu.memory_space<vmem>>
      %dma_wait3A_121 = tpu.memref_squeeze %dma_wait3A_120 : memref<1x1x1x40xi32, #tpu.memory_space<vmem>> -> memref<40xi32, #tpu.memory_space<vmem>>
      %dma_wait3A_122 = arith.constant 0 : i32
      %dma_wait3A_123 = arith.constant 0 : i32
      %dma_wait3A_124 = tpu.memref_slice %arg8[%dma_wait3A_122, %dma_wait3A_123] : memref<10008x128xf32, #tpu.memory_space<vmem_shared>> -> memref<10008x128xf32, #tpu.memory_space<vmem_shared>>
      tpu.wait_indirect_dma semaphore(%run_scoped3A_104 : memref<!tpu.dma_semaphore, #tpu.memory_space<semaphore_mem>>) src(%dma_wait3A_118 : memref<40x128xf32, #tpu.memory_space<vmem>>) dst(%dma_wait3A_124 : memref<10008x128xf32, #tpu.memory_space<vmem_shared>>)
      tpu.yield
    }) : () -> ()
    %dma_wait3A_76 = arith.constant 0 : i32
    %dma_wait3A_77 = arith.constant 1 : i32
    %dma_wait3A_78 = arith.constant 0 : i32
    %dma_wait3A_79 = arith.constant 1 : i32
    %dma_wait3A_80 = arith.constant 0 : i32
    %dma_wait3A_81 = arith.constant 0 : i32
    %dma_wait3A_82 = tpu.memref_slice %arg7[%dma_wait3A_79, %dma_wait3A_80, %dma_wait3A_81] : memref<2x40x128xf32, #tpu.memory_space<vmem>> -> memref<1x40x128xf32, #tpu.memory_space<vmem>>
    %dma_wait3A_83 = tpu.memref_squeeze %dma_wait3A_82 : memref<1x40x128xf32, #tpu.memory_space<vmem>> -> memref<40x128xf32, #tpu.memory_space<vmem>>
    %dma_wait3A_84 = arith.constant 0 : i32
    %dma_wait3A_85 = tpu.memref_slice %arg6[%dma_wait3A_76, %dma_wait3A_77, %dma_wait3A_78, %dma_wait3A_84] : memref<2x2x2x40xi32, #tpu.memory_space<vmem>> -> memref<1x1x1x40xi32, #tpu.memory_space<vmem>>
    %dma_wait3A_86 = tpu.memref_squeeze %dma_wait3A_85 : memref<1x1x1x40xi32, #tpu.memory_space<vmem>> -> memref<40xi32, #tpu.memory_space<vmem>>
    %dma_wait3A_87 = arith.constant 0 : i32
    %dma_wait3A_88 = arith.constant 0 : i32
    %dma_wait3A_89 = tpu.memref_slice %arg2[%dma_wait3A_87, %dma_wait3A_88] : memref<10000x128xf32, #tpu.memory_space<hbm>> -> memref<10000x128xf32, #tpu.memory_space<hbm>>
    tpu.wait_indirect_dma semaphore(%arg10 : memref<!tpu.dma_semaphore, #tpu.memory_space<semaphore_mem>>) src(%dma_wait3A_89 : memref<10000x128xf32, #tpu.memory_space<hbm>>) dst(%dma_wait3A_83 : memref<40x128xf32, #tpu.memory_space<vmem>>)
    %run_scoped3A_90 = arith.constant 1 : i32
    %run_scoped3A_91 = arith.constant 0 : i32
    %run_scoped3A_92 = arith.constant 1 : i32
    %run_scoped3A_93 = arith.constant 1 : i32
    "tpu.region"() ({
      %run_scoped3A_104 = tpu.sem_alloc : memref<!tpu.dma_semaphore, #tpu.memory_space<semaphore_mem>>
      %dma_start3A_105 = arith.constant 0 : i32
      %dma_start3A_106 = arith.constant 0 : i32
      %dma_start3A_107 = tpu.memref_slice %arg7[%run_scoped3A_90, %dma_start3A_105, %dma_start3A_106] : memref<2x40x128xf32, #tpu.memory_space<vmem>> -> memref<1x40x128xf32, #tpu.memory_space<vmem>>
      %dma_start3A_108 = tpu.memref_squeeze %dma_start3A_107 : memref<1x40x128xf32, #tpu.memory_space<vmem>> -> memref<40x128xf32, #tpu.memory_space<vmem>>
      %dma_start3A_109 = arith.constant 0 : i32
      %dma_start3A_110 = tpu.memref_slice %arg6[%run_scoped3A_91, %run_scoped3A_92, %run_scoped3A_93, %dma_start3A_109] : memref<2x2x2x40xi32, #tpu.memory_space<vmem>> -> memref<1x1x1x40xi32, #tpu.memory_space<vmem>>
      %dma_start3A_111 = tpu.memref_squeeze %dma_start3A_110 : memref<1x1x1x40xi32, #tpu.memory_space<vmem>> -> memref<40xi32, #tpu.memory_space<vmem>>
      %dma_start3A_112 = arith.constant 0 : i32
      %dma_start3A_113 = arith.constant 0 : i32
      %dma_start3A_114 = tpu.memref_slice %arg8[%dma_start3A_112, %dma_start3A_113] : memref<10008x128xf32, #tpu.memory_space<vmem_shared>> -> memref<10008x128xf32, #tpu.memory_space<vmem_shared>>
      tpu.enqueue_indirect_dma source(%dma_start3A_108 : memref<40x128xf32, #tpu.memory_space<vmem>>) target(%dma_start3A_114 : memref<10008x128xf32, #tpu.memory_space<vmem_shared>>) offsets(%dma_start3A_111 : memref<40xi32, #tpu.memory_space<vmem>>) semaphore(%run_scoped3A_104 : memref<!tpu.dma_semaphore, #tpu.memory_space<semaphore_mem>>) {add = true}
      %dma_wait3A_115 = arith.constant 0 : i32
      %dma_wait3A_116 = arith.constant 0 : i32
      %dma_wait3A_117 = tpu.memref_slice %arg7[%run_scoped3A_90, %dma_wait3A_115, %dma_wait3A_116] : memref<2x40x128xf32, #tpu.memory_space<vmem>> -> memref<1x40x128xf32, #tpu.memory_space<vmem>>
      %dma_wait3A_118 = tpu.memref_squeeze %dma_wait3A_117 : memref<1x40x128xf32, #tpu.memory_space<vmem>> -> memref<40x128xf32, #tpu.memory_space<vmem>>
      %dma_wait3A_119 = arith.constant 0 : i32
      %dma_wait3A_120 = tpu.memref_slice %arg6[%run_scoped3A_91, %run_scoped3A_92, %run_scoped3A_93, %dma_wait3A_119] : memref<2x2x2x40xi32, #tpu.memory_space<vmem>> -> memref<1x1x1x40xi32, #tpu.memory_space<vmem>>
      %dma_wait3A_121 = tpu.memref_squeeze %dma_wait3A_120 : memref<1x1x1x40xi32, #tpu.memory_space<vmem>> -> memref<40xi32, #tpu.memory_space<vmem>>
      %dma_wait3A_122 = arith.constant 0 : i32
      %dma_wait3A_123 = arith.constant 0 : i32
      %dma_wait3A_124 = tpu.memref_slice %arg8[%dma_wait3A_122, %dma_wait3A_123] : memref<10008x128xf32, #tpu.memory_space<vmem_shared>> -> memref<10008x128xf32, #tpu.memory_space<vmem_shared>>
      tpu.wait_indirect_dma semaphore(%run_scoped3A_104 : memref<!tpu.dma_semaphore, #tpu.memory_space<semaphore_mem>>) src(%dma_wait3A_118 : memref<40x128xf32, #tpu.memory_space<vmem>>) dst(%dma_wait3A_124 : memref<10008x128xf32, #tpu.memory_space<vmem_shared>>)
      tpu.yield
    }) : () -> ()
    %barrier3A_94 = arith.constant 0 : index
    tpu.barrier barrier_id(%barrier3A_94)
    %mul3A_95 = arith.constant 624 : i32
    %mul3A_96 = arith.muli %arg1, %mul3A_95 : i32
    %mul3A_97 = arith.constant 624 : i32
    %mul3A_98 = arith.muli %arg1, %mul3A_97 : i32
    "tpu.region"() ({
      %run_scoped3A_104 = tpu.sem_alloc : memref<!tpu.dma_semaphore, #tpu.memory_space<semaphore_mem>>
      %dma_start3A_105 = arith.constant 0 : i32
      %dma_start3A_106 = tpu.memref_slice %arg5[%arg0, %mul3A_98, %dma_start3A_105] : memref<2x10000x128xf32, #tpu.memory_space<hbm>> -> memref<1x624x128xf32, #tpu.memory_space<hbm>>
      %dma_start3A_107 = tpu.memref_squeeze %dma_start3A_106 : memref<1x624x128xf32, #tpu.memory_space<hbm>> -> memref<624x128xf32, #tpu.memory_space<hbm>>
      %dma_start3A_108 = arith.constant 0 : i32
      %dma_start3A_109 = tpu.memref_slice %arg8[%mul3A_96, %dma_start3A_108] : memref<10008x128xf32, #tpu.memory_space<vmem_shared>> -> memref<624x128xf32, #tpu.memory_space<vmem_shared>>
      tpu.enqueue_dma source(%dma_start3A_109 : memref<624x128xf32, #tpu.memory_space<vmem_shared>>) target(%dma_start3A_107 : memref<624x128xf32, #tpu.memory_space<hbm>>) target_semaphore(%run_scoped3A_104 : memref<!tpu.dma_semaphore, #tpu.memory_space<semaphore_mem>>)
      %dma_wait3A_110 = arith.constant 0 : i32
      %dma_wait3A_111 = tpu.memref_slice %arg5[%arg0, %mul3A_98, %dma_wait3A_110] : memref<2x10000x128xf32, #tpu.memory_space<hbm>> -> memref<1x624x128xf32, #tpu.memory_space<hbm>>
      %dma_wait3A_112 = tpu.memref_squeeze %dma_wait3A_111 : memref<1x624x128xf32, #tpu.memory_space<hbm>> -> memref<624x128xf32, #tpu.memory_space<hbm>>
      %dma_wait3A_113 = arith.constant 0 : i32
      %dma_wait3A_114 = tpu.memref_slice %arg8[%mul3A_96, %dma_wait3A_113] : memref<10008x128xf32, #tpu.memory_space<vmem_shared>> -> memref<624x128xf32, #tpu.memory_space<vmem_shared>>
      tpu.wait_dma2 semaphore(%run_scoped3A_104 : memref<!tpu.dma_semaphore, #tpu.memory_space<semaphore_mem>>) src(%dma_wait3A_114 : memref<624x128xf32, #tpu.memory_space<vmem_shared>>) dst(%dma_wait3A_112 : memref<624x128xf32, #tpu.memory_space<hbm>>)
      tpu.yield
    }) : () -> ()
    %eq3A_99 = arith.constant 15 : i32
    %eq3A_100 = arith.cmpi eq, %arg1, %eq3A_99 : i32
    %convert_element_type3A_101 = arith.extui %eq3A_100 : i1 to i32
    %cond3A_102 = arith.constant 0 : i32
    %cond3A_103 = arith.cmpi ne, %convert_element_type3A_101, %cond3A_102 : i32
    scf.if %cond3A_103 {
      "tpu.region"() ({
        %run_scoped3A_104 = tpu.sem_alloc : memref<!tpu.dma_semaphore, #tpu.memory_space<semaphore_mem>>
        %dma_start3A_105 = arith.constant 9984 : i32
        %dma_start3A_106 = arith.constant 0 : i32
        %dma_start3A_107 = tpu.memref_slice %arg5[%arg0, %dma_start3A_105, %dma_start3A_106] : memref<2x10000x128xf32, #tpu.memory_space<hbm>> -> memref<1x16x128xf32, #tpu.memory_space<hbm>>
        %dma_start3A_108 = tpu.memref_squeeze %dma_start3A_107 : memref<1x16x128xf32, #tpu.memory_space<hbm>> -> memref<16x128xf32, #tpu.memory_space<hbm>>
        %dma_start3A_109 = arith.constant 9984 : i32
        %dma_start3A_110 = arith.constant 0 : i32
        %dma_start3A_111 = tpu.memref_slice %arg8[%dma_start3A_109, %dma_start3A_110] : memref<10008x128xf32, #tpu.memory_space<vmem_shared>> -> memref<16x128xf32, #tpu.memory_space<vmem_shared>>
        tpu.enqueue_dma source(%dma_start3A_111 : memref<16x128xf32, #tpu.memory_space<vmem_shared>>) target(%dma_start3A_108 : memref<16x128xf32, #tpu.memory_space<hbm>>) target_semaphore(%run_scoped3A_104 : memref<!tpu.dma_semaphore, #tpu.memory_space<semaphore_mem>>)
        %dma_wait3A_112 = arith.constant 9984 : i32
        %dma_wait3A_113 = arith.constant 0 : i32
        %dma_wait3A_114 = tpu.memref_slice %arg5[%arg0, %dma_wait3A_112, %dma_wait3A_113] : memref<2x10000x128xf32, #tpu.memory_space<hbm>> -> memref<1x16x128xf32, #tpu.memory_space<hbm>>
        %dma_wait3A_115 = tpu.memref_squeeze %dma_wait3A_114 : memref<1x16x128xf32, #tpu.memory_space<hbm>> -> memref<16x128xf32, #tpu.memory_space<hbm>>
        %dma_wait3A_116 = arith.constant 9984 : i32
        %dma_wait3A_117 = arith.constant 0 : i32
        %dma_wait3A_118 = tpu.memref_slice %arg8[%dma_wait3A_116, %dma_wait3A_117] : memref<10008x128xf32, #tpu.memory_space<vmem_shared>> -> memref<16x128xf32, #tpu.memory_space<vmem_shared>>
        tpu.wait_dma2 semaphore(%run_scoped3A_104 : memref<!tpu.dma_semaphore, #tpu.memory_space<semaphore_mem>>) src(%dma_wait3A_118 : memref<16x128xf32, #tpu.memory_space<vmem_shared>>) dst(%dma_wait3A_115 : memref<16x128xf32, #tpu.memory_space<hbm>>)
        tpu.yield
      }) : () -> ()
    } else {
    }
    return
  }
}

#map = affine_map<(d0, d1) -> (0, 0, 0)>
#map1 = affine_map<(d0, d1) -> (0, 0)>
module attributes {stable_mosaic.version = 14 : i64} {
  func.func @deg_kernel(%arg0: i32, %arg1: i32, %arg2: memref<32x79x128xi32, #tpu.memory_space<hbm>>, %arg3: memref<128x128xf32, #tpu.memory_space<hbm>>, %arg4: memref<10000x128xf32, #tpu.memory_space<hbm>>, %arg5: memref<2x10000x128xf32, #tpu.memory_space<hbm>>, %arg6: memref<79x128xi32, #tpu.memory_space<vmem>>, %arg7: memref<128x128xf32, #tpu.memory_space<vmem>>, %arg8: memref<10008x128xf32, #tpu.memory_space<vmem_shared>>, %arg9: memref<!tpu.dma_semaphore, #tpu.memory_space<semaphore_mem>>) attributes {dimension_semantics = [#tpu.dimension_semantics<core_parallel>, #tpu.dimension_semantics<subcore_parallel>], iteration_bounds = array<i64: 2, 16>, scalar_prefetch = 0 : i64, scratch_operands = 4 : i64, tpu.core_type = #tpu.core_type<sc_vector_subcore>, window_params = [{transform_indices = #map}, {transform_indices = #map1}, {transform_indices = #map1}, {transform_indices = #map}]} {
    %mul3A = arith.constant 16 : i32
    %mul3A_0 = arith.muli %arg0, %mul3A : i32
    %add3A = arith.addi %mul3A_0, %arg1 : i32
    %mul3A_1 = arith.constant 624 : i32
    %mul3A_2 = arith.muli %arg1, %mul3A_1 : i32
    %mul3A_3 = arith.constant 624 : i32
    %mul3A_4 = arith.muli %arg1, %mul3A_3 : i32
    "tpu.region"() ({
      %run_scoped3A = tpu.sem_alloc : memref<!tpu.dma_semaphore, #tpu.memory_space<semaphore_mem>>
      %dma_start3A = arith.constant 0 : i32
      %dma_start3A_26 = tpu.memref_slice %arg8[%mul3A_4, %dma_start3A] : memref<10008x128xf32, #tpu.memory_space<vmem_shared>> -> memref<624x128xf32, #tpu.memory_space<vmem_shared>>
      %dma_start3A_27 = arith.constant 0 : i32
      %dma_start3A_28 = tpu.memref_slice %arg4[%mul3A_2, %dma_start3A_27] : memref<10000x128xf32, #tpu.memory_space<hbm>> -> memref<624x128xf32, #tpu.memory_space<hbm>>
      tpu.enqueue_dma source(%dma_start3A_28 : memref<624x128xf32, #tpu.memory_space<hbm>>) target(%dma_start3A_26 : memref<624x128xf32, #tpu.memory_space<vmem_shared>>) target_semaphore(%run_scoped3A : memref<!tpu.dma_semaphore, #tpu.memory_space<semaphore_mem>>)
      %dma_wait3A = arith.constant 0 : i32
      %dma_wait3A_29 = tpu.memref_slice %arg8[%mul3A_4, %dma_wait3A] : memref<10008x128xf32, #tpu.memory_space<vmem_shared>> -> memref<624x128xf32, #tpu.memory_space<vmem_shared>>
      %dma_wait3A_30 = arith.constant 0 : i32
      %dma_wait3A_31 = tpu.memref_slice %arg4[%mul3A_2, %dma_wait3A_30] : memref<10000x128xf32, #tpu.memory_space<hbm>> -> memref<624x128xf32, #tpu.memory_space<hbm>>
      tpu.wait_dma2 semaphore(%run_scoped3A : memref<!tpu.dma_semaphore, #tpu.memory_space<semaphore_mem>>) src(%dma_wait3A_31 : memref<624x128xf32, #tpu.memory_space<hbm>>) dst(%dma_wait3A_29 : memref<624x128xf32, #tpu.memory_space<vmem_shared>>)
      tpu.yield
    }) : () -> ()
    %eq3A = arith.constant 15 : i32
    %eq3A_5 = arith.cmpi eq, %arg1, %eq3A : i32
    %convert_element_type3A = arith.extui %eq3A_5 : i1 to i32
    %cond3A = arith.constant 0 : i32
    %cond3A_6 = arith.cmpi ne, %convert_element_type3A, %cond3A : i32
    scf.if %cond3A_6 {
      "tpu.region"() ({
        %run_scoped3A = tpu.sem_alloc : memref<!tpu.dma_semaphore, #tpu.memory_space<semaphore_mem>>
        %dma_start3A = arith.constant 9984 : i32
        %dma_start3A_26 = arith.constant 0 : i32
        %dma_start3A_27 = tpu.memref_slice %arg8[%dma_start3A, %dma_start3A_26] : memref<10008x128xf32, #tpu.memory_space<vmem_shared>> -> memref<16x128xf32, #tpu.memory_space<vmem_shared>>
        %dma_start3A_28 = arith.constant 9984 : i32
        %dma_start3A_29 = arith.constant 0 : i32
        %dma_start3A_30 = tpu.memref_slice %arg4[%dma_start3A_28, %dma_start3A_29] : memref<10000x128xf32, #tpu.memory_space<hbm>> -> memref<16x128xf32, #tpu.memory_space<hbm>>
        tpu.enqueue_dma source(%dma_start3A_30 : memref<16x128xf32, #tpu.memory_space<hbm>>) target(%dma_start3A_27 : memref<16x128xf32, #tpu.memory_space<vmem_shared>>) target_semaphore(%run_scoped3A : memref<!tpu.dma_semaphore, #tpu.memory_space<semaphore_mem>>)
        %dma_wait3A = arith.constant 9984 : i32
        %dma_wait3A_31 = arith.constant 0 : i32
        %dma_wait3A_32 = tpu.memref_slice %arg8[%dma_wait3A, %dma_wait3A_31] : memref<10008x128xf32, #tpu.memory_space<vmem_shared>> -> memref<16x128xf32, #tpu.memory_space<vmem_shared>>
        %dma_wait3A_33 = arith.constant 9984 : i32
        %dma_wait3A_34 = arith.constant 0 : i32
        %dma_wait3A_35 = tpu.memref_slice %arg4[%dma_wait3A_33, %dma_wait3A_34] : memref<10000x128xf32, #tpu.memory_space<hbm>> -> memref<16x128xf32, #tpu.memory_space<hbm>>
        tpu.wait_dma2 semaphore(%run_scoped3A : memref<!tpu.dma_semaphore, #tpu.memory_space<semaphore_mem>>) src(%dma_wait3A_35 : memref<16x128xf32, #tpu.memory_space<hbm>>) dst(%dma_wait3A_32 : memref<16x128xf32, #tpu.memory_space<vmem_shared>>)
        tpu.yield
      }) : () -> ()
    } else {
    }
    "tpu.region"() ({
      %run_scoped3A = tpu.sem_alloc : memref<!tpu.dma_semaphore, #tpu.memory_space<semaphore_mem>>
      tpu.enqueue_dma source(%arg3 : memref<128x128xf32, #tpu.memory_space<hbm>>) target(%arg7 : memref<128x128xf32, #tpu.memory_space<vmem>>) target_semaphore(%run_scoped3A : memref<!tpu.dma_semaphore, #tpu.memory_space<semaphore_mem>>)
      tpu.wait_dma2 semaphore(%run_scoped3A : memref<!tpu.dma_semaphore, #tpu.memory_space<semaphore_mem>>) src(%arg3 : memref<128x128xf32, #tpu.memory_space<hbm>>) dst(%arg7 : memref<128x128xf32, #tpu.memory_space<vmem>>)
      tpu.yield
    }) : () -> ()
    "tpu.region"() ({
      %run_scoped3A = tpu.sem_alloc : memref<!tpu.dma_semaphore, #tpu.memory_space<semaphore_mem>>
      %dma_start3A = arith.constant 0 : i32
      %dma_start3A_26 = arith.constant 0 : i32
      %dma_start3A_27 = tpu.memref_slice %arg2[%add3A, %dma_start3A, %dma_start3A_26] : memref<32x79x128xi32, #tpu.memory_space<hbm>> -> memref<1x79x128xi32, #tpu.memory_space<hbm>>
      %dma_start3A_28 = tpu.memref_squeeze %dma_start3A_27 : memref<1x79x128xi32, #tpu.memory_space<hbm>> -> memref<79x128xi32, #tpu.memory_space<hbm>>
      %dma_start3A_29 = arith.constant 0 : i32
      %dma_start3A_30 = arith.constant 0 : i32
      %dma_start3A_31 = tpu.memref_slice %arg2[%add3A, %dma_start3A_29, %dma_start3A_30] : memref<32x79x128xi32, #tpu.memory_space<hbm>> -> memref<1x79x128xi32, #tpu.memory_space<hbm>>
      %dma_start3A_32 = tpu.memref_squeeze %dma_start3A_31 : memref<1x79x128xi32, #tpu.memory_space<hbm>> -> memref<79x128xi32, #tpu.memory_space<hbm>>
      tpu.enqueue_dma source(%dma_start3A_32 : memref<79x128xi32, #tpu.memory_space<hbm>>) target(%arg6 : memref<79x128xi32, #tpu.memory_space<vmem>>) target_semaphore(%run_scoped3A : memref<!tpu.dma_semaphore, #tpu.memory_space<semaphore_mem>>)
      %dma_wait3A = arith.constant 0 : i32
      %dma_wait3A_33 = arith.constant 0 : i32
      %dma_wait3A_34 = tpu.memref_slice %arg2[%add3A, %dma_wait3A, %dma_wait3A_33] : memref<32x79x128xi32, #tpu.memory_space<hbm>> -> memref<1x79x128xi32, #tpu.memory_space<hbm>>
      %dma_wait3A_35 = tpu.memref_squeeze %dma_wait3A_34 : memref<1x79x128xi32, #tpu.memory_space<hbm>> -> memref<79x128xi32, #tpu.memory_space<hbm>>
      %dma_wait3A_36 = arith.constant 0 : i32
      %dma_wait3A_37 = arith.constant 0 : i32
      %dma_wait3A_38 = tpu.memref_slice %arg2[%add3A, %dma_wait3A_36, %dma_wait3A_37] : memref<32x79x128xi32, #tpu.memory_space<hbm>> -> memref<1x79x128xi32, #tpu.memory_space<hbm>>
      %dma_wait3A_39 = tpu.memref_squeeze %dma_wait3A_38 : memref<1x79x128xi32, #tpu.memory_space<hbm>> -> memref<79x128xi32, #tpu.memory_space<hbm>>
      tpu.wait_dma2 semaphore(%run_scoped3A : memref<!tpu.dma_semaphore, #tpu.memory_space<semaphore_mem>>) src(%dma_wait3A_39 : memref<79x128xi32, #tpu.memory_space<hbm>>) dst(%arg6 : memref<79x128xi32, #tpu.memory_space<vmem>>)
      tpu.yield
    }) : () -> ()
    %barrier3A = arith.constant 0 : index
    tpu.barrier barrier_id(%barrier3A)
    %scan3A = arith.constant 0 : i32
    %scan3A_7 = arith.constant 79 : i32
    %scan3A_8 = arith.addi %scan3A, %scan3A_7 : i32
    %scan3A_9 = arith.constant 1 : i32
    scf.for %scan3A_26 = %scan3A to %scan3A_8 step %scan3A_9  : i32 {
      %mul3A_27 = arith.constant 1 : i32
      %mul3A_28 = arith.muli %scan3A_26, %mul3A_27 : i32
      %add3A_29 = arith.constant 0 : i32
      %add3A_30 = arith.addi %add3A_29, %mul3A_28 : i32
      %dma_start3A = arith.constant 0 : i32
      %dma_start3A_31 = tpu.memref_slice %arg6[%add3A_30, %dma_start3A] : memref<79x128xi32, #tpu.memory_space<vmem>> -> memref<1x128xi32, #tpu.memory_space<vmem>>
      %dma_start3A_32 = tpu.memref_squeeze %dma_start3A_31 : memref<1x128xi32, #tpu.memory_space<vmem>> -> memref<128xi32, #tpu.memory_space<vmem>>
      %dma_start3A_33 = arith.constant 0 : i32
      %dma_start3A_34 = arith.constant 0 : i32
      %dma_start3A_35 = tpu.memref_slice %arg8[%dma_start3A_33, %dma_start3A_34] : memref<10008x128xf32, #tpu.memory_space<vmem_shared>> -> memref<10008x128xf32, #tpu.memory_space<vmem_shared>>
      tpu.enqueue_indirect_dma source(%arg7 : memref<128x128xf32, #tpu.memory_space<vmem>>) target(%dma_start3A_35 : memref<10008x128xf32, #tpu.memory_space<vmem_shared>>) offsets(%dma_start3A_32 : memref<128xi32, #tpu.memory_space<vmem>>) semaphore(%arg9 : memref<!tpu.dma_semaphore, #tpu.memory_space<semaphore_mem>>) {add = true}
    }
    %scan3A_10 = arith.constant 79 : i32
    %scan3A_11 = arith.constant 0 : i32
    %scan3A_12 = arith.constant 79 : i32
    %scan3A_13 = arith.addi %scan3A_11, %scan3A_12 : i32
    %scan3A_14 = arith.constant 1 : i32
    scf.for %scan3A_26 = %scan3A_11 to %scan3A_13 step %scan3A_14  : i32 {
      %mul3A_27 = arith.constant 1 : i32
      %mul3A_28 = arith.muli %scan3A_26, %mul3A_27 : i32
      %add3A_29 = arith.constant 0 : i32
      %add3A_30 = arith.addi %add3A_29, %mul3A_28 : i32
      %dma_wait3A = arith.constant 0 : i32
      %dma_wait3A_31 = tpu.memref_slice %arg6[%add3A_30, %dma_wait3A] : memref<79x128xi32, #tpu.memory_space<vmem>> -> memref<1x128xi32, #tpu.memory_space<vmem>>
      %dma_wait3A_32 = tpu.memref_squeeze %dma_wait3A_31 : memref<1x128xi32, #tpu.memory_space<vmem>> -> memref<128xi32, #tpu.memory_space<vmem>>
      %dma_wait3A_33 = arith.constant 0 : i32
      %dma_wait3A_34 = arith.constant 0 : i32
      %dma_wait3A_35 = tpu.memref_slice %arg8[%dma_wait3A_33, %dma_wait3A_34] : memref<10008x128xf32, #tpu.memory_space<vmem_shared>> -> memref<10008x128xf32, #tpu.memory_space<vmem_shared>>
      tpu.wait_indirect_dma semaphore(%arg9 : memref<!tpu.dma_semaphore, #tpu.memory_space<semaphore_mem>>) src(%arg7 : memref<128x128xf32, #tpu.memory_space<vmem>>) dst(%dma_wait3A_35 : memref<10008x128xf32, #tpu.memory_space<vmem_shared>>)
    }
    %scan3A_15 = arith.constant 79 : i32
    %barrier3A_16 = arith.constant 0 : index
    tpu.barrier barrier_id(%barrier3A_16)
    %mul3A_17 = arith.constant 624 : i32
    %mul3A_18 = arith.muli %arg1, %mul3A_17 : i32
    %mul3A_19 = arith.constant 624 : i32
    %mul3A_20 = arith.muli %arg1, %mul3A_19 : i32
    "tpu.region"() ({
      %run_scoped3A = tpu.sem_alloc : memref<!tpu.dma_semaphore, #tpu.memory_space<semaphore_mem>>
      %dma_start3A = arith.constant 0 : i32
      %dma_start3A_26 = tpu.memref_slice %arg5[%arg0, %mul3A_20, %dma_start3A] : memref<2x10000x128xf32, #tpu.memory_space<hbm>> -> memref<1x624x128xf32, #tpu.memory_space<hbm>>
      %dma_start3A_27 = tpu.memref_squeeze %dma_start3A_26 : memref<1x624x128xf32, #tpu.memory_space<hbm>> -> memref<624x128xf32, #tpu.memory_space<hbm>>
      %dma_start3A_28 = arith.constant 0 : i32
      %dma_start3A_29 = tpu.memref_slice %arg8[%mul3A_18, %dma_start3A_28] : memref<10008x128xf32, #tpu.memory_space<vmem_shared>> -> memref<624x128xf32, #tpu.memory_space<vmem_shared>>
      tpu.enqueue_dma source(%dma_start3A_29 : memref<624x128xf32, #tpu.memory_space<vmem_shared>>) target(%dma_start3A_27 : memref<624x128xf32, #tpu.memory_space<hbm>>) target_semaphore(%run_scoped3A : memref<!tpu.dma_semaphore, #tpu.memory_space<semaphore_mem>>)
      %dma_wait3A = arith.constant 0 : i32
      %dma_wait3A_30 = tpu.memref_slice %arg5[%arg0, %mul3A_20, %dma_wait3A] : memref<2x10000x128xf32, #tpu.memory_space<hbm>> -> memref<1x624x128xf32, #tpu.memory_space<hbm>>
      %dma_wait3A_31 = tpu.memref_squeeze %dma_wait3A_30 : memref<1x624x128xf32, #tpu.memory_space<hbm>> -> memref<624x128xf32, #tpu.memory_space<hbm>>
      %dma_wait3A_32 = arith.constant 0 : i32
      %dma_wait3A_33 = tpu.memref_slice %arg8[%mul3A_18, %dma_wait3A_32] : memref<10008x128xf32, #tpu.memory_space<vmem_shared>> -> memref<624x128xf32, #tpu.memory_space<vmem_shared>>
      tpu.wait_dma2 semaphore(%run_scoped3A : memref<!tpu.dma_semaphore, #tpu.memory_space<semaphore_mem>>) src(%dma_wait3A_33 : memref<624x128xf32, #tpu.memory_space<vmem_shared>>) dst(%dma_wait3A_31 : memref<624x128xf32, #tpu.memory_space<hbm>>)
      tpu.yield
    }) : () -> ()
    %eq3A_21 = arith.constant 15 : i32
    %eq3A_22 = arith.cmpi eq, %arg1, %eq3A_21 : i32
    %convert_element_type3A_23 = arith.extui %eq3A_22 : i1 to i32
    %cond3A_24 = arith.constant 0 : i32
    %cond3A_25 = arith.cmpi ne, %convert_element_type3A_23, %cond3A_24 : i32
    scf.if %cond3A_25 {
      "tpu.region"() ({
        %run_scoped3A = tpu.sem_alloc : memref<!tpu.dma_semaphore, #tpu.memory_space<semaphore_mem>>
        %dma_start3A = arith.constant 9984 : i32
        %dma_start3A_26 = arith.constant 0 : i32
        %dma_start3A_27 = tpu.memref_slice %arg5[%arg0, %dma_start3A, %dma_start3A_26] : memref<2x10000x128xf32, #tpu.memory_space<hbm>> -> memref<1x16x128xf32, #tpu.memory_space<hbm>>
        %dma_start3A_28 = tpu.memref_squeeze %dma_start3A_27 : memref<1x16x128xf32, #tpu.memory_space<hbm>> -> memref<16x128xf32, #tpu.memory_space<hbm>>
        %dma_start3A_29 = arith.constant 9984 : i32
        %dma_start3A_30 = arith.constant 0 : i32
        %dma_start3A_31 = tpu.memref_slice %arg8[%dma_start3A_29, %dma_start3A_30] : memref<10008x128xf32, #tpu.memory_space<vmem_shared>> -> memref<16x128xf32, #tpu.memory_space<vmem_shared>>
        tpu.enqueue_dma source(%dma_start3A_31 : memref<16x128xf32, #tpu.memory_space<vmem_shared>>) target(%dma_start3A_28 : memref<16x128xf32, #tpu.memory_space<hbm>>) target_semaphore(%run_scoped3A : memref<!tpu.dma_semaphore, #tpu.memory_space<semaphore_mem>>)
        %dma_wait3A = arith.constant 9984 : i32
        %dma_wait3A_32 = arith.constant 0 : i32
        %dma_wait3A_33 = tpu.memref_slice %arg5[%arg0, %dma_wait3A, %dma_wait3A_32] : memref<2x10000x128xf32, #tpu.memory_space<hbm>> -> memref<1x16x128xf32, #tpu.memory_space<hbm>>
        %dma_wait3A_34 = tpu.memref_squeeze %dma_wait3A_33 : memref<1x16x128xf32, #tpu.memory_space<hbm>> -> memref<16x128xf32, #tpu.memory_space<hbm>>
        %dma_wait3A_35 = arith.constant 9984 : i32
        %dma_wait3A_36 = arith.constant 0 : i32
        %dma_wait3A_37 = tpu.memref_slice %arg8[%dma_wait3A_35, %dma_wait3A_36] : memref<10008x128xf32, #tpu.memory_space<vmem_shared>> -> memref<16x128xf32, #tpu.memory_space<vmem_shared>>
        tpu.wait_dma2 semaphore(%run_scoped3A : memref<!tpu.dma_semaphore, #tpu.memory_space<semaphore_mem>>) src(%dma_wait3A_37 : memref<16x128xf32, #tpu.memory_space<vmem_shared>>) dst(%dma_wait3A_34 : memref<16x128xf32, #tpu.memory_space<hbm>>)
        tpu.yield
      }) : () -> ()
    } else {
    }
    return
  }
}

#map = affine_map<(d0, d1) -> (0, 0)>
#map1 = affine_map<(d0, d1) -> (0, 0, 0, 0)>
#map2 = affine_map<(d0, d1) -> (0, 0, 0)>
module attributes {stable_mosaic.version = 14 : i64} {
  func.func @scatter_kernel(%arg0: i32, %arg1: i32, %arg2: memref<10000x128xf32, #tpu.memory_space<hbm>>, %arg3: memref<32x250x2x40xi32, #tpu.memory_space<hbm>>, %arg4: memref<10000x128xf32, #tpu.memory_space<hbm>>, %arg5: memref<2x10000x128xf32, #tpu.memory_space<hbm>>, %arg6: memref<2x2x2x40xi32, #tpu.memory_space<vmem>>, %arg7: memref<2x40x128xf32, #tpu.memory_space<vmem>>, %arg8: memref<10008x128xf32, #tpu.memory_space<vmem_shared>>, %arg9: memref<!tpu.dma_semaphore, #tpu.memory_space<semaphore_mem>>, %arg10: memref<!tpu.dma_semaphore, #tpu.memory_space<semaphore_mem>>, %arg11: memref<!tpu.dma_semaphore, #tpu.memory_space<semaphore_mem>>, %arg12: memref<!tpu.dma_semaphore, #tpu.memory_space<semaphore_mem>>) attributes {dimension_semantics = [#tpu.dimension_semantics<core_parallel>, #tpu.dimension_semantics<subcore_parallel>], iteration_bounds = array<i64: 2, 16>, scalar_prefetch = 0 : i64, scratch_operands = 7 : i64, tpu.core_type = #tpu.core_type<sc_vector_subcore>, window_params = [{transform_indices = #map}, {transform_indices = #map1}, {transform_indices = #map}, {transform_indices = #map2}]} {
    %mul3A = arith.constant 16 : i32
    %mul3A_0 = arith.muli %arg0, %mul3A : i32
    %add3A = arith.addi %mul3A_0, %arg1 : i32
    %mul3A_1 = arith.constant 624 : i32
    %mul3A_2 = arith.muli %arg1, %mul3A_1 : i32
    %mul3A_3 = arith.constant 624 : i32
    %mul3A_4 = arith.muli %arg1, %mul3A_3 : i32
    "tpu.region"() ({
      %run_scoped3A_104 = tpu.sem_alloc : memref<!tpu.dma_semaphore, #tpu.memory_space<semaphore_mem>>
      %dma_start3A_105 = arith.constant 0 : i32
      %dma_start3A_106 = tpu.memref_slice %arg8[%mul3A_4, %dma_start3A_105] : memref<10008x128xf32, #tpu.memory_space<vmem_shared>> -> memref<624x128xf32, #tpu.memory_space<vmem_shared>>
      %dma_start3A_107 = arith.constant 0 : i32
      %dma_start3A_108 = tpu.memref_slice %arg4[%mul3A_2, %dma_start3A_107] : memref<10000x128xf32, #tpu.memory_space<hbm>> -> memref<624x128xf32, #tpu.memory_space<hbm>>
      tpu.enqueue_dma source(%dma_start3A_108 : memref<624x128xf32, #tpu.memory_space<hbm>>) target(%dma_start3A_106 : memref<624x128xf32, #tpu.memory_space<vmem_shared>>) target_semaphore(%run_scoped3A_104 : memref<!tpu.dma_semaphore, #tpu.memory_space<semaphore_mem>>)
      %dma_wait3A_109 = arith.constant 0 : i32
      %dma_wait3A_110 = tpu.memref_slice %arg8[%mul3A_4, %dma_wait3A_109] : memref<10008x128xf32, #tpu.memory_space<vmem_shared>> -> memref<624x128xf32, #tpu.memory_space<vmem_shared>>
      %dma_wait3A_111 = arith.constant 0 : i32
      %dma_wait3A_112 = tpu.memref_slice %arg4[%mul3A_2, %dma_wait3A_111] : memref<10000x128xf32, #tpu.memory_space<hbm>> -> memref<624x128xf32, #tpu.memory_space<hbm>>
      tpu.wait_dma2 semaphore(%run_scoped3A_104 : memref<!tpu.dma_semaphore, #tpu.memory_space<semaphore_mem>>) src(%dma_wait3A_112 : memref<624x128xf32, #tpu.memory_space<hbm>>) dst(%dma_wait3A_110 : memref<624x128xf32, #tpu.memory_space<vmem_shared>>)
      tpu.yield
    }) : () -> ()
    %eq3A = arith.constant 15 : i32
    %eq3A_5 = arith.cmpi eq, %arg1, %eq3A : i32
    %convert_element_type3A = arith.extui %eq3A_5 : i1 to i32
    %cond3A = arith.constant 0 : i32
    %cond3A_6 = arith.cmpi ne, %convert_element_type3A, %cond3A : i32
    scf.if %cond3A_6 {
      "tpu.region"() ({
        %run_scoped3A_104 = tpu.sem_alloc : memref<!tpu.dma_semaphore, #tpu.memory_space<semaphore_mem>>
        %dma_start3A_105 = arith.constant 9984 : i32
        %dma_start3A_106 = arith.constant 0 : i32
        %dma_start3A_107 = tpu.memref_slice %arg8[%dma_start3A_105, %dma_start3A_106] : memref<10008x128xf32, #tpu.memory_space<vmem_shared>> -> memref<16x128xf32, #tpu.memory_space<vmem_shared>>
        %dma_start3A_108 = arith.constant 9984 : i32
        %dma_start3A_109 = arith.constant 0 : i32
        %dma_start3A_110 = tpu.memref_slice %arg4[%dma_start3A_108, %dma_start3A_109] : memref<10000x128xf32, #tpu.memory_space<hbm>> -> memref<16x128xf32, #tpu.memory_space<hbm>>
        tpu.enqueue_dma source(%dma_start3A_110 : memref<16x128xf32, #tpu.memory_space<hbm>>) target(%dma_start3A_107 : memref<16x128xf32, #tpu.memory_space<vmem_shared>>) target_semaphore(%run_scoped3A_104 : memref<!tpu.dma_semaphore, #tpu.memory_space<semaphore_mem>>)
        %dma_wait3A_111 = arith.constant 9984 : i32
        %dma_wait3A_112 = arith.constant 0 : i32
        %dma_wait3A_113 = tpu.memref_slice %arg8[%dma_wait3A_111, %dma_wait3A_112] : memref<10008x128xf32, #tpu.memory_space<vmem_shared>> -> memref<16x128xf32, #tpu.memory_space<vmem_shared>>
        %dma_wait3A_114 = arith.constant 9984 : i32
        %dma_wait3A_115 = arith.constant 0 : i32
        %dma_wait3A_116 = tpu.memref_slice %arg4[%dma_wait3A_114, %dma_wait3A_115] : memref<10000x128xf32, #tpu.memory_space<hbm>> -> memref<16x128xf32, #tpu.memory_space<hbm>>
        tpu.wait_dma2 semaphore(%run_scoped3A_104 : memref<!tpu.dma_semaphore, #tpu.memory_space<semaphore_mem>>) src(%dma_wait3A_116 : memref<16x128xf32, #tpu.memory_space<hbm>>) dst(%dma_wait3A_113 : memref<16x128xf32, #tpu.memory_space<vmem_shared>>)
        tpu.yield
      }) : () -> ()
    } else {
    }
    %barrier3A = arith.constant 0 : index
    tpu.barrier barrier_id(%barrier3A)
    %run_scoped3A = arith.constant 0 : i32
    "tpu.region"() ({
      %run_scoped3A_104 = tpu.sem_alloc : memref<!tpu.dma_semaphore, #tpu.memory_space<semaphore_mem>>
      %dma_start3A_105 = arith.constant 0 : i32
      %dma_start3A_106 = arith.constant 0 : i32
      %dma_start3A_107 = arith.constant 0 : i32
      %dma_start3A_108 = tpu.memref_slice %arg6[%run_scoped3A, %dma_start3A_105, %dma_start3A_106, %dma_start3A_107] : memref<2x2x2x40xi32, #tpu.memory_space<vmem>> -> memref<1x2x2x40xi32, #tpu.memory_space<vmem>>
      %dma_start3A_109 = tpu.memref_squeeze %dma_start3A_108 : memref<1x2x2x40xi32, #tpu.memory_space<vmem>> -> memref<2x2x40xi32, #tpu.memory_space<vmem>>
      %dma_start3A_110 = arith.constant 0 : i32
      %dma_start3A_111 = arith.constant 0 : i32
      %dma_start3A_112 = arith.constant 0 : i32
      %dma_start3A_113 = tpu.memref_slice %arg3[%add3A, %dma_start3A_110, %dma_start3A_111, %dma_start3A_112] : memref<32x250x2x40xi32, #tpu.memory_space<hbm>> -> memref<1x2x2x40xi32, #tpu.memory_space<hbm>>
      %dma_start3A_114 = tpu.memref_squeeze %dma_start3A_113 : memref<1x2x2x40xi32, #tpu.memory_space<hbm>> -> memref<2x2x40xi32, #tpu.memory_space<hbm>>
      %dma_start3A_115 = arith.constant 0 : i32
      %dma_start3A_116 = arith.constant 0 : i32
      %dma_start3A_117 = arith.constant 0 : i32
      %dma_start3A_118 = tpu.memref_slice %arg6[%run_scoped3A, %dma_start3A_115, %dma_start3A_116, %dma_start3A_117] : memref<2x2x2x40xi32, #tpu.memory_space<vmem>> -> memref<1x2x2x40xi32, #tpu.memory_space<vmem>>
      %dma_start3A_119 = tpu.memref_squeeze %dma_start3A_118 : memref<1x2x2x40xi32, #tpu.memory_space<vmem>> -> memref<2x2x40xi32, #tpu.memory_space<vmem>>
      %dma_start3A_120 = arith.constant 0 : i32
      %dma_start3A_121 = arith.constant 0 : i32
      %dma_start3A_122 = arith.constant 0 : i32
      %dma_start3A_123 = tpu.memref_slice %arg3[%add3A, %dma_start3A_120, %dma_start3A_121, %dma_start3A_122] : memref<32x250x2x40xi32, #tpu.memory_space<hbm>> -> memref<1x2x2x40xi32, #tpu.memory_space<hbm>>
      %dma_start3A_124 = tpu.memref_squeeze %dma_start3A_123 : memref<1x2x2x40xi32, #tpu.memory_space<hbm>> -> memref<2x2x40xi32, #tpu.memory_space<hbm>>
      tpu.enqueue_dma source(%dma_start3A_124 : memref<2x2x40xi32, #tpu.memory_space<hbm>>) target(%dma_start3A_119 : memref<2x2x40xi32, #tpu.memory_space<vmem>>) target_semaphore(%run_scoped3A_104 : memref<!tpu.dma_semaphore, #tpu.memory_space<semaphore_mem>>)
      %dma_wait3A_125 = arith.constant 0 : i32
      %dma_wait3A_126 = arith.constant 0 : i32
      %dma_wait3A_127 = arith.constant 0 : i32
      %dma_wait3A_128 = tpu.memref_slice %arg6[%run_scoped3A, %dma_wait3A_125, %dma_wait3A_126, %dma_wait3A_127] : memref<2x2x2x40xi32, #tpu.memory_space<vmem>> -> memref<1x2x2x40xi32, #tpu.memory_space<vmem>>
      %dma_wait3A_129 = tpu.memref_squeeze %dma_wait3A_128 : memref<1x2x2x40xi32, #tpu.memory_space<vmem>> -> memref<2x2x40xi32, #tpu.memory_space<vmem>>
      %dma_wait3A_130 = arith.constant 0 : i32
      %dma_wait3A_131 = arith.constant 0 : i32
      %dma_wait3A_132 = arith.constant 0 : i32
      %dma_wait3A_133 = tpu.memref_slice %arg3[%add3A, %dma_wait3A_130, %dma_wait3A_131, %dma_wait3A_132] : memref<32x250x2x40xi32, #tpu.memory_space<hbm>> -> memref<1x2x2x40xi32, #tpu.memory_space<hbm>>
      %dma_wait3A_134 = tpu.memref_squeeze %dma_wait3A_133 : memref<1x2x2x40xi32, #tpu.memory_space<hbm>> -> memref<2x2x40xi32, #tpu.memory_space<hbm>>
      %dma_wait3A_135 = arith.constant 0 : i32
      %dma_wait3A_136 = arith.constant 0 : i32
      %dma_wait3A_137 = arith.constant 0 : i32
      %dma_wait3A_138 = tpu.memref_slice %arg6[%run_scoped3A, %dma_wait3A_135, %dma_wait3A_136, %dma_wait3A_137] : memref<2x2x2x40xi32, #tpu.memory_space<vmem>> -> memref<1x2x2x40xi32, #tpu.memory_space<vmem>>
      %dma_wait3A_139 = tpu.memref_squeeze %dma_wait3A_138 : memref<1x2x2x40xi32, #tpu.memory_space<vmem>> -> memref<2x2x40xi32, #tpu.memory_space<vmem>>
      %dma_wait3A_140 = arith.constant 0 : i32
      %dma_wait3A_141 = arith.constant 0 : i32
      %dma_wait3A_142 = arith.constant 0 : i32
      %dma_wait3A_143 = tpu.memref_slice %arg3[%add3A, %dma_wait3A_140, %dma_wait3A_141, %dma_wait3A_142] : memref<32x250x2x40xi32, #tpu.memory_space<hbm>> -> memref<1x2x2x40xi32, #tpu.memory_space<hbm>>
      %dma_wait3A_144 = tpu.memref_squeeze %dma_wait3A_143 : memref<1x2x2x40xi32, #tpu.memory_space<hbm>> -> memref<2x2x40xi32, #tpu.memory_space<hbm>>
      tpu.wait_dma2 semaphore(%run_scoped3A_104 : memref<!tpu.dma_semaphore, #tpu.memory_space<semaphore_mem>>) src(%dma_wait3A_144 : memref<2x2x40xi32, #tpu.memory_space<hbm>>) dst(%dma_wait3A_139 : memref<2x2x40xi32, #tpu.memory_space<vmem>>)
      tpu.yield
    }) : () -> ()
    %dma_start3A = arith.constant 1 : i32
    %dma_start3A_7 = arith.constant 0 : i32
    %dma_start3A_8 = arith.constant 0 : i32
    %dma_start3A_9 = arith.constant 0 : i32
    %dma_start3A_10 = tpu.memref_slice %arg6[%dma_start3A, %dma_start3A_7, %dma_start3A_8, %dma_start3A_9] : memref<2x2x2x40xi32, #tpu.memory_space<vmem>> -> memref<1x2x2x40xi32, #tpu.memory_space<vmem>>
    %dma_start3A_11 = tpu.memref_squeeze %dma_start3A_10 : memref<1x2x2x40xi32, #tpu.memory_space<vmem>> -> memref<2x2x40xi32, #tpu.memory_space<vmem>>
    %dma_start3A_12 = arith.constant 2 : i32
    %dma_start3A_13 = arith.constant 0 : i32
    %dma_start3A_14 = arith.constant 0 : i32
    %dma_start3A_15 = tpu.memref_slice %arg3[%add3A, %dma_start3A_12, %dma_start3A_13, %dma_start3A_14] : memref<32x250x2x40xi32, #tpu.memory_space<hbm>> -> memref<1x2x2x40xi32, #tpu.memory_space<hbm>>
    %dma_start3A_16 = tpu.memref_squeeze %dma_start3A_15 : memref<1x2x2x40xi32, #tpu.memory_space<hbm>> -> memref<2x2x40xi32, #tpu.memory_space<hbm>>
    %dma_start3A_17 = arith.constant 0 : i32
    %dma_start3A_18 = arith.constant 0 : i32
    %dma_start3A_19 = arith.constant 0 : i32
    %dma_start3A_20 = tpu.memref_slice %arg6[%dma_start3A, %dma_start3A_17, %dma_start3A_18, %dma_start3A_19] : memref<2x2x2x40xi32, #tpu.memory_space<vmem>> -> memref<1x2x2x40xi32, #tpu.memory_space<vmem>>
    %dma_start3A_21 = tpu.memref_squeeze %dma_start3A_20 : memref<1x2x2x40xi32, #tpu.memory_space<vmem>> -> memref<2x2x40xi32, #tpu.memory_space<vmem>>
    %dma_start3A_22 = arith.constant 2 : i32
    %dma_start3A_23 = arith.constant 0 : i32
    %dma_start3A_24 = arith.constant 0 : i32
    %dma_start3A_25 = tpu.memref_slice %arg3[%add3A, %dma_start3A_22, %dma_start3A_23, %dma_start3A_24] : memref<32x250x2x40xi32, #tpu.memory_space<hbm>> -> memref<1x2x2x40xi32, #tpu.memory_space<hbm>>
    %dma_start3A_26 = tpu.memref_squeeze %dma_start3A_25 : memref<1x2x2x40xi32, #tpu.memory_space<hbm>> -> memref<2x2x40xi32, #tpu.memory_space<hbm>>
    tpu.enqueue_dma source(%dma_start3A_26 : memref<2x2x40xi32, #tpu.memory_space<hbm>>) target(%dma_start3A_21 : memref<2x2x40xi32, #tpu.memory_space<vmem>>) target_semaphore(%arg12 : memref<!tpu.dma_semaphore, #tpu.memory_space<semaphore_mem>>)
    %dma_start3A_27 = arith.constant 0 : i32
    %dma_start3A_28 = arith.constant 0 : i32
    %dma_start3A_29 = arith.constant 0 : i32
    %dma_start3A_30 = arith.constant 0 : i32
    %dma_start3A_31 = arith.constant 0 : i32
    %dma_start3A_32 = arith.constant 0 : i32
    %dma_start3A_33 = tpu.memref_slice %arg7[%dma_start3A_30, %dma_start3A_31, %dma_start3A_32] : memref<2x40x128xf32, #tpu.memory_space<vmem>> -> memref<1x40x128xf32, #tpu.memory_space<vmem>>
    %dma_start3A_34 = tpu.memref_squeeze %dma_start3A_33 : memref<1x40x128xf32, #tpu.memory_space<vmem>> -> memref<40x128xf32, #tpu.memory_space<vmem>>
    %dma_start3A_35 = arith.constant 0 : i32
    %dma_start3A_36 = tpu.memref_slice %arg6[%dma_start3A_27, %dma_start3A_28, %dma_start3A_29, %dma_start3A_35] : memref<2x2x2x40xi32, #tpu.memory_space<vmem>> -> memref<1x1x1x40xi32, #tpu.memory_space<vmem>>
    %dma_start3A_37 = tpu.memref_squeeze %dma_start3A_36 : memref<1x1x1x40xi32, #tpu.memory_space<vmem>> -> memref<40xi32, #tpu.memory_space<vmem>>
    %dma_start3A_38 = arith.constant 0 : i32
    %dma_start3A_39 = arith.constant 0 : i32
    %dma_start3A_40 = tpu.memref_slice %arg2[%dma_start3A_38, %dma_start3A_39] : memref<10000x128xf32, #tpu.memory_space<hbm>> -> memref<10000x128xf32, #tpu.memory_space<hbm>>
    tpu.enqueue_indirect_dma source(%dma_start3A_40 : memref<10000x128xf32, #tpu.memory_space<hbm>>) target(%dma_start3A_34 : memref<40x128xf32, #tpu.memory_space<vmem>>) offsets(%dma_start3A_37 : memref<40xi32, #tpu.memory_space<vmem>>) semaphore(%arg9 : memref<!tpu.dma_semaphore, #tpu.memory_space<semaphore_mem>>)
    %scan3A = arith.constant 0 : i32
    %scan3A_41 = arith.constant 62 : i32
    %scan3A_42 = arith.addi %scan3A, %scan3A_41 : i32
    %scan3A_43 = arith.constant 1 : i32
    scf.for %scan3A_104 = %scan3A to %scan3A_42 step %scan3A_43  : i32 {
      %mul3A_105 = arith.constant 2 : i32
      %mul3A_106 = arith.muli %scan3A_104, %mul3A_105 : i32
      %add3A_107 = arith.constant 0 : i32
      %add3A_108 = arith.addi %add3A_107, %mul3A_106 : i32
      %dma_wait3A_109 = arith.constant 0 : i32
      %dma_wait3A_110 = arith.constant 0 : i32
      %dma_wait3A_111 = arith.constant 0 : i32
      %dma_wait3A_112 = arith.constant 0 : i32
      %dma_wait3A_113 = arith.constant 0 : i32
      %dma_wait3A_114 = arith.constant 0 : i32
      %dma_wait3A_115 = tpu.memref_slice %arg7[%dma_wait3A_112, %dma_wait3A_113, %dma_wait3A_114] : memref<2x40x128xf32, #tpu.memory_space<vmem>> -> memref<1x40x128xf32, #tpu.memory_space<vmem>>
      %dma_wait3A_116 = tpu.memref_squeeze %dma_wait3A_115 : memref<1x40x128xf32, #tpu.memory_space<vmem>> -> memref<40x128xf32, #tpu.memory_space<vmem>>
      %dma_wait3A_117 = arith.constant 0 : i32
      %dma_wait3A_118 = tpu.memref_slice %arg6[%dma_wait3A_109, %dma_wait3A_110, %dma_wait3A_111, %dma_wait3A_117] : memref<2x2x2x40xi32, #tpu.memory_space<vmem>> -> memref<1x1x1x40xi32, #tpu.memory_space<vmem>>
      %dma_wait3A_119 = tpu.memref_squeeze %dma_wait3A_118 : memref<1x1x1x40xi32, #tpu.memory_space<vmem>> -> memref<40xi32, #tpu.memory_space<vmem>>
      %dma_wait3A_120 = arith.constant 0 : i32
      %dma_wait3A_121 = arith.constant 0 : i32
      %dma_wait3A_122 = tpu.memref_slice %arg2[%dma_wait3A_120, %dma_wait3A_121] : memref<10000x128xf32, #tpu.memory_space<hbm>> -> memref<10000x128xf32, #tpu.memory_space<hbm>>
      tpu.wait_indirect_dma semaphore(%arg9 : memref<!tpu.dma_semaphore, #tpu.memory_space<semaphore_mem>>) src(%dma_wait3A_122 : memref<10000x128xf32, #tpu.memory_space<hbm>>) dst(%dma_wait3A_116 : memref<40x128xf32, #tpu.memory_space<vmem>>)
      %dma_start3A_123 = arith.constant 0 : i32
      %dma_start3A_124 = arith.constant 1 : i32
      %dma_start3A_125 = arith.constant 0 : i32
      %dma_start3A_126 = arith.constant 1 : i32
      %dma_start3A_127 = arith.constant 0 : i32
      %dma_start3A_128 = arith.constant 0 : i32
      %dma_start3A_129 = tpu.memref_slice %arg7[%dma_start3A_126, %dma_start3A_127, %dma_start3A_128] : memref<2x40x128xf32, #tpu.memory_space<vmem>> -> memref<1x40x128xf32, #tpu.memory_space<vmem>>
      %dma_start3A_130 = tpu.memref_squeeze %dma_start3A_129 : memref<1x40x128xf32, #tpu.memory_space<vmem>> -> memref<40x128xf32, #tpu.memory_space<vmem>>
      %dma_start3A_131 = arith.constant 0 : i32
      %dma_start3A_132 = tpu.memref_slice %arg6[%dma_start3A_123, %dma_start3A_124, %dma_start3A_125, %dma_start3A_131] : memref<2x2x2x40xi32, #tpu.memory_space<vmem>> -> memref<1x1x1x40xi32, #tpu.memory_space<vmem>>
      %dma_start3A_133 = tpu.memref_squeeze %dma_start3A_132 : memref<1x1x1x40xi32, #tpu.memory_space<vmem>> -> memref<40xi32, #tpu.memory_space<vmem>>
      %dma_start3A_134 = arith.constant 0 : i32
      %dma_start3A_135 = arith.constant 0 : i32
      %dma_start3A_136 = tpu.memref_slice %arg2[%dma_start3A_134, %dma_start3A_135] : memref<10000x128xf32, #tpu.memory_space<hbm>> -> memref<10000x128xf32, #tpu.memory_space<hbm>>
      tpu.enqueue_indirect_dma source(%dma_start3A_136 : memref<10000x128xf32, #tpu.memory_space<hbm>>) target(%dma_start3A_130 : memref<40x128xf32, #tpu.memory_space<vmem>>) offsets(%dma_start3A_133 : memref<40xi32, #tpu.memory_space<vmem>>) semaphore(%arg10 : memref<!tpu.dma_semaphore, #tpu.memory_space<semaphore_mem>>)
      %run_scoped3A_137 = arith.constant 0 : i32
      %run_scoped3A_138 = arith.constant 0 : i32
      %run_scoped3A_139 = arith.constant 0 : i32
      %run_scoped3A_140 = arith.constant 1 : i32
      "tpu.region"() ({
        %run_scoped3A_312 = tpu.sem_alloc : memref<!tpu.dma_semaphore, #tpu.memory_space<semaphore_mem>>
        %dma_start3A_313 = arith.constant 0 : i32
        %dma_start3A_314 = arith.constant 0 : i32
        %dma_start3A_315 = tpu.memref_slice %arg7[%run_scoped3A_137, %dma_start3A_313, %dma_start3A_314] : memref<2x40x128xf32, #tpu.memory_space<vmem>> -> memref<1x40x128xf32, #tpu.memory_space<vmem>>
        %dma_start3A_316 = tpu.memref_squeeze %dma_start3A_315 : memref<1x40x128xf32, #tpu.memory_space<vmem>> -> memref<40x128xf32, #tpu.memory_space<vmem>>
        %dma_start3A_317 = arith.constant 0 : i32
        %dma_start3A_318 = tpu.memref_slice %arg6[%run_scoped3A_138, %run_scoped3A_139, %run_scoped3A_140, %dma_start3A_317] : memref<2x2x2x40xi32, #tpu.memory_space<vmem>> -> memref<1x1x1x40xi32, #tpu.memory_space<vmem>>
        %dma_start3A_319 = tpu.memref_squeeze %dma_start3A_318 : memref<1x1x1x40xi32, #tpu.memory_space<vmem>> -> memref<40xi32, #tpu.memory_space<vmem>>
        %dma_start3A_320 = arith.constant 0 : i32
        %dma_start3A_321 = arith.constant 0 : i32
        %dma_start3A_322 = tpu.memref_slice %arg8[%dma_start3A_320, %dma_start3A_321] : memref<10008x128xf32, #tpu.memory_space<vmem_shared>> -> memref<10008x128xf32, #tpu.memory_space<vmem_shared>>
        tpu.enqueue_indirect_dma source(%dma_start3A_316 : memref<40x128xf32, #tpu.memory_space<vmem>>) target(%dma_start3A_322 : memref<10008x128xf32, #tpu.memory_space<vmem_shared>>) offsets(%dma_start3A_319 : memref<40xi32, #tpu.memory_space<vmem>>) semaphore(%run_scoped3A_312 : memref<!tpu.dma_semaphore, #tpu.memory_space<semaphore_mem>>) {add = true}
        %dma_wait3A_323 = arith.constant 0 : i32
        %dma_wait3A_324 = arith.constant 0 : i32
        %dma_wait3A_325 = tpu.memref_slice %arg7[%run_scoped3A_137, %dma_wait3A_323, %dma_wait3A_324] : memref<2x40x128xf32, #tpu.memory_space<vmem>> -> memref<1x40x128xf32, #tpu.memory_space<vmem>>
        %dma_wait3A_326 = tpu.memref_squeeze %dma_wait3A_325 : memref<1x40x128xf32, #tpu.memory_space<vmem>> -> memref<40x128xf32, #tpu.memory_space<vmem>>
        %dma_wait3A_327 = arith.constant 0 : i32
        %dma_wait3A_328 = tpu.memref_slice %arg6[%run_scoped3A_138, %run_scoped3A_139, %run_scoped3A_140, %dma_wait3A_327] : memref<2x2x2x40xi32, #tpu.memory_space<vmem>> -> memref<1x1x1x40xi32, #tpu.memory_space<vmem>>
        %dma_wait3A_329 = tpu.memref_squeeze %dma_wait3A_328 : memref<1x1x1x40xi32, #tpu.memory_space<vmem>> -> memref<40xi32, #tpu.memory_space<vmem>>
        %dma_wait3A_330 = arith.constant 0 : i32
        %dma_wait3A_331 = arith.constant 0 : i32
        %dma_wait3A_332 = tpu.memref_slice %arg8[%dma_wait3A_330, %dma_wait3A_331] : memref<10008x128xf32, #tpu.memory_space<vmem_shared>> -> memref<10008x128xf32, #tpu.memory_space<vmem_shared>>
        tpu.wait_indirect_dma semaphore(%run_scoped3A_312 : memref<!tpu.dma_semaphore, #tpu.memory_space<semaphore_mem>>) src(%dma_wait3A_326 : memref<40x128xf32, #tpu.memory_space<vmem>>) dst(%dma_wait3A_332 : memref<10008x128xf32, #tpu.memory_space<vmem_shared>>)
        tpu.yield
      }) : () -> ()
      %add3A_141 = arith.constant 1 : i32
      %add3A_142 = arith.addi %add3A_108, %add3A_141 : i32
      %mul3A_143 = arith.constant 2 : i32
      %mul3A_144 = arith.muli %mul3A_143, %add3A_142 : i32
      %dma_wait3A_145 = arith.constant 1 : i32
      %dma_wait3A_146 = arith.constant 0 : i32
      %dma_wait3A_147 = arith.constant 0 : i32
      %dma_wait3A_148 = arith.constant 0 : i32
      %dma_wait3A_149 = tpu.memref_slice %arg6[%dma_wait3A_145, %dma_wait3A_146, %dma_wait3A_147, %dma_wait3A_148] : memref<2x2x2x40xi32, #tpu.memory_space<vmem>> -> memref<1x2x2x40xi32, #tpu.memory_space<vmem>>
      %dma_wait3A_150 = tpu.memref_squeeze %dma_wait3A_149 : memref<1x2x2x40xi32, #tpu.memory_space<vmem>> -> memref<2x2x40xi32, #tpu.memory_space<vmem>>
      %dma_wait3A_151 = arith.constant 0 : i32
      %dma_wait3A_152 = arith.constant 0 : i32
      %dma_wait3A_153 = tpu.memref_slice %arg3[%add3A, %mul3A_144, %dma_wait3A_151, %dma_wait3A_152] : memref<32x250x2x40xi32, #tpu.memory_space<hbm>> -> memref<1x2x2x40xi32, #tpu.memory_space<hbm>>
      %dma_wait3A_154 = tpu.memref_squeeze %dma_wait3A_153 : memref<1x2x2x40xi32, #tpu.memory_space<hbm>> -> memref<2x2x40xi32, #tpu.memory_space<hbm>>
      %dma_wait3A_155 = arith.constant 0 : i32
      %dma_wait3A_156 = arith.constant 0 : i32
      %dma_wait3A_157 = arith.constant 0 : i32
      %dma_wait3A_158 = tpu.memref_slice %arg6[%dma_wait3A_145, %dma_wait3A_155, %dma_wait3A_156, %dma_wait3A_157] : memref<2x2x2x40xi32, #tpu.memory_space<vmem>> -> memref<1x2x2x40xi32, #tpu.memory_space<vmem>>
      %dma_wait3A_159 = tpu.memref_squeeze %dma_wait3A_158 : memref<1x2x2x40xi32, #tpu.memory_space<vmem>> -> memref<2x2x40xi32, #tpu.memory_space<vmem>>
      %dma_wait3A_160 = arith.constant 0 : i32
      %dma_wait3A_161 = arith.constant 0 : i32
      %dma_wait3A_162 = tpu.memref_slice %arg3[%add3A, %mul3A_144, %dma_wait3A_160, %dma_wait3A_161] : memref<32x250x2x40xi32, #tpu.memory_space<hbm>> -> memref<1x2x2x40xi32, #tpu.memory_space<hbm>>
      %dma_wait3A_163 = tpu.memref_squeeze %dma_wait3A_162 : memref<1x2x2x40xi32, #tpu.memory_space<hbm>> -> memref<2x2x40xi32, #tpu.memory_space<hbm>>
      tpu.wait_dma2 semaphore(%arg12 : memref<!tpu.dma_semaphore, #tpu.memory_space<semaphore_mem>>) src(%dma_wait3A_163 : memref<2x2x40xi32, #tpu.memory_space<hbm>>) dst(%dma_wait3A_159 : memref<2x2x40xi32, #tpu.memory_space<vmem>>)
      %dma_wait3A_164 = arith.constant 0 : i32
      %dma_wait3A_165 = arith.constant 1 : i32
      %dma_wait3A_166 = arith.constant 0 : i32
      %dma_wait3A_167 = arith.constant 1 : i32
      %dma_wait3A_168 = arith.constant 0 : i32
      %dma_wait3A_169 = arith.constant 0 : i32
      %dma_wait3A_170 = tpu.memref_slice %arg7[%dma_wait3A_167, %dma_wait3A_168, %dma_wait3A_169] : memref<2x40x128xf32, #tpu.memory_space<vmem>> -> memref<1x40x128xf32, #tpu.memory_space<vmem>>
      %dma_wait3A_171 = tpu.memref_squeeze %dma_wait3A_170 : memref<1x40x128xf32, #tpu.memory_space<vmem>> -> memref<40x128xf32, #tpu.memory_space<vmem>>
      %dma_wait3A_172 = arith.constant 0 : i32
      %dma_wait3A_173 = tpu.memref_slice %arg6[%dma_wait3A_164, %dma_wait3A_165, %dma_wait3A_166, %dma_wait3A_172] : memref<2x2x2x40xi32, #tpu.memory_space<vmem>> -> memref<1x1x1x40xi32, #tpu.memory_space<vmem>>
      %dma_wait3A_174 = tpu.memref_squeeze %dma_wait3A_173 : memref<1x1x1x40xi32, #tpu.memory_space<vmem>> -> memref<40xi32, #tpu.memory_space<vmem>>
      %dma_wait3A_175 = arith.constant 0 : i32
      %dma_wait3A_176 = arith.constant 0 : i32
      %dma_wait3A_177 = tpu.memref_slice %arg2[%dma_wait3A_175, %dma_wait3A_176] : memref<10000x128xf32, #tpu.memory_space<hbm>> -> memref<10000x128xf32, #tpu.memory_space<hbm>>
      tpu.wait_indirect_dma semaphore(%arg10 : memref<!tpu.dma_semaphore, #tpu.memory_space<semaphore_mem>>) src(%dma_wait3A_177 : memref<10000x128xf32, #tpu.memory_space<hbm>>) dst(%dma_wait3A_171 : memref<40x128xf32, #tpu.memory_space<vmem>>)
      %dma_start3A_178 = arith.constant 1 : i32
      %dma_start3A_179 = arith.constant 0 : i32
      %dma_start3A_180 = arith.constant 0 : i32
      %dma_start3A_181 = arith.constant 0 : i32
      %dma_start3A_182 = arith.constant 0 : i32
      %dma_start3A_183 = arith.constant 0 : i32
      %dma_start3A_184 = tpu.memref_slice %arg7[%dma_start3A_181, %dma_start3A_182, %dma_start3A_183] : memref<2x40x128xf32, #tpu.memory_space<vmem>> -> memref<1x40x128xf32, #tpu.memory_space<vmem>>
      %dma_start3A_185 = tpu.memref_squeeze %dma_start3A_184 : memref<1x40x128xf32, #tpu.memory_space<vmem>> -> memref<40x128xf32, #tpu.memory_space<vmem>>
      %dma_start3A_186 = arith.constant 0 : i32
      %dma_start3A_187 = tpu.memref_slice %arg6[%dma_start3A_178, %dma_start3A_179, %dma_start3A_180, %dma_start3A_186] : memref<2x2x2x40xi32, #tpu.memory_space<vmem>> -> memref<1x1x1x40xi32, #tpu.memory_space<vmem>>
      %dma_start3A_188 = tpu.memref_squeeze %dma_start3A_187 : memref<1x1x1x40xi32, #tpu.memory_space<vmem>> -> memref<40xi32, #tpu.memory_space<vmem>>
      %dma_start3A_189 = arith.constant 0 : i32
      %dma_start3A_190 = arith.constant 0 : i32
      %dma_start3A_191 = tpu.memref_slice %arg2[%dma_start3A_189, %dma_start3A_190] : memref<10000x128xf32, #tpu.memory_space<hbm>> -> memref<10000x128xf32, #tpu.memory_space<hbm>>
      tpu.enqueue_indirect_dma source(%dma_start3A_191 : memref<10000x128xf32, #tpu.memory_space<hbm>>) target(%dma_start3A_185 : memref<40x128xf32, #tpu.memory_space<vmem>>) offsets(%dma_start3A_188 : memref<40xi32, #tpu.memory_space<vmem>>) semaphore(%arg9 : memref<!tpu.dma_semaphore, #tpu.memory_space<semaphore_mem>>)
      %run_scoped3A_192 = arith.constant 1 : i32
      %run_scoped3A_193 = arith.constant 0 : i32
      %run_scoped3A_194 = arith.constant 1 : i32
      %run_scoped3A_195 = arith.constant 1 : i32
      "tpu.region"() ({
        %run_scoped3A_312 = tpu.sem_alloc : memref<!tpu.dma_semaphore, #tpu.memory_space<semaphore_mem>>
        %dma_start3A_313 = arith.constant 0 : i32
        %dma_start3A_314 = arith.constant 0 : i32
        %dma_start3A_315 = tpu.memref_slice %arg7[%run_scoped3A_192, %dma_start3A_313, %dma_start3A_314] : memref<2x40x128xf32, #tpu.memory_space<vmem>> -> memref<1x40x128xf32, #tpu.memory_space<vmem>>
        %dma_start3A_316 = tpu.memref_squeeze %dma_start3A_315 : memref<1x40x128xf32, #tpu.memory_space<vmem>> -> memref<40x128xf32, #tpu.memory_space<vmem>>
        %dma_start3A_317 = arith.constant 0 : i32
        %dma_start3A_318 = tpu.memref_slice %arg6[%run_scoped3A_193, %run_scoped3A_194, %run_scoped3A_195, %dma_start3A_317] : memref<2x2x2x40xi32, #tpu.memory_space<vmem>> -> memref<1x1x1x40xi32, #tpu.memory_space<vmem>>
        %dma_start3A_319 = tpu.memref_squeeze %dma_start3A_318 : memref<1x1x1x40xi32, #tpu.memory_space<vmem>> -> memref<40xi32, #tpu.memory_space<vmem>>
        %dma_start3A_320 = arith.constant 0 : i32
        %dma_start3A_321 = arith.constant 0 : i32
        %dma_start3A_322 = tpu.memref_slice %arg8[%dma_start3A_320, %dma_start3A_321] : memref<10008x128xf32, #tpu.memory_space<vmem_shared>> -> memref<10008x128xf32, #tpu.memory_space<vmem_shared>>
        tpu.enqueue_indirect_dma source(%dma_start3A_316 : memref<40x128xf32, #tpu.memory_space<vmem>>) target(%dma_start3A_322 : memref<10008x128xf32, #tpu.memory_space<vmem_shared>>) offsets(%dma_start3A_319 : memref<40xi32, #tpu.memory_space<vmem>>) semaphore(%run_scoped3A_312 : memref<!tpu.dma_semaphore, #tpu.memory_space<semaphore_mem>>) {add = true}
        %dma_wait3A_323 = arith.constant 0 : i32
        %dma_wait3A_324 = arith.constant 0 : i32
        %dma_wait3A_325 = tpu.memref_slice %arg7[%run_scoped3A_192, %dma_wait3A_323, %dma_wait3A_324] : memref<2x40x128xf32, #tpu.memory_space<vmem>> -> memref<1x40x128xf32, #tpu.memory_space<vmem>>
        %dma_wait3A_326 = tpu.memref_squeeze %dma_wait3A_325 : memref<1x40x128xf32, #tpu.memory_space<vmem>> -> memref<40x128xf32, #tpu.memory_space<vmem>>
        %dma_wait3A_327 = arith.constant 0 : i32
        %dma_wait3A_328 = tpu.memref_slice %arg6[%run_scoped3A_193, %run_scoped3A_194, %run_scoped3A_195, %dma_wait3A_327] : memref<2x2x2x40xi32, #tpu.memory_space<vmem>> -> memref<1x1x1x40xi32, #tpu.memory_space<vmem>>
        %dma_wait3A_329 = tpu.memref_squeeze %dma_wait3A_328 : memref<1x1x1x40xi32, #tpu.memory_space<vmem>> -> memref<40xi32, #tpu.memory_space<vmem>>
        %dma_wait3A_330 = arith.constant 0 : i32
        %dma_wait3A_331 = arith.constant 0 : i32
        %dma_wait3A_332 = tpu.memref_slice %arg8[%dma_wait3A_330, %dma_wait3A_331] : memref<10008x128xf32, #tpu.memory_space<vmem_shared>> -> memref<10008x128xf32, #tpu.memory_space<vmem_shared>>
        tpu.wait_indirect_dma semaphore(%run_scoped3A_312 : memref<!tpu.dma_semaphore, #tpu.memory_space<semaphore_mem>>) src(%dma_wait3A_326 : memref<40x128xf32, #tpu.memory_space<vmem>>) dst(%dma_wait3A_332 : memref<10008x128xf32, #tpu.memory_space<vmem_shared>>)
        tpu.yield
      }) : () -> ()
      %add3A_196 = arith.constant 2 : i32
      %add3A_197 = arith.addi %add3A_108, %add3A_196 : i32
      %mul3A_198 = arith.constant 2 : i32
      %mul3A_199 = arith.muli %mul3A_198, %add3A_197 : i32
      %dma_start3A_200 = arith.constant 0 : i32
      %dma_start3A_201 = arith.constant 0 : i32
      %dma_start3A_202 = arith.constant 0 : i32
      %dma_start3A_203 = arith.constant 0 : i32
      %dma_start3A_204 = tpu.memref_slice %arg6[%dma_start3A_200, %dma_start3A_201, %dma_start3A_202, %dma_start3A_203] : memref<2x2x2x40xi32, #tpu.memory_space<vmem>> -> memref<1x2x2x40xi32, #tpu.memory_space<vmem>>
      %dma_start3A_205 = tpu.memref_squeeze %dma_start3A_204 : memref<1x2x2x40xi32, #tpu.memory_space<vmem>> -> memref<2x2x40xi32, #tpu.memory_space<vmem>>
      %dma_start3A_206 = arith.constant 0 : i32
      %dma_start3A_207 = arith.constant 0 : i32
      %dma_start3A_208 = tpu.memref_slice %arg3[%add3A, %mul3A_199, %dma_start3A_206, %dma_start3A_207] : memref<32x250x2x40xi32, #tpu.memory_space<hbm>> -> memref<1x2x2x40xi32, #tpu.memory_space<hbm>>
      %dma_start3A_209 = tpu.memref_squeeze %dma_start3A_208 : memref<1x2x2x40xi32, #tpu.memory_space<hbm>> -> memref<2x2x40xi32, #tpu.memory_space<hbm>>
      %dma_start3A_210 = arith.constant 0 : i32
      %dma_start3A_211 = arith.constant 0 : i32
      %dma_start3A_212 = arith.constant 0 : i32
      %dma_start3A_213 = tpu.memref_slice %arg6[%dma_start3A_200, %dma_start3A_210, %dma_start3A_211, %dma_start3A_212] : memref<2x2x2x40xi32, #tpu.memory_space<vmem>> -> memref<1x2x2x40xi32, #tpu.memory_space<vmem>>
      %dma_start3A_214 = tpu.memref_squeeze %dma_start3A_213 : memref<1x2x2x40xi32, #tpu.memory_space<vmem>> -> memref<2x2x40xi32, #tpu.memory_space<vmem>>
      %dma_start3A_215 = arith.constant 0 : i32
      %dma_start3A_216 = arith.constant 0 : i32
      %dma_start3A_217 = tpu.memref_slice %arg3[%add3A, %mul3A_199, %dma_start3A_215, %dma_start3A_216] : memref<32x250x2x40xi32, #tpu.memory_space<hbm>> -> memref<1x2x2x40xi32, #tpu.memory_space<hbm>>
      %dma_start3A_218 = tpu.memref_squeeze %dma_start3A_217 : memref<1x2x2x40xi32, #tpu.memory_space<hbm>> -> memref<2x2x40xi32, #tpu.memory_space<hbm>>
      tpu.enqueue_dma source(%dma_start3A_218 : memref<2x2x40xi32, #tpu.memory_space<hbm>>) target(%dma_start3A_214 : memref<2x2x40xi32, #tpu.memory_space<vmem>>) target_semaphore(%arg11 : memref<!tpu.dma_semaphore, #tpu.memory_space<semaphore_mem>>)
      %dma_wait3A_219 = arith.constant 1 : i32
      %dma_wait3A_220 = arith.constant 0 : i32
      %dma_wait3A_221 = arith.constant 0 : i32
      %dma_wait3A_222 = arith.constant 0 : i32
      %dma_wait3A_223 = arith.constant 0 : i32
      %dma_wait3A_224 = arith.constant 0 : i32
      %dma_wait3A_225 = tpu.memref_slice %arg7[%dma_wait3A_222, %dma_wait3A_223, %dma_wait3A_224] : memref<2x40x128xf32, #tpu.memory_space<vmem>> -> memref<1x40x128xf32, #tpu.memory_space<vmem>>
      %dma_wait3A_226 = tpu.memref_squeeze %dma_wait3A_225 : memref<1x40x128xf32, #tpu.memory_space<vmem>> -> memref<40x128xf32, #tpu.memory_space<vmem>>
      %dma_wait3A_227 = arith.constant 0 : i32
      %dma_wait3A_228 = tpu.memref_slice %arg6[%dma_wait3A_219, %dma_wait3A_220, %dma_wait3A_221, %dma_wait3A_227] : memref<2x2x2x40xi32, #tpu.memory_space<vmem>> -> memref<1x1x1x40xi32, #tpu.memory_space<vmem>>
      %dma_wait3A_229 = tpu.memref_squeeze %dma_wait3A_228 : memref<1x1x1x40xi32, #tpu.memory_space<vmem>> -> memref<40xi32, #tpu.memory_space<vmem>>
      %dma_wait3A_230 = arith.constant 0 : i32
      %dma_wait3A_231 = arith.constant 0 : i32
      %dma_wait3A_232 = tpu.memref_slice %arg2[%dma_wait3A_230, %dma_wait3A_231] : memref<10000x128xf32, #tpu.memory_space<hbm>> -> memref<10000x128xf32, #tpu.memory_space<hbm>>
      tpu.wait_indirect_dma semaphore(%arg9 : memref<!tpu.dma_semaphore, #tpu.memory_space<semaphore_mem>>) src(%dma_wait3A_232 : memref<10000x128xf32, #tpu.memory_space<hbm>>) dst(%dma_wait3A_226 : memref<40x128xf32, #tpu.memory_space<vmem>>)
      %dma_start3A_233 = arith.constant 1 : i32
      %dma_start3A_234 = arith.constant 1 : i32
      %dma_start3A_235 = arith.constant 0 : i32
      %dma_start3A_236 = arith.constant 1 : i32
      %dma_start3A_237 = arith.constant 0 : i32
      %dma_start3A_238 = arith.constant 0 : i32
      %dma_start3A_239 = tpu.memref_slice %arg7[%dma_start3A_236, %dma_start3A_237, %dma_start3A_238] : memref<2x40x128xf32, #tpu.memory_space<vmem>> -> memref<1x40x128xf32, #tpu.memory_space<vmem>>
      %dma_start3A_240 = tpu.memref_squeeze %dma_start3A_239 : memref<1x40x128xf32, #tpu.memory_space<vmem>> -> memref<40x128xf32, #tpu.memory_space<vmem>>
      %dma_start3A_241 = arith.constant 0 : i32
      %dma_start3A_242 = tpu.memref_slice %arg6[%dma_start3A_233, %dma_start3A_234, %dma_start3A_235, %dma_start3A_241] : memref<2x2x2x40xi32, #tpu.memory_space<vmem>> -> memref<1x1x1x40xi32, #tpu.memory_space<vmem>>
      %dma_start3A_243 = tpu.memref_squeeze %dma_start3A_242 : memref<1x1x1x40xi32, #tpu.memory_space<vmem>> -> memref<40xi32, #tpu.memory_space<vmem>>
      %dma_start3A_244 = arith.constant 0 : i32
      %dma_start3A_245 = arith.constant 0 : i32
      %dma_start3A_246 = tpu.memref_slice %arg2[%dma_start3A_244, %dma_start3A_245] : memref<10000x128xf32, #tpu.memory_space<hbm>> -> memref<10000x128xf32, #tpu.memory_space<hbm>>
      tpu.enqueue_indirect_dma source(%dma_start3A_246 : memref<10000x128xf32, #tpu.memory_space<hbm>>) target(%dma_start3A_240 : memref<40x128xf32, #tpu.memory_space<vmem>>) offsets(%dma_start3A_243 : memref<40xi32, #tpu.memory_space<vmem>>) semaphore(%arg10 : memref<!tpu.dma_semaphore, #tpu.memory_space<semaphore_mem>>)
      %run_scoped3A_247 = arith.constant 0 : i32
      %run_scoped3A_248 = arith.constant 1 : i32
      %run_scoped3A_249 = arith.constant 0 : i32
      %run_scoped3A_250 = arith.constant 1 : i32
      "tpu.region"() ({
        %run_scoped3A_312 = tpu.sem_alloc : memref<!tpu.dma_semaphore, #tpu.memory_space<semaphore_mem>>
        %dma_start3A_313 = arith.constant 0 : i32
        %dma_start3A_314 = arith.constant 0 : i32
        %dma_start3A_315 = tpu.memref_slice %arg7[%run_scoped3A_247, %dma_start3A_313, %dma_start3A_314] : memref<2x40x128xf32, #tpu.memory_space<vmem>> -> memref<1x40x128xf32, #tpu.memory_space<vmem>>
        %dma_start3A_316 = tpu.memref_squeeze %dma_start3A_315 : memref<1x40x128xf32, #tpu.memory_space<vmem>> -> memref<40x128xf32, #tpu.memory_space<vmem>>
        %dma_start3A_317 = arith.constant 0 : i32
        %dma_start3A_318 = tpu.memref_slice %arg6[%run_scoped3A_248, %run_scoped3A_249, %run_scoped3A_250, %dma_start3A_317] : memref<2x2x2x40xi32, #tpu.memory_space<vmem>> -> memref<1x1x1x40xi32, #tpu.memory_space<vmem>>
        %dma_start3A_319 = tpu.memref_squeeze %dma_start3A_318 : memref<1x1x1x40xi32, #tpu.memory_space<vmem>> -> memref<40xi32, #tpu.memory_space<vmem>>
        %dma_start3A_320 = arith.constant 0 : i32
        %dma_start3A_321 = arith.constant 0 : i32
        %dma_start3A_322 = tpu.memref_slice %arg8[%dma_start3A_320, %dma_start3A_321] : memref<10008x128xf32, #tpu.memory_space<vmem_shared>> -> memref<10008x128xf32, #tpu.memory_space<vmem_shared>>
        tpu.enqueue_indirect_dma source(%dma_start3A_316 : memref<40x128xf32, #tpu.memory_space<vmem>>) target(%dma_start3A_322 : memref<10008x128xf32, #tpu.memory_space<vmem_shared>>) offsets(%dma_start3A_319 : memref<40xi32, #tpu.memory_space<vmem>>) semaphore(%run_scoped3A_312 : memref<!tpu.dma_semaphore, #tpu.memory_space<semaphore_mem>>) {add = true}
        %dma_wait3A_323 = arith.constant 0 : i32
        %dma_wait3A_324 = arith.constant 0 : i32
        %dma_wait3A_325 = tpu.memref_slice %arg7[%run_scoped3A_247, %dma_wait3A_323, %dma_wait3A_324] : memref<2x40x128xf32, #tpu.memory_space<vmem>> -> memref<1x40x128xf32, #tpu.memory_space<vmem>>
        %dma_wait3A_326 = tpu.memref_squeeze %dma_wait3A_325 : memref<1x40x128xf32, #tpu.memory_space<vmem>> -> memref<40x128xf32, #tpu.memory_space<vmem>>
        %dma_wait3A_327 = arith.constant 0 : i32
        %dma_wait3A_328 = tpu.memref_slice %arg6[%run_scoped3A_248, %run_scoped3A_249, %run_scoped3A_250, %dma_wait3A_327] : memref<2x2x2x40xi32, #tpu.memory_space<vmem>> -> memref<1x1x1x40xi32, #tpu.memory_space<vmem>>
        %dma_wait3A_329 = tpu.memref_squeeze %dma_wait3A_328 : memref<1x1x1x40xi32, #tpu.memory_space<vmem>> -> memref<40xi32, #tpu.memory_space<vmem>>
        %dma_wait3A_330 = arith.constant 0 : i32
        %dma_wait3A_331 = arith.constant 0 : i32
        %dma_wait3A_332 = tpu.memref_slice %arg8[%dma_wait3A_330, %dma_wait3A_331] : memref<10008x128xf32, #tpu.memory_space<vmem_shared>> -> memref<10008x128xf32, #tpu.memory_space<vmem_shared>>
        tpu.wait_indirect_dma semaphore(%run_scoped3A_312 : memref<!tpu.dma_semaphore, #tpu.memory_space<semaphore_mem>>) src(%dma_wait3A_326 : memref<40x128xf32, #tpu.memory_space<vmem>>) dst(%dma_wait3A_332 : memref<10008x128xf32, #tpu.memory_space<vmem_shared>>)
        tpu.yield
      }) : () -> ()
      %add3A_251 = arith.constant 2 : i32
      %add3A_252 = arith.addi %add3A_108, %add3A_251 : i32
      %mul3A_253 = arith.constant 2 : i32
      %mul3A_254 = arith.muli %mul3A_253, %add3A_252 : i32
      %dma_wait3A_255 = arith.constant 0 : i32
      %dma_wait3A_256 = arith.constant 0 : i32
      %dma_wait3A_257 = arith.constant 0 : i32
      %dma_wait3A_258 = arith.constant 0 : i32
      %dma_wait3A_259 = tpu.memref_slice %arg6[%dma_wait3A_255, %dma_wait3A_256, %dma_wait3A_257, %dma_wait3A_258] : memref<2x2x2x40xi32, #tpu.memory_space<vmem>> -> memref<1x2x2x40xi32, #tpu.memory_space<vmem>>
      %dma_wait3A_260 = tpu.memref_squeeze %dma_wait3A_259 : memref<1x2x2x40xi32, #tpu.memory_space<vmem>> -> memref<2x2x40xi32, #tpu.memory_space<vmem>>
      %dma_wait3A_261 = arith.constant 0 : i32
      %dma_wait3A_262 = arith.constant 0 : i32
      %dma_wait3A_263 = tpu.memref_slice %arg3[%add3A, %mul3A_254, %dma_wait3A_261, %dma_wait3A_262] : memref<32x250x2x40xi32, #tpu.memory_space<hbm>> -> memref<1x2x2x40xi32, #tpu.memory_space<hbm>>
      %dma_wait3A_264 = tpu.memref_squeeze %dma_wait3A_263 : memref<1x2x2x40xi32, #tpu.memory_space<hbm>> -> memref<2x2x40xi32, #tpu.memory_space<hbm>>
      %dma_wait3A_265 = arith.constant 0 : i32
      %dma_wait3A_266 = arith.constant 0 : i32
      %dma_wait3A_267 = arith.constant 0 : i32
      %dma_wait3A_268 = tpu.memref_slice %arg6[%dma_wait3A_255, %dma_wait3A_265, %dma_wait3A_266, %dma_wait3A_267] : memref<2x2x2x40xi32, #tpu.memory_space<vmem>> -> memref<1x2x2x40xi32, #tpu.memory_space<vmem>>
      %dma_wait3A_269 = tpu.memref_squeeze %dma_wait3A_268 : memref<1x2x2x40xi32, #tpu.memory_space<vmem>> -> memref<2x2x40xi32, #tpu.memory_space<vmem>>
      %dma_wait3A_270 = arith.constant 0 : i32
      %dma_wait3A_271 = arith.constant 0 : i32
      %dma_wait3A_272 = tpu.memref_slice %arg3[%add3A, %mul3A_254, %dma_wait3A_270, %dma_wait3A_271] : memref<32x250x2x40xi32, #tpu.memory_space<hbm>> -> memref<1x2x2x40xi32, #tpu.memory_space<hbm>>
      %dma_wait3A_273 = tpu.memref_squeeze %dma_wait3A_272 : memref<1x2x2x40xi32, #tpu.memory_space<hbm>> -> memref<2x2x40xi32, #tpu.memory_space<hbm>>
      tpu.wait_dma2 semaphore(%arg11 : memref<!tpu.dma_semaphore, #tpu.memory_space<semaphore_mem>>) src(%dma_wait3A_273 : memref<2x2x40xi32, #tpu.memory_space<hbm>>) dst(%dma_wait3A_269 : memref<2x2x40xi32, #tpu.memory_space<vmem>>)
      %dma_wait3A_274 = arith.constant 1 : i32
      %dma_wait3A_275 = arith.constant 1 : i32
      %dma_wait3A_276 = arith.constant 0 : i32
      %dma_wait3A_277 = arith.constant 1 : i32
      %dma_wait3A_278 = arith.constant 0 : i32
      %dma_wait3A_279 = arith.constant 0 : i32
      %dma_wait3A_280 = tpu.memref_slice %arg7[%dma_wait3A_277, %dma_wait3A_278, %dma_wait3A_279] : memref<2x40x128xf32, #tpu.memory_space<vmem>> -> memref<1x40x128xf32, #tpu.memory_space<vmem>>
      %dma_wait3A_281 = tpu.memref_squeeze %dma_wait3A_280 : memref<1x40x128xf32, #tpu.memory_space<vmem>> -> memref<40x128xf32, #tpu.memory_space<vmem>>
      %dma_wait3A_282 = arith.constant 0 : i32
      %dma_wait3A_283 = tpu.memref_slice %arg6[%dma_wait3A_274, %dma_wait3A_275, %dma_wait3A_276, %dma_wait3A_282] : memref<2x2x2x40xi32, #tpu.memory_space<vmem>> -> memref<1x1x1x40xi32, #tpu.memory_space<vmem>>
      %dma_wait3A_284 = tpu.memref_squeeze %dma_wait3A_283 : memref<1x1x1x40xi32, #tpu.memory_space<vmem>> -> memref<40xi32, #tpu.memory_space<vmem>>
      %dma_wait3A_285 = arith.constant 0 : i32
      %dma_wait3A_286 = arith.constant 0 : i32
      %dma_wait3A_287 = tpu.memref_slice %arg2[%dma_wait3A_285, %dma_wait3A_286] : memref<10000x128xf32, #tpu.memory_space<hbm>> -> memref<10000x128xf32, #tpu.memory_space<hbm>>
      tpu.wait_indirect_dma semaphore(%arg10 : memref<!tpu.dma_semaphore, #tpu.memory_space<semaphore_mem>>) src(%dma_wait3A_287 : memref<10000x128xf32, #tpu.memory_space<hbm>>) dst(%dma_wait3A_281 : memref<40x128xf32, #tpu.memory_space<vmem>>)
      %dma_start3A_288 = arith.constant 0 : i32
      %dma_start3A_289 = arith.constant 0 : i32
      %dma_start3A_290 = arith.constant 0 : i32
      %dma_start3A_291 = arith.constant 0 : i32
      %dma_start3A_292 = arith.constant 0 : i32
      %dma_start3A_293 = arith.constant 0 : i32
      %dma_start3A_294 = tpu.memref_slice %arg7[%dma_start3A_291, %dma_start3A_292, %dma_start3A_293] : memref<2x40x128xf32, #tpu.memory_space<vmem>> -> memref<1x40x128xf32, #tpu.memory_space<vmem>>
      %dma_start3A_295 = tpu.memref_squeeze %dma_start3A_294 : memref<1x40x128xf32, #tpu.memory_space<vmem>> -> memref<40x128xf32, #tpu.memory_space<vmem>>
      %dma_start3A_296 = arith.constant 0 : i32
      %dma_start3A_297 = tpu.memref_slice %arg6[%dma_start3A_288, %dma_start3A_289, %dma_start3A_290, %dma_start3A_296] : memref<2x2x2x40xi32, #tpu.memory_space<vmem>> -> memref<1x1x1x40xi32, #tpu.memory_space<vmem>>
      %dma_start3A_298 = tpu.memref_squeeze %dma_start3A_297 : memref<1x1x1x40xi32, #tpu.memory_space<vmem>> -> memref<40xi32, #tpu.memory_space<vmem>>
      %dma_start3A_299 = arith.constant 0 : i32
      %dma_start3A_300 = arith.constant 0 : i32
      %dma_start3A_301 = tpu.memref_slice %arg2[%dma_start3A_299, %dma_start3A_300] : memref<10000x128xf32, #tpu.memory_space<hbm>> -> memref<10000x128xf32, #tpu.memory_space<hbm>>
      tpu.enqueue_indirect_dma source(%dma_start3A_301 : memref<10000x128xf32, #tpu.memory_space<hbm>>) target(%dma_start3A_295 : memref<40x128xf32, #tpu.memory_space<vmem>>) offsets(%dma_start3A_298 : memref<40xi32, #tpu.memory_space<vmem>>) semaphore(%arg9 : memref<!tpu.dma_semaphore, #tpu.memory_space<semaphore_mem>>)
      %run_scoped3A_302 = arith.constant 1 : i32
      %run_scoped3A_303 = arith.constant 1 : i32
      %run_scoped3A_304 = arith.constant 1 : i32
      %run_scoped3A_305 = arith.constant 1 : i32
      "tpu.region"() ({
        %run_scoped3A_312 = tpu.sem_alloc : memref<!tpu.dma_semaphore, #tpu.memory_space<semaphore_mem>>
        %dma_start3A_313 = arith.constant 0 : i32
        %dma_start3A_314 = arith.constant 0 : i32
        %dma_start3A_315 = tpu.memref_slice %arg7[%run_scoped3A_302, %dma_start3A_313, %dma_start3A_314] : memref<2x40x128xf32, #tpu.memory_space<vmem>> -> memref<1x40x128xf32, #tpu.memory_space<vmem>>
        %dma_start3A_316 = tpu.memref_squeeze %dma_start3A_315 : memref<1x40x128xf32, #tpu.memory_space<vmem>> -> memref<40x128xf32, #tpu.memory_space<vmem>>
        %dma_start3A_317 = arith.constant 0 : i32
        %dma_start3A_318 = tpu.memref_slice %arg6[%run_scoped3A_303, %run_scoped3A_304, %run_scoped3A_305, %dma_start3A_317] : memref<2x2x2x40xi32, #tpu.memory_space<vmem>> -> memref<1x1x1x40xi32, #tpu.memory_space<vmem>>
        %dma_start3A_319 = tpu.memref_squeeze %dma_start3A_318 : memref<1x1x1x40xi32, #tpu.memory_space<vmem>> -> memref<40xi32, #tpu.memory_space<vmem>>
        %dma_start3A_320 = arith.constant 0 : i32
        %dma_start3A_321 = arith.constant 0 : i32
        %dma_start3A_322 = tpu.memref_slice %arg8[%dma_start3A_320, %dma_start3A_321] : memref<10008x128xf32, #tpu.memory_space<vmem_shared>> -> memref<10008x128xf32, #tpu.memory_space<vmem_shared>>
        tpu.enqueue_indirect_dma source(%dma_start3A_316 : memref<40x128xf32, #tpu.memory_space<vmem>>) target(%dma_start3A_322 : memref<10008x128xf32, #tpu.memory_space<vmem_shared>>) offsets(%dma_start3A_319 : memref<40xi32, #tpu.memory_space<vmem>>) semaphore(%run_scoped3A_312 : memref<!tpu.dma_semaphore, #tpu.memory_space<semaphore_mem>>) {add = true}
        %dma_wait3A_323 = arith.constant 0 : i32
        %dma_wait3A_324 = arith.constant 0 : i32
        %dma_wait3A_325 = tpu.memref_slice %arg7[%run_scoped3A_302, %dma_wait3A_323, %dma_wait3A_324] : memref<2x40x128xf32, #tpu.memory_space<vmem>> -> memref<1x40x128xf32, #tpu.memory_space<vmem>>
        %dma_wait3A_326 = tpu.memref_squeeze %dma_wait3A_325 : memref<1x40x128xf32, #tpu.memory_space<vmem>> -> memref<40x128xf32, #tpu.memory_space<vmem>>
        %dma_wait3A_327 = arith.constant 0 : i32
        %dma_wait3A_328 = tpu.memref_slice %arg6[%run_scoped3A_303, %run_scoped3A_304, %run_scoped3A_305, %dma_wait3A_327] : memref<2x2x2x40xi32, #tpu.memory_space<vmem>> -> memref<1x1x1x40xi32, #tpu.memory_space<vmem>>
        %dma_wait3A_329 = tpu.memref_squeeze %dma_wait3A_328 : memref<1x1x1x40xi32, #tpu.memory_space<vmem>> -> memref<40xi32, #tpu.memory_space<vmem>>
        %dma_wait3A_330 = arith.constant 0 : i32
        %dma_wait3A_331 = arith.constant 0 : i32
        %dma_wait3A_332 = tpu.memref_slice %arg8[%dma_wait3A_330, %dma_wait3A_331] : memref<10008x128xf32, #tpu.memory_space<vmem_shared>> -> memref<10008x128xf32, #tpu.memory_space<vmem_shared>>
        tpu.wait_indirect_dma semaphore(%run_scoped3A_312 : memref<!tpu.dma_semaphore, #tpu.memory_space<semaphore_mem>>) src(%dma_wait3A_326 : memref<40x128xf32, #tpu.memory_space<vmem>>) dst(%dma_wait3A_332 : memref<10008x128xf32, #tpu.memory_space<vmem_shared>>)
        tpu.yield
      }) : () -> ()
      %add3A_306 = arith.constant 3 : i32
      %add3A_307 = arith.addi %add3A_108, %add3A_306 : i32
      %lt3A = arith.constant 125 : i32
      %lt3A_308 = arith.cmpi slt, %add3A_307, %lt3A : i32
      %convert_element_type3A_309 = arith.extui %lt3A_308 : i1 to i32
      %cond3A_310 = arith.constant 0 : i32
      %cond3A_311 = arith.cmpi ne, %convert_element_type3A_309, %cond3A_310 : i32
      scf.if %cond3A_311 {
        %add3A_312 = arith.constant 3 : i32
        %add3A_313 = arith.addi %add3A_108, %add3A_312 : i32
        %mul3A_314 = arith.constant 2 : i32
        %mul3A_315 = arith.muli %mul3A_314, %add3A_313 : i32
        %dma_start3A_316 = arith.constant 1 : i32
        %dma_start3A_317 = arith.constant 0 : i32
        %dma_start3A_318 = arith.constant 0 : i32
        %dma_start3A_319 = arith.constant 0 : i32
        %dma_start3A_320 = tpu.memref_slice %arg6[%dma_start3A_316, %dma_start3A_317, %dma_start3A_318, %dma_start3A_319] : memref<2x2x2x40xi32, #tpu.memory_space<vmem>> -> memref<1x2x2x40xi32, #tpu.memory_space<vmem>>
        %dma_start3A_321 = tpu.memref_squeeze %dma_start3A_320 : memref<1x2x2x40xi32, #tpu.memory_space<vmem>> -> memref<2x2x40xi32, #tpu.memory_space<vmem>>
        %dma_start3A_322 = arith.constant 0 : i32
        %dma_start3A_323 = arith.constant 0 : i32
        %dma_start3A_324 = tpu.memref_slice %arg3[%add3A, %mul3A_315, %dma_start3A_322, %dma_start3A_323] : memref<32x250x2x40xi32, #tpu.memory_space<hbm>> -> memref<1x2x2x40xi32, #tpu.memory_space<hbm>>
        %dma_start3A_325 = tpu.memref_squeeze %dma_start3A_324 : memref<1x2x2x40xi32, #tpu.memory_space<hbm>> -> memref<2x2x40xi32, #tpu.memory_space<hbm>>
        %dma_start3A_326 = arith.constant 0 : i32
        %dma_start3A_327 = arith.constant 0 : i32
        %dma_start3A_328 = arith.constant 0 : i32
        %dma_start3A_329 = tpu.memref_slice %arg6[%dma_start3A_316, %dma_start3A_326, %dma_start3A_327, %dma_start3A_328] : memref<2x2x2x40xi32, #tpu.memory_space<vmem>> -> memref<1x2x2x40xi32, #tpu.memory_space<vmem>>
        %dma_start3A_330 = tpu.memref_squeeze %dma_start3A_329 : memref<1x2x2x40xi32, #tpu.memory_space<vmem>> -> memref<2x2x40xi32, #tpu.memory_space<vmem>>
        %dma_start3A_331 = arith.constant 0 : i32
        %dma_start3A_332 = arith.constant 0 : i32
        %dma_start3A_333 = tpu.memref_slice %arg3[%add3A, %mul3A_315, %dma_start3A_331, %dma_start3A_332] : memref<32x250x2x40xi32, #tpu.memory_space<hbm>> -> memref<1x2x2x40xi32, #tpu.memory_space<hbm>>
        %dma_start3A_334 = tpu.memref_squeeze %dma_start3A_333 : memref<1x2x2x40xi32, #tpu.memory_space<hbm>> -> memref<2x2x40xi32, #tpu.memory_space<hbm>>
        tpu.enqueue_dma source(%dma_start3A_334 : memref<2x2x40xi32, #tpu.memory_space<hbm>>) target(%dma_start3A_330 : memref<2x2x40xi32, #tpu.memory_space<vmem>>) target_semaphore(%arg12 : memref<!tpu.dma_semaphore, #tpu.memory_space<semaphore_mem>>)
      } else {
      }
    }
    %scan3A_44 = arith.constant 62 : i32
    %dma_wait3A = arith.constant 0 : i32
    %dma_wait3A_45 = arith.constant 0 : i32
    %dma_wait3A_46 = arith.constant 0 : i32
    %dma_wait3A_47 = arith.constant 0 : i32
    %dma_wait3A_48 = arith.constant 0 : i32
    %dma_wait3A_49 = arith.constant 0 : i32
    %dma_wait3A_50 = tpu.memref_slice %arg7[%dma_wait3A_47, %dma_wait3A_48, %dma_wait3A_49] : memref<2x40x128xf32, #tpu.memory_space<vmem>> -> memref<1x40x128xf32, #tpu.memory_space<vmem>>
    %dma_wait3A_51 = tpu.memref_squeeze %dma_wait3A_50 : memref<1x40x128xf32, #tpu.memory_space<vmem>> -> memref<40x128xf32, #tpu.memory_space<vmem>>
    %dma_wait3A_52 = arith.constant 0 : i32
    %dma_wait3A_53 = tpu.memref_slice %arg6[%dma_wait3A, %dma_wait3A_45, %dma_wait3A_46, %dma_wait3A_52] : memref<2x2x2x40xi32, #tpu.memory_space<vmem>> -> memref<1x1x1x40xi32, #tpu.memory_space<vmem>>
    %dma_wait3A_54 = tpu.memref_squeeze %dma_wait3A_53 : memref<1x1x1x40xi32, #tpu.memory_space<vmem>> -> memref<40xi32, #tpu.memory_space<vmem>>
    %dma_wait3A_55 = arith.constant 0 : i32
    %dma_wait3A_56 = arith.constant 0 : i32
    %dma_wait3A_57 = tpu.memref_slice %arg2[%dma_wait3A_55, %dma_wait3A_56] : memref<10000x128xf32, #tpu.memory_space<hbm>> -> memref<10000x128xf32, #tpu.memory_space<hbm>>
    tpu.wait_indirect_dma semaphore(%arg9 : memref<!tpu.dma_semaphore, #tpu.memory_space<semaphore_mem>>) src(%dma_wait3A_57 : memref<10000x128xf32, #tpu.memory_space<hbm>>) dst(%dma_wait3A_51 : memref<40x128xf32, #tpu.memory_space<vmem>>)
    %dma_start3A_58 = arith.constant 0 : i32
    %dma_start3A_59 = arith.constant 1 : i32
    %dma_start3A_60 = arith.constant 0 : i32
    %dma_start3A_61 = arith.constant 1 : i32
    %dma_start3A_62 = arith.constant 0 : i32
    %dma_start3A_63 = arith.constant 0 : i32
    %dma_start3A_64 = tpu.memref_slice %arg7[%dma_start3A_61, %dma_start3A_62, %dma_start3A_63] : memref<2x40x128xf32, #tpu.memory_space<vmem>> -> memref<1x40x128xf32, #tpu.memory_space<vmem>>
    %dma_start3A_65 = tpu.memref_squeeze %dma_start3A_64 : memref<1x40x128xf32, #tpu.memory_space<vmem>> -> memref<40x128xf32, #tpu.memory_space<vmem>>
    %dma_start3A_66 = arith.constant 0 : i32
    %dma_start3A_67 = tpu.memref_slice %arg6[%dma_start3A_58, %dma_start3A_59, %dma_start3A_60, %dma_start3A_66] : memref<2x2x2x40xi32, #tpu.memory_space<vmem>> -> memref<1x1x1x40xi32, #tpu.memory_space<vmem>>
    %dma_start3A_68 = tpu.memref_squeeze %dma_start3A_67 : memref<1x1x1x40xi32, #tpu.memory_space<vmem>> -> memref<40xi32, #tpu.memory_space<vmem>>
    %dma_start3A_69 = arith.constant 0 : i32
    %dma_start3A_70 = arith.constant 0 : i32
    %dma_start3A_71 = tpu.memref_slice %arg2[%dma_start3A_69, %dma_start3A_70] : memref<10000x128xf32, #tpu.memory_space<hbm>> -> memref<10000x128xf32, #tpu.memory_space<hbm>>
    tpu.enqueue_indirect_dma source(%dma_start3A_71 : memref<10000x128xf32, #tpu.memory_space<hbm>>) target(%dma_start3A_65 : memref<40x128xf32, #tpu.memory_space<vmem>>) offsets(%dma_start3A_68 : memref<40xi32, #tpu.memory_space<vmem>>) semaphore(%arg10 : memref<!tpu.dma_semaphore, #tpu.memory_space<semaphore_mem>>)
    %run_scoped3A_72 = arith.constant 0 : i32
    %run_scoped3A_73 = arith.constant 0 : i32
    %run_scoped3A_74 = arith.constant 0 : i32
    %run_scoped3A_75 = arith.constant 1 : i32
    "tpu.region"() ({
      %run_scoped3A_104 = tpu.sem_alloc : memref<!tpu.dma_semaphore, #tpu.memory_space<semaphore_mem>>
      %dma_start3A_105 = arith.constant 0 : i32
      %dma_start3A_106 = arith.constant 0 : i32
      %dma_start3A_107 = tpu.memref_slice %arg7[%run_scoped3A_72, %dma_start3A_105, %dma_start3A_106] : memref<2x40x128xf32, #tpu.memory_space<vmem>> -> memref<1x40x128xf32, #tpu.memory_space<vmem>>
      %dma_start3A_108 = tpu.memref_squeeze %dma_start3A_107 : memref<1x40x128xf32, #tpu.memory_space<vmem>> -> memref<40x128xf32, #tpu.memory_space<vmem>>
      %dma_start3A_109 = arith.constant 0 : i32
      %dma_start3A_110 = tpu.memref_slice %arg6[%run_scoped3A_73, %run_scoped3A_74, %run_scoped3A_75, %dma_start3A_109] : memref<2x2x2x40xi32, #tpu.memory_space<vmem>> -> memref<1x1x1x40xi32, #tpu.memory_space<vmem>>
      %dma_start3A_111 = tpu.memref_squeeze %dma_start3A_110 : memref<1x1x1x40xi32, #tpu.memory_space<vmem>> -> memref<40xi32, #tpu.memory_space<vmem>>
      %dma_start3A_112 = arith.constant 0 : i32
      %dma_start3A_113 = arith.constant 0 : i32
      %dma_start3A_114 = tpu.memref_slice %arg8[%dma_start3A_112, %dma_start3A_113] : memref<10008x128xf32, #tpu.memory_space<vmem_shared>> -> memref<10008x128xf32, #tpu.memory_space<vmem_shared>>
      tpu.enqueue_indirect_dma source(%dma_start3A_108 : memref<40x128xf32, #tpu.memory_space<vmem>>) target(%dma_start3A_114 : memref<10008x128xf32, #tpu.memory_space<vmem_shared>>) offsets(%dma_start3A_111 : memref<40xi32, #tpu.memory_space<vmem>>) semaphore(%run_scoped3A_104 : memref<!tpu.dma_semaphore, #tpu.memory_space<semaphore_mem>>) {add = true}
      %dma_wait3A_115 = arith.constant 0 : i32
      %dma_wait3A_116 = arith.constant 0 : i32
      %dma_wait3A_117 = tpu.memref_slice %arg7[%run_scoped3A_72, %dma_wait3A_115, %dma_wait3A_116] : memref<2x40x128xf32, #tpu.memory_space<vmem>> -> memref<1x40x128xf32, #tpu.memory_space<vmem>>
      %dma_wait3A_118 = tpu.memref_squeeze %dma_wait3A_117 : memref<1x40x128xf32, #tpu.memory_space<vmem>> -> memref<40x128xf32, #tpu.memory_space<vmem>>
      %dma_wait3A_119 = arith.constant 0 : i32
      %dma_wait3A_120 = tpu.memref_slice %arg6[%run_scoped3A_73, %run_scoped3A_74, %run_scoped3A_75, %dma_wait3A_119] : memref<2x2x2x40xi32, #tpu.memory_space<vmem>> -> memref<1x1x1x40xi32, #tpu.memory_space<vmem>>
      %dma_wait3A_121 = tpu.memref_squeeze %dma_wait3A_120 : memref<1x1x1x40xi32, #tpu.memory_space<vmem>> -> memref<40xi32, #tpu.memory_space<vmem>>
      %dma_wait3A_122 = arith.constant 0 : i32
      %dma_wait3A_123 = arith.constant 0 : i32
      %dma_wait3A_124 = tpu.memref_slice %arg8[%dma_wait3A_122, %dma_wait3A_123] : memref<10008x128xf32, #tpu.memory_space<vmem_shared>> -> memref<10008x128xf32, #tpu.memory_space<vmem_shared>>
      tpu.wait_indirect_dma semaphore(%run_scoped3A_104 : memref<!tpu.dma_semaphore, #tpu.memory_space<semaphore_mem>>) src(%dma_wait3A_118 : memref<40x128xf32, #tpu.memory_space<vmem>>) dst(%dma_wait3A_124 : memref<10008x128xf32, #tpu.memory_space<vmem_shared>>)
      tpu.yield
    }) : () -> ()
    %dma_wait3A_76 = arith.constant 0 : i32
    %dma_wait3A_77 = arith.constant 1 : i32
    %dma_wait3A_78 = arith.constant 0 : i32
    %dma_wait3A_79 = arith.constant 1 : i32
    %dma_wait3A_80 = arith.constant 0 : i32
    %dma_wait3A_81 = arith.constant 0 : i32
    %dma_wait3A_82 = tpu.memref_slice %arg7[%dma_wait3A_79, %dma_wait3A_80, %dma_wait3A_81] : memref<2x40x128xf32, #tpu.memory_space<vmem>> -> memref<1x40x128xf32, #tpu.memory_space<vmem>>
    %dma_wait3A_83 = tpu.memref_squeeze %dma_wait3A_82 : memref<1x40x128xf32, #tpu.memory_space<vmem>> -> memref<40x128xf32, #tpu.memory_space<vmem>>
    %dma_wait3A_84 = arith.constant 0 : i32
    %dma_wait3A_85 = tpu.memref_slice %arg6[%dma_wait3A_76, %dma_wait3A_77, %dma_wait3A_78, %dma_wait3A_84] : memref<2x2x2x40xi32, #tpu.memory_space<vmem>> -> memref<1x1x1x40xi32, #tpu.memory_space<vmem>>
    %dma_wait3A_86 = tpu.memref_squeeze %dma_wait3A_85 : memref<1x1x1x40xi32, #tpu.memory_space<vmem>> -> memref<40xi32, #tpu.memory_space<vmem>>
    %dma_wait3A_87 = arith.constant 0 : i32
    %dma_wait3A_88 = arith.constant 0 : i32
    %dma_wait3A_89 = tpu.memref_slice %arg2[%dma_wait3A_87, %dma_wait3A_88] : memref<10000x128xf32, #tpu.memory_space<hbm>> -> memref<10000x128xf32, #tpu.memory_space<hbm>>
    tpu.wait_indirect_dma semaphore(%arg10 : memref<!tpu.dma_semaphore, #tpu.memory_space<semaphore_mem>>) src(%dma_wait3A_89 : memref<10000x128xf32, #tpu.memory_space<hbm>>) dst(%dma_wait3A_83 : memref<40x128xf32, #tpu.memory_space<vmem>>)
    %run_scoped3A_90 = arith.constant 1 : i32
    %run_scoped3A_91 = arith.constant 0 : i32
    %run_scoped3A_92 = arith.constant 1 : i32
    %run_scoped3A_93 = arith.constant 1 : i32
    "tpu.region"() ({
      %run_scoped3A_104 = tpu.sem_alloc : memref<!tpu.dma_semaphore, #tpu.memory_space<semaphore_mem>>
      %dma_start3A_105 = arith.constant 0 : i32
      %dma_start3A_106 = arith.constant 0 : i32
      %dma_start3A_107 = tpu.memref_slice %arg7[%run_scoped3A_90, %dma_start3A_105, %dma_start3A_106] : memref<2x40x128xf32, #tpu.memory_space<vmem>> -> memref<1x40x128xf32, #tpu.memory_space<vmem>>
      %dma_start3A_108 = tpu.memref_squeeze %dma_start3A_107 : memref<1x40x128xf32, #tpu.memory_space<vmem>> -> memref<40x128xf32, #tpu.memory_space<vmem>>
      %dma_start3A_109 = arith.constant 0 : i32
      %dma_start3A_110 = tpu.memref_slice %arg6[%run_scoped3A_91, %run_scoped3A_92, %run_scoped3A_93, %dma_start3A_109] : memref<2x2x2x40xi32, #tpu.memory_space<vmem>> -> memref<1x1x1x40xi32, #tpu.memory_space<vmem>>
      %dma_start3A_111 = tpu.memref_squeeze %dma_start3A_110 : memref<1x1x1x40xi32, #tpu.memory_space<vmem>> -> memref<40xi32, #tpu.memory_space<vmem>>
      %dma_start3A_112 = arith.constant 0 : i32
      %dma_start3A_113 = arith.constant 0 : i32
      %dma_start3A_114 = tpu.memref_slice %arg8[%dma_start3A_112, %dma_start3A_113] : memref<10008x128xf32, #tpu.memory_space<vmem_shared>> -> memref<10008x128xf32, #tpu.memory_space<vmem_shared>>
      tpu.enqueue_indirect_dma source(%dma_start3A_108 : memref<40x128xf32, #tpu.memory_space<vmem>>) target(%dma_start3A_114 : memref<10008x128xf32, #tpu.memory_space<vmem_shared>>) offsets(%dma_start3A_111 : memref<40xi32, #tpu.memory_space<vmem>>) semaphore(%run_scoped3A_104 : memref<!tpu.dma_semaphore, #tpu.memory_space<semaphore_mem>>) {add = true}
      %dma_wait3A_115 = arith.constant 0 : i32
      %dma_wait3A_116 = arith.constant 0 : i32
      %dma_wait3A_117 = tpu.memref_slice %arg7[%run_scoped3A_90, %dma_wait3A_115, %dma_wait3A_116] : memref<2x40x128xf32, #tpu.memory_space<vmem>> -> memref<1x40x128xf32, #tpu.memory_space<vmem>>
      %dma_wait3A_118 = tpu.memref_squeeze %dma_wait3A_117 : memref<1x40x128xf32, #tpu.memory_space<vmem>> -> memref<40x128xf32, #tpu.memory_space<vmem>>
      %dma_wait3A_119 = arith.constant 0 : i32
      %dma_wait3A_120 = tpu.memref_slice %arg6[%run_scoped3A_91, %run_scoped3A_92, %run_scoped3A_93, %dma_wait3A_119] : memref<2x2x2x40xi32, #tpu.memory_space<vmem>> -> memref<1x1x1x40xi32, #tpu.memory_space<vmem>>
      %dma_wait3A_121 = tpu.memref_squeeze %dma_wait3A_120 : memref<1x1x1x40xi32, #tpu.memory_space<vmem>> -> memref<40xi32, #tpu.memory_space<vmem>>
      %dma_wait3A_122 = arith.constant 0 : i32
      %dma_wait3A_123 = arith.constant 0 : i32
      %dma_wait3A_124 = tpu.memref_slice %arg8[%dma_wait3A_122, %dma_wait3A_123] : memref<10008x128xf32, #tpu.memory_space<vmem_shared>> -> memref<10008x128xf32, #tpu.memory_space<vmem_shared>>
      tpu.wait_indirect_dma semaphore(%run_scoped3A_104 : memref<!tpu.dma_semaphore, #tpu.memory_space<semaphore_mem>>) src(%dma_wait3A_118 : memref<40x128xf32, #tpu.memory_space<vmem>>) dst(%dma_wait3A_124 : memref<10008x128xf32, #tpu.memory_space<vmem_shared>>)
      tpu.yield
    }) : () -> ()
    %barrier3A_94 = arith.constant 0 : index
    tpu.barrier barrier_id(%barrier3A_94)
    %mul3A_95 = arith.constant 624 : i32
    %mul3A_96 = arith.muli %arg1, %mul3A_95 : i32
    %mul3A_97 = arith.constant 624 : i32
    %mul3A_98 = arith.muli %arg1, %mul3A_97 : i32
    "tpu.region"() ({
      %run_scoped3A_104 = tpu.sem_alloc : memref<!tpu.dma_semaphore, #tpu.memory_space<semaphore_mem>>
      %dma_start3A_105 = arith.constant 0 : i32
      %dma_start3A_106 = tpu.memref_slice %arg5[%arg0, %mul3A_98, %dma_start3A_105] : memref<2x10000x128xf32, #tpu.memory_space<hbm>> -> memref<1x624x128xf32, #tpu.memory_space<hbm>>
      %dma_start3A_107 = tpu.memref_squeeze %dma_start3A_106 : memref<1x624x128xf32, #tpu.memory_space<hbm>> -> memref<624x128xf32, #tpu.memory_space<hbm>>
      %dma_start3A_108 = arith.constant 0 : i32
      %dma_start3A_109 = tpu.memref_slice %arg8[%mul3A_96, %dma_start3A_108] : memref<10008x128xf32, #tpu.memory_space<vmem_shared>> -> memref<624x128xf32, #tpu.memory_space<vmem_shared>>
      tpu.enqueue_dma source(%dma_start3A_109 : memref<624x128xf32, #tpu.memory_space<vmem_shared>>) target(%dma_start3A_107 : memref<624x128xf32, #tpu.memory_space<hbm>>) target_semaphore(%run_scoped3A_104 : memref<!tpu.dma_semaphore, #tpu.memory_space<semaphore_mem>>)
      %dma_wait3A_110 = arith.constant 0 : i32
      %dma_wait3A_111 = tpu.memref_slice %arg5[%arg0, %mul3A_98, %dma_wait3A_110] : memref<2x10000x128xf32, #tpu.memory_space<hbm>> -> memref<1x624x128xf32, #tpu.memory_space<hbm>>
      %dma_wait3A_112 = tpu.memref_squeeze %dma_wait3A_111 : memref<1x624x128xf32, #tpu.memory_space<hbm>> -> memref<624x128xf32, #tpu.memory_space<hbm>>
      %dma_wait3A_113 = arith.constant 0 : i32
      %dma_wait3A_114 = tpu.memref_slice %arg8[%mul3A_96, %dma_wait3A_113] : memref<10008x128xf32, #tpu.memory_space<vmem_shared>> -> memref<624x128xf32, #tpu.memory_space<vmem_shared>>
      tpu.wait_dma2 semaphore(%run_scoped3A_104 : memref<!tpu.dma_semaphore, #tpu.memory_space<semaphore_mem>>) src(%dma_wait3A_114 : memref<624x128xf32, #tpu.memory_space<vmem_shared>>) dst(%dma_wait3A_112 : memref<624x128xf32, #tpu.memory_space<hbm>>)
      tpu.yield
    }) : () -> ()
    %eq3A_99 = arith.constant 15 : i32
    %eq3A_100 = arith.cmpi eq, %arg1, %eq3A_99 : i32
    %convert_element_type3A_101 = arith.extui %eq3A_100 : i1 to i32
    %cond3A_102 = arith.constant 0 : i32
    %cond3A_103 = arith.cmpi ne, %convert_element_type3A_101, %cond3A_102 : i32
    scf.if %cond3A_103 {
      "tpu.region"() ({
        %run_scoped3A_104 = tpu.sem_alloc : memref<!tpu.dma_semaphore, #tpu.memory_space<semaphore_mem>>
        %dma_start3A_105 = arith.constant 9984 : i32
        %dma_start3A_106 = arith.constant 0 : i32
        %dma_start3A_107 = tpu.memref_slice %arg5[%arg0, %dma_start3A_105, %dma_start3A_106] : memref<2x10000x128xf32, #tpu.memory_space<hbm>> -> memref<1x16x128xf32, #tpu.memory_space<hbm>>
        %dma_start3A_108 = tpu.memref_squeeze %dma_start3A_107 : memref<1x16x128xf32, #tpu.memory_space<hbm>> -> memref<16x128xf32, #tpu.memory_space<hbm>>
        %dma_start3A_109 = arith.constant 9984 : i32
        %dma_start3A_110 = arith.constant 0 : i32
        %dma_start3A_111 = tpu.memref_slice %arg8[%dma_start3A_109, %dma_start3A_110] : memref<10008x128xf32, #tpu.memory_space<vmem_shared>> -> memref<16x128xf32, #tpu.memory_space<vmem_shared>>
        tpu.enqueue_dma source(%dma_start3A_111 : memref<16x128xf32, #tpu.memory_space<vmem_shared>>) target(%dma_start3A_108 : memref<16x128xf32, #tpu.memory_space<hbm>>) target_semaphore(%run_scoped3A_104 : memref<!tpu.dma_semaphore, #tpu.memory_space<semaphore_mem>>)
        %dma_wait3A_112 = arith.constant 9984 : i32
        %dma_wait3A_113 = arith.constant 0 : i32
        %dma_wait3A_114 = tpu.memref_slice %arg5[%arg0, %dma_wait3A_112, %dma_wait3A_113] : memref<2x10000x128xf32, #tpu.memory_space<hbm>> -> memref<1x16x128xf32, #tpu.memory_space<hbm>>
        %dma_wait3A_115 = tpu.memref_squeeze %dma_wait3A_114 : memref<1x16x128xf32, #tpu.memory_space<hbm>> -> memref<16x128xf32, #tpu.memory_space<hbm>>
        %dma_wait3A_116 = arith.constant 9984 : i32
        %dma_wait3A_117 = arith.constant 0 : i32
        %dma_wait3A_118 = tpu.memref_slice %arg8[%dma_wait3A_116, %dma_wait3A_117] : memref<10008x128xf32, #tpu.memory_space<vmem_shared>> -> memref<16x128xf32, #tpu.memory_space<vmem_shared>>
        tpu.wait_dma2 semaphore(%run_scoped3A_104 : memref<!tpu.dma_semaphore, #tpu.memory_space<semaphore_mem>>) src(%dma_wait3A_118 : memref<16x128xf32, #tpu.memory_space<vmem_shared>>) dst(%dma_wait3A_115 : memref<16x128xf32, #tpu.memory_space<hbm>>)
        tpu.yield
      }) : () -> ()
    } else {
    }
    return
  }
}

module attributes {stable_mosaic.version = 14 : i64} {
  func.func @_mm_body(%arg0: i32, %arg1: memref<1000x128xf32, #tpu.memory_space<vmem>>, %arg2: memref<128x128xf32, #tpu.memory_space<vmem>>, %arg3: memref<1000x128xf32, #tpu.memory_space<vmem>>) attributes {dimension_semantics = [#tpu.dimension_semantics<arbitrary>], iteration_bounds = array<i64: 10>, scalar_prefetch = 0 : i64, scratch_operands = 0 : i64, tpu.core_type = #tpu.core_type<tc>, window_params = [{transform_indices = @transform_0, window_bounds = array<i64: 1000, 128>}, {pipeline_mode = #tpu.pipeline_mode<synchronous>, transform_indices = @transform_1, window_bounds = array<i64: 128, 128>}, {transform_indices = @transform_2, window_bounds = array<i64: 1000, 128>}]} {
    %get3A = arith.constant 0 : index
    %get3A_0 = arith.constant 0 : index
    %get3A_1 = vector.load %arg1[%get3A, %get3A_0] : memref<1000x128xf32, #tpu.memory_space<vmem>>, vector<1000x128xf32>
    %get3A_2 = arith.constant 0 : index
    %get3A_3 = arith.constant 0 : index
    %get3A_4 = vector.load %arg2[%get3A_2, %get3A_3] : memref<128x128xf32, #tpu.memory_space<vmem>>, vector<128x128xf32>
    %dot_general3A = arith.constant dense<0.000000e+00> : vector<1000x128xf32>
    %dot_general3A_5 = tpu.matmul %get3A_1, %get3A_4, %dot_general3A {dimension_numbers = #tpu.dot_dimension_numbers<[1], [0], [0], [1], [0, 0, 1, 1], [], []>, transpose_lhs_hint = false} : vector<1000x128xf32>, vector<128x128xf32>, vector<1000x128xf32> -> vector<1000x128xf32>
    %swap3A = arith.constant 0 : index
    %swap3A_6 = arith.constant 0 : index
    %swap3A_7 = vector.load %arg3[%swap3A, %swap3A_6] : memref<1000x128xf32, #tpu.memory_space<vmem>>, vector<1000x128xf32>
    tpu.vector_store %arg3[%swap3A, %swap3A_6], %dot_general3A_5 {strides = array<i32>} : memref<1000x128xf32, #tpu.memory_space<vmem>>, vector<1000x128xf32>,
    return
  }
  func.func @transform_0(%arg0: i32) -> (i32, i32) {
    %c0_i32 = arith.constant 0 : i32
    %c0_i32_0 = arith.constant 0 : i32
    return %arg0, %c0_i32 : i32, i32
  }
  func.func @transform_1(%arg0: i32) -> (i32, i32) {
    %c0_i32 = arith.constant 0 : i32
    %c0_i32_0 = arith.constant 0 : i32
    %c0_i32_1 = arith.constant 0 : i32
    return %c0_i32, %c0_i32_0 : i32, i32
  }
  func.func @transform_2(%arg0: i32) -> (i32, i32) {
    %c0_i32 = arith.constant 0 : i32
    %c0_i32_0 = arith.constant 0 : i32
    return %arg0, %c0_i32 : i32, i32
  }
}

module attributes {stable_mosaic.version = 14 : i64} {
  func.func @_prep_body(%arg0: i32, %arg1: memref<1000x128xf32, #tpu.memory_space<vmem>>, %arg2: memref<2x1000x128xf32, #tpu.memory_space<vmem>>, %arg3: memref<1x128xf32, #tpu.memory_space<vmem>>, %arg4: memref<1000x128xf32, #tpu.memory_space<vmem>>, %arg5: memref<1000x128xf32, #tpu.memory_space<vmem>>, %arg6: memref<1000x8xf32, #tpu.memory_space<vmem>>) attributes {dimension_semantics = [#tpu.dimension_semantics<arbitrary>], iteration_bounds = array<i64: 10>, scalar_prefetch = 0 : i64, scratch_operands = 0 : i64, tpu.core_type = #tpu.core_type<tc>, window_params = [{transform_indices = @transform_0, window_bounds = array<i64: 1000, 128>}, {transform_indices = @transform_1, window_bounds = array<i64: 2, 1000, 128>}, {pipeline_mode = #tpu.pipeline_mode<synchronous>, transform_indices = @transform_2, window_bounds = array<i64: 1, 128>}, {transform_indices = @transform_3, window_bounds = array<i64: 1000, 128>}, {transform_indices = @transform_4, window_bounds = array<i64: 1000, 128>}, {transform_indices = @transform_5, window_bounds = array<i64: 1000, 8>}]} {
    %get3A = arith.constant 0 : index
    %get3A_0 = arith.constant 0 : index
    %get3A_1 = arith.constant 0 : index
    %get3A_2 = vector.load %arg2[%get3A, %get3A_0, %get3A_1] : memref<2x1000x128xf32, #tpu.memory_space<vmem>>, vector<1x1000x1xf32>
    %get3A_3 = vector.shape_cast %get3A_2 : vector<1x1000x1xf32> to vector<1000x1xf32>
    %get3A_4 = arith.constant 1 : index
    %get3A_5 = arith.constant 0 : index
    %get3A_6 = arith.constant 0 : index
    %get3A_7 = vector.load %arg2[%get3A_4, %get3A_5, %get3A_6] : memref<2x1000x128xf32, #tpu.memory_space<vmem>>, vector<1x1000x1xf32>
    %get3A_8 = vector.shape_cast %get3A_7 : vector<1x1000x1xf32> to vector<1000x1xf32>
    %add3A = arith.addf %get3A_3, %get3A_8 : vector<1000x1xf32>
    %add3A_9 = arith.constant 1.000000e+00 : f32
    %add3A_10 = vector.broadcast %add3A_9 : f32 to vector<1000x1xf32>
    %add3A_11 = arith.addf %add3A, %add3A_10 : vector<1000x1xf32>
    %rsqrt3A = math.rsqrt %add3A_11 : vector<1000x1xf32>
    %div3A = arith.constant 1.000000e+00 : f32
    %div3A_12 = vector.broadcast %div3A : f32 to vector<1000x1xf32>
    %div3A_13 = arith.divf %div3A_12, %add3A_11 : vector<1000x1xf32>
    %get3A_14 = arith.constant 0 : index
    %get3A_15 = arith.constant 0 : index
    %get3A_16 = vector.load %arg1[%get3A_14, %get3A_15] : memref<1000x128xf32, #tpu.memory_space<vmem>>, vector<1000x128xf32>
    %mul3A = vector.broadcast %rsqrt3A : vector<1000x1xf32> to vector<1000x128xf32>
    %mul3A_17 = arith.mulf %get3A_16, %mul3A : vector<1000x128xf32>
    %swap3A = arith.constant 0 : index
    %swap3A_18 = arith.constant 0 : index
    %swap3A_19 = vector.load %arg4[%swap3A, %swap3A_18] : memref<1000x128xf32, #tpu.memory_space<vmem>>, vector<1000x128xf32>
    tpu.vector_store %arg4[%swap3A, %swap3A_18], %mul3A_17 {strides = array<i32>} : memref<1000x128xf32, #tpu.memory_space<vmem>>, vector<1000x128xf32>,
    %mul3A_20 = vector.broadcast %div3A_13 : vector<1000x1xf32> to vector<1000x128xf32>
    %mul3A_21 = arith.mulf %get3A_16, %mul3A_20 : vector<1000x128xf32>
    %get3A_22 = arith.constant 0 : index
    %get3A_23 = arith.constant 0 : index
    %get3A_24 = vector.load %arg3[%get3A_22, %get3A_23] : memref<1x128xf32, #tpu.memory_space<vmem>>, vector<1x128xf32>
    %add3A_25 = vector.broadcast %get3A_24 : vector<1x128xf32> to vector<1000x128xf32>
    %add3A_26 = arith.addf %mul3A_21, %add3A_25 : vector<1000x128xf32>
    %swap3A_27 = arith.constant 0 : index
    %swap3A_28 = arith.constant 0 : index
    %swap3A_29 = vector.load %arg5[%swap3A_27, %swap3A_28] : memref<1000x128xf32, #tpu.memory_space<vmem>>, vector<1000x128xf32>
    tpu.vector_store %arg5[%swap3A_27, %swap3A_28], %add3A_26 {strides = array<i32>} : memref<1000x128xf32, #tpu.memory_space<vmem>>, vector<1000x128xf32>,
    %broadcast_in_dim3A = vector.shape_cast %rsqrt3A : vector<1000x1xf32> to vector<1000x1xf32>
    %broadcast_in_dim3A_30 = vector.broadcast %broadcast_in_dim3A : vector<1000x1xf32> to vector<1000x8xf32>
    %swap3A_31 = arith.constant 0 : index
    %swap3A_32 = arith.constant 0 : index
    %swap3A_33 = vector.load %arg6[%swap3A_31, %swap3A_32] : memref<1000x8xf32, #tpu.memory_space<vmem>>, vector<1000x8xf32>
    tpu.vector_store %arg6[%swap3A_31, %swap3A_32], %broadcast_in_dim3A_30 {strides = array<i32>} : memref<1000x8xf32, #tpu.memory_space<vmem>>, vector<1000x8xf32>,
    return
  }
  func.func @transform_0(%arg0: i32) -> (i32, i32) {
    %c0_i32 = arith.constant 0 : i32
    %c0_i32_0 = arith.constant 0 : i32
    return %arg0, %c0_i32 : i32, i32
  }
  func.func @transform_1(%arg0: i32) -> (i32, i32, i32) {
    %c0_i32 = arith.constant 0 : i32
    %c0_i32_0 = arith.constant 0 : i32
    %c0_i32_1 = arith.constant 0 : i32
    return %c0_i32, %arg0, %c0_i32_0 : i32, i32, i32
  }
  func.func @transform_2(%arg0: i32) -> (i32, i32) {
    %c0_i32 = arith.constant 0 : i32
    %c0_i32_0 = arith.constant 0 : i32
    %c0_i32_1 = arith.constant 0 : i32
    return %c0_i32, %c0_i32_0 : i32, i32
  }
  func.func @transform_3(%arg0: i32) -> (i32, i32) {
    %c0_i32 = arith.constant 0 : i32
    %c0_i32_0 = arith.constant 0 : i32
    return %arg0, %c0_i32 : i32, i32
  }
  func.func @transform_4(%arg0: i32) -> (i32, i32) {
    %c0_i32 = arith.constant 0 : i32
    %c0_i32_0 = arith.constant 0 : i32
    return %arg0, %c0_i32 : i32, i32
  }
  func.func @transform_5(%arg0: i32) -> (i32, i32) {
    %c0_i32 = arith.constant 0 : i32
    %c0_i32_0 = arith.constant 0 : i32
    return %arg0, %c0_i32 : i32, i32
  }
}

module attributes {stable_mosaic.version = 14 : i64} {
  func.func @_combine_body(%arg0: i32, %arg1: memref<2x1000x128xf32, #tpu.memory_space<vmem>>, %arg2: memref<1000x8xf32, #tpu.memory_space<vmem>>, %arg3: memref<1000x128xf32, #tpu.memory_space<vmem>>, %arg4: memref<128x128xf32, #tpu.memory_space<vmem>>, %arg5: memref<1x128xf32, #tpu.memory_space<vmem>>, %arg6: memref<1000x128xf32, #tpu.memory_space<vmem>>, %arg7: memref<1000x128xf32, #tpu.memory_space<vmem>>) attributes {dimension_semantics = [#tpu.dimension_semantics<arbitrary>], iteration_bounds = array<i64: 10>, scalar_prefetch = 0 : i64, scratch_operands = 0 : i64, tpu.core_type = #tpu.core_type<tc>, window_params = [{transform_indices = @transform_0, window_bounds = array<i64: 2, 1000, 128>}, {transform_indices = @transform_1, window_bounds = array<i64: 1000, 8>}, {transform_indices = @transform_2, window_bounds = array<i64: 1000, 128>}, {pipeline_mode = #tpu.pipeline_mode<synchronous>, transform_indices = @transform_3, window_bounds = array<i64: 128, 128>}, {pipeline_mode = #tpu.pipeline_mode<synchronous>, transform_indices = @transform_4, window_bounds = array<i64: 1, 128>}, {transform_indices = @transform_5, window_bounds = array<i64: 1000, 128>}, {transform_indices = @transform_6, window_bounds = array<i64: 1000, 128>}]} {
    %get3A = arith.constant 0 : index
    %get3A_0 = arith.constant 0 : index
    %get3A_1 = vector.load %arg2[%get3A, %get3A_0] : memref<1000x8xf32, #tpu.memory_space<vmem>>, vector<1000x1xf32>
    %mul3A = arith.mulf %get3A_1, %get3A_1 : vector<1000x1xf32>
    %get3A_2 = arith.constant 0 : index
    %get3A_3 = arith.constant 0 : index
    %get3A_4 = arith.constant 0 : index
    %get3A_5 = vector.load %arg1[%get3A_2, %get3A_3, %get3A_4] : memref<2x1000x128xf32, #tpu.memory_space<vmem>>, vector<1x1000x128xf32>
    %get3A_6 = vector.shape_cast %get3A_5 : vector<1x1000x128xf32> to vector<1000x128xf32>
    %get3A_7 = arith.constant 1 : index
    %get3A_8 = arith.constant 0 : index
    %get3A_9 = arith.constant 0 : index
    %get3A_10 = vector.load %arg1[%get3A_7, %get3A_8, %get3A_9] : memref<2x1000x128xf32, #tpu.memory_space<vmem>>, vector<1x1000x128xf32>
    %get3A_11 = vector.shape_cast %get3A_10 : vector<1x1000x128xf32> to vector<1000x128xf32>
    %add3A = arith.addf %get3A_6, %get3A_11 : vector<1000x128xf32>
    %mul3A_12 = vector.broadcast %get3A_1 : vector<1000x1xf32> to vector<1000x128xf32>
    %mul3A_13 = arith.mulf %mul3A_12, %add3A : vector<1000x128xf32>
    %get3A_14 = arith.constant 0 : index
    %get3A_15 = arith.constant 0 : index
    %get3A_16 = vector.load %arg3[%get3A_14, %get3A_15] : memref<1000x128xf32, #tpu.memory_space<vmem>>, vector<1000x128xf32>
    %add3A_17 = arith.addf %mul3A_13, %get3A_16 : vector<1000x128xf32>
    %max3A = arith.constant 0.000000e+00 : f32
    %max3A_18 = vector.broadcast %max3A : f32 to vector<1000x128xf32>
    %max3A_19 = arith.maximumf %add3A_17, %max3A_18 : vector<1000x128xf32>
    %get3A_20 = arith.constant 0 : index
    %get3A_21 = arith.constant 0 : index
    %get3A_22 = vector.load %arg4[%get3A_20, %get3A_21] : memref<128x128xf32, #tpu.memory_space<vmem>>, vector<128x128xf32>
    %dot_general3A = arith.constant dense<0.000000e+00> : vector<1000x128xf32>
    %dot_general3A_23 = tpu.matmul %max3A_19, %get3A_22, %dot_general3A {dimension_numbers = #tpu.dot_dimension_numbers<[1], [0], [0], [1], [0, 0, 1, 1], [], []>, transpose_lhs_hint = false} : vector<1000x128xf32>, vector<128x128xf32>, vector<1000x128xf32> -> vector<1000x128xf32>
    %mul3A_24 = vector.broadcast %get3A_1 : vector<1000x1xf32> to vector<1000x128xf32>
    %mul3A_25 = arith.mulf %dot_general3A_23, %mul3A_24 : vector<1000x128xf32>
    %swap3A = arith.constant 0 : index
    %swap3A_26 = arith.constant 0 : index
    %swap3A_27 = vector.load %arg6[%swap3A, %swap3A_26] : memref<1000x128xf32, #tpu.memory_space<vmem>>, vector<1000x128xf32>
    tpu.vector_store %arg6[%swap3A, %swap3A_26], %mul3A_25 {strides = array<i32>} : memref<1000x128xf32, #tpu.memory_space<vmem>>, vector<1000x128xf32>,
    %mul3A_28 = vector.broadcast %mul3A : vector<1000x1xf32> to vector<1000x128xf32>
    %mul3A_29 = arith.mulf %dot_general3A_23, %mul3A_28 : vector<1000x128xf32>
    %get3A_30 = arith.constant 0 : index
    %get3A_31 = arith.constant 0 : index
    %get3A_32 = vector.load %arg5[%get3A_30, %get3A_31] : memref<1x128xf32, #tpu.memory_space<vmem>>, vector<1x128xf32>
    %add3A_33 = vector.broadcast %get3A_32 : vector<1x128xf32> to vector<1000x128xf32>
    %add3A_34 = arith.addf %mul3A_29, %add3A_33 : vector<1000x128xf32>
    %swap3A_35 = arith.constant 0 : index
    %swap3A_36 = arith.constant 0 : index
    %swap3A_37 = vector.load %arg7[%swap3A_35, %swap3A_36] : memref<1000x128xf32, #tpu.memory_space<vmem>>, vector<1000x128xf32>
    tpu.vector_store %arg7[%swap3A_35, %swap3A_36], %add3A_34 {strides = array<i32>} : memref<1000x128xf32, #tpu.memory_space<vmem>>, vector<1000x128xf32>,
    return
  }
  func.func @transform_0(%arg0: i32) -> (i32, i32, i32) {
    %c0_i32 = arith.constant 0 : i32
    %c0_i32_0 = arith.constant 0 : i32
    %c0_i32_1 = arith.constant 0 : i32
    return %c0_i32, %arg0, %c0_i32_0 : i32, i32, i32
  }
  func.func @transform_1(%arg0: i32) -> (i32, i32) {
    %c0_i32 = arith.constant 0 : i32
    %c0_i32_0 = arith.constant 0 : i32
    return %arg0, %c0_i32 : i32, i32
  }
  func.func @transform_2(%arg0: i32) -> (i32, i32) {
    %c0_i32 = arith.constant 0 : i32
    %c0_i32_0 = arith.constant 0 : i32
    return %arg0, %c0_i32 : i32, i32
  }
  func.func @transform_3(%arg0: i32) -> (i32, i32) {
    %c0_i32 = arith.constant 0 : i32
    %c0_i32_0 = arith.constant 0 : i32
    %c0_i32_1 = arith.constant 0 : i32
    return %c0_i32, %c0_i32_0 : i32, i32
  }
  func.func @transform_4(%arg0: i32) -> (i32, i32) {
    %c0_i32 = arith.constant 0 : i32
    %c0_i32_0 = arith.constant 0 : i32
    %c0_i32_1 = arith.constant 0 : i32
    return %c0_i32, %c0_i32_0 : i32, i32
  }
  func.func @transform_5(%arg0: i32) -> (i32, i32) {
    %c0_i32 = arith.constant 0 : i32
    %c0_i32_0 = arith.constant 0 : i32
    return %arg0, %c0_i32 : i32, i32
  }
  func.func @transform_6(%arg0: i32) -> (i32, i32) {
    %c0_i32 = arith.constant 0 : i32
    %c0_i32_0 = arith.constant 0 : i32
    return %arg0, %c0_i32 : i32, i32
  }
}

module attributes {stable_mosaic.version = 14 : i64} {
  func.func @_final_body(%arg0: i32, %arg1: memref<2x1000x128xf32, #tpu.memory_space<vmem>>, %arg2: memref<1000x8xf32, #tpu.memory_space<vmem>>, %arg3: memref<1000x128xf32, #tpu.memory_space<vmem>>, %arg4: memref<1x1x1000xi32, #tpu.memory_space<vmem>>, %arg5: memref<16x1xf32, #tpu.memory_space<vmem>>, %arg6: memref<129x1xf32, #tpu.memory_space<vmem>>, %arg7: memref<1x1xf32, #tpu.memory_space<vmem>>, %arg8: memref<16x1xf32, #tpu.memory_space<vmem>>, %arg9: memref<16x128xf32, #tpu.memory_space<vmem>>) attributes {dimension_semantics = [#tpu.dimension_semantics<arbitrary>], iteration_bounds = array<i64: 10>, scalar_prefetch = 0 : i64, scratch_operands = 1 : i64, tpu.core_type = #tpu.core_type<tc>, window_params = [{transform_indices = @transform_0, window_bounds = array<i64: 2, 1000, 128>}, {transform_indices = @transform_1, window_bounds = array<i64: 1000, 8>}, {transform_indices = @transform_2, window_bounds = array<i64: 1000, 128>}, {transform_indices = @transform_3, window_bounds = array<i64: 1, 1, 1000>}, {pipeline_mode = #tpu.pipeline_mode<synchronous>, transform_indices = @transform_4, window_bounds = array<i64: 16, 1>}, {pipeline_mode = #tpu.pipeline_mode<synchronous>, transform_indices = @transform_5, window_bounds = array<i64: 129, 1>}, {pipeline_mode = #tpu.pipeline_mode<synchronous>, transform_indices = @transform_6, window_bounds = array<i64: 1, 1>}, {pipeline_mode = #tpu.pipeline_mode<synchronous>, transform_indices = @transform_7, window_bounds = array<i64: 16, 1>}]} {
    %get3A = arith.constant 0 : index
    %get3A_0 = arith.constant 0 : index
    %get3A_1 = vector.load %arg2[%get3A, %get3A_0] : memref<1000x8xf32, #tpu.memory_space<vmem>>, vector<1000x1xf32>
    %get3A_2 = arith.constant 0 : index
    %get3A_3 = arith.constant 0 : index
    %get3A_4 = arith.constant 0 : index
    %get3A_5 = vector.load %arg1[%get3A_2, %get3A_3, %get3A_4] : memref<2x1000x128xf32, #tpu.memory_space<vmem>>, vector<1x1000x128xf32>
    %get3A_6 = vector.shape_cast %get3A_5 : vector<1x1000x128xf32> to vector<1000x128xf32>
    %get3A_7 = arith.constant 1 : index
    %get3A_8 = arith.constant 0 : index
    %get3A_9 = arith.constant 0 : index
    %get3A_10 = vector.load %arg1[%get3A_7, %get3A_8, %get3A_9] : memref<2x1000x128xf32, #tpu.memory_space<vmem>>, vector<1x1000x128xf32>
    %get3A_11 = vector.shape_cast %get3A_10 : vector<1x1000x128xf32> to vector<1000x128xf32>
    %add3A = arith.addf %get3A_6, %get3A_11 : vector<1000x128xf32>
    %mul3A = vector.broadcast %get3A_1 : vector<1000x1xf32> to vector<1000x128xf32>
    %mul3A_12 = arith.mulf %mul3A, %add3A : vector<1000x128xf32>
    %get3A_13 = arith.constant 0 : index
    %get3A_14 = arith.constant 0 : index
    %get3A_15 = vector.load %arg3[%get3A_13, %get3A_14] : memref<1000x128xf32, #tpu.memory_space<vmem>>, vector<1000x128xf32>
    %add3A_16 = arith.addf %mul3A_12, %get3A_15 : vector<1000x128xf32>
    %max3A = arith.constant 0.000000e+00 : f32
    %max3A_17 = vector.broadcast %max3A : f32 to vector<1000x128xf32>
    %max3A_18 = arith.maximumf %add3A_16, %max3A_17 : vector<1000x128xf32>
    %get3A_19 = arith.constant 0 : index
    %get3A_20 = arith.constant 0 : index
    %get3A_21 = arith.constant 0 : index
    %get3A_22 = vector.load %arg4[%get3A_19, %get3A_20, %get3A_21] : memref<1x1x1000xi32, #tpu.memory_space<vmem>>, vector<1x1x1000xi32>
    %get3A_23 = vector.shape_cast %get3A_22 : vector<1x1x1000xi32> to vector<1x1000xi32>
    %iota3A = tpu.iota {dimensions = array<i32: 0>} : vector<16x1000xi32>
    %eq3A = vector.broadcast %get3A_23 : vector<1x1000xi32> to vector<16x1000xi32>
    %eq3A_24 = arith.cmpi eq, %eq3A, %iota3A : vector<16x1000xi32>
    %convert_element_type3A = arith.extui %eq3A_24 : vector<16x1000xi1> to vector<16x1000xi32>
    %convert_element_type3A_25 = arith.sitofp %convert_element_type3A : vector<16x1000xi32> to vector<16x1000xf32>
    %dot_general3A = arith.constant dense<0.000000e+00> : vector<16x128xf32>
    %dot_general3A_26 = tpu.matmul %convert_element_type3A_25, %max3A_18, %dot_general3A {dimension_numbers = #tpu.dot_dimension_numbers<[1], [0], [0], [1], [0, 0, 1, 1], [], []>, precision = #tpu.contract_precision<fp32>, transpose_lhs_hint = false} : vector<16x1000xf32>, vector<1000x128xf32>, vector<16x128xf32> -> vector<16x128xf32>
    %eq3A_27 = arith.constant 0 : i32
    %eq3A_28 = arith.cmpi eq, %arg0, %eq3A_27 : i32
    %convert_element_type3A_29 = arith.extui %eq3A_28 : i1 to i32
    %cond3A = arith.constant 0 : i32
    %cond3A_30 = arith.cmpi ne, %convert_element_type3A_29, %cond3A : i32
    scf.if %cond3A_30 {
      %broadcast_in_dim3A = arith.constant 0.000000e+00 : f32
      %broadcast_in_dim3A_42 = vector.broadcast %broadcast_in_dim3A : f32 to vector<16x128xf32>
      %swap3A_43 = arith.constant 0 : index
      %swap3A_44 = arith.constant 0 : index
      %swap3A_45 = vector.load %arg9[%swap3A_43, %swap3A_44] : memref<16x128xf32, #tpu.memory_space<vmem>>, vector<16x128xf32>
      tpu.vector_store %arg9[%swap3A_43, %swap3A_44], %broadcast_in_dim3A_42 {strides = array<i32>} : memref<16x128xf32, #tpu.memory_space<vmem>>, vector<16x128xf32>,
    } else {
    }
    %get3A_31 = arith.constant 0 : index
    %get3A_32 = arith.constant 0 : index
    %get3A_33 = vector.load %arg9[%get3A_31, %get3A_32] : memref<16x128xf32, #tpu.memory_space<vmem>>, vector<16x128xf32>
    %add3A_34 = arith.addf %get3A_33, %dot_general3A_26 : vector<16x128xf32>
    %swap3A = arith.constant 0 : index
    %swap3A_35 = arith.constant 0 : index
    %swap3A_36 = vector.load %arg9[%swap3A, %swap3A_35] : memref<16x128xf32, #tpu.memory_space<vmem>>, vector<16x128xf32>
    tpu.vector_store %arg9[%swap3A, %swap3A_35], %add3A_34 {strides = array<i32>} : memref<16x128xf32, #tpu.memory_space<vmem>>, vector<16x128xf32>,
    %eq3A_37 = arith.constant 9 : i32
    %eq3A_38 = arith.cmpi eq, %arg0, %eq3A_37 : i32
    %convert_element_type3A_39 = arith.extui %eq3A_38 : i1 to i32
    %cond3A_40 = arith.constant 0 : i32
    %cond3A_41 = arith.cmpi ne, %convert_element_type3A_39, %cond3A_40 : i32
    scf.if %cond3A_41 {
      %get3A_42 = arith.constant 0 : index
      %get3A_43 = arith.constant 0 : index
      %get3A_44 = vector.load %arg9[%get3A_42, %get3A_43] : memref<16x128xf32, #tpu.memory_space<vmem>>, vector<16x128xf32>
      %get3A_45 = arith.constant 0 : index
      %get3A_46 = arith.constant 0 : index
      %get3A_47 = vector.load %arg5[%get3A_45, %get3A_46] : memref<16x1xf32, #tpu.memory_space<vmem>>, vector<16x1xf32>
      %concatenate3A = tpu.concatenate %get3A_44, %get3A_47 in 1 : vector<16x128xf32>, vector<16x1xf32> -> vector<16x129xf32>
      %get3A_48 = arith.constant 0 : index
      %get3A_49 = arith.constant 0 : index
      %get3A_50 = vector.load %arg6[%get3A_48, %get3A_49] : memref<129x1xf32, #tpu.memory_space<vmem>>, vector<129x1xf32>
      %dot_general3A_51 = arith.constant dense<0.000000e+00> : vector<16x1xf32>
      %dot_general3A_52 = tpu.matmul %concatenate3A, %get3A_50, %dot_general3A_51 {dimension_numbers = #tpu.dot_dimension_numbers<[1], [0], [0], [1], [0, 0, 1, 1], [], []>, transpose_lhs_hint = false} : vector<16x129xf32>, vector<129x1xf32>, vector<16x1xf32> -> vector<16x1xf32>
      %get3A_53 = arith.constant 0 : index
      %get3A_54 = arith.constant 0 : index
      %get3A_55 = vector.load %arg7[%get3A_53, %get3A_54] : memref<1x1xf32, #tpu.memory_space<vmem>>, vector<1x1xf32>
      %add3A_56 = vector.broadcast %get3A_55 : vector<1x1xf32> to vector<16x1xf32>
      %add3A_57 = arith.addf %dot_general3A_52, %add3A_56 : vector<16x1xf32>
      %swap3A_58 = arith.constant 0 : index
      %swap3A_59 = arith.constant 0 : index
      %swap3A_60 = vector.load %arg8[%swap3A_58, %swap3A_59] : memref<16x1xf32, #tpu.memory_space<vmem>>, vector<16x1xf32>
      tpu.vector_store %arg8[%swap3A_58, %swap3A_59], %add3A_57 {strides = array<i32>} : memref<16x1xf32, #tpu.memory_space<vmem>>, vector<16x1xf32>,
    } else {
    }
    return
  }
  func.func @transform_0(%arg0: i32) -> (i32, i32, i32) {
    %c0_i32 = arith.constant 0 : i32
    %c0_i32_0 = arith.constant 0 : i32
    %c0_i32_1 = arith.constant 0 : i32
    return %c0_i32, %arg0, %c0_i32_0 : i32, i32, i32
  }
  func.func @transform_1(%arg0: i32) -> (i32, i32) {
    %c0_i32 = arith.constant 0 : i32
    %c0_i32_0 = arith.constant 0 : i32
    return %arg0, %c0_i32 : i32, i32
  }
  func.func @transform_2(%arg0: i32) -> (i32, i32) {
    %c0_i32 = arith.constant 0 : i32
    %c0_i32_0 = arith.constant 0 : i32
    return %arg0, %c0_i32 : i32, i32
  }
  func.func @transform_3(%arg0: i32) -> (i32, i32, i32) {
    %c0_i32 = arith.constant 0 : i32
    %c0_i32_0 = arith.constant 0 : i32
    %c0_i32_1 = arith.constant 0 : i32
    return %arg0, %c0_i32, %c0_i32_0 : i32, i32, i32
  }
  func.func @transform_4(%arg0: i32) -> (i32, i32) {
    %c0_i32 = arith.constant 0 : i32
    %c0_i32_0 = arith.constant 0 : i32
    %c0_i32_1 = arith.constant 0 : i32
    return %c0_i32, %c0_i32_0 : i32, i32
  }
  func.func @transform_5(%arg0: i32) -> (i32, i32) {
    %c0_i32 = arith.constant 0 : i32
    %c0_i32_0 = arith.constant 0 : i32
    %c0_i32_1 = arith.constant 0 : i32
    return %c0_i32, %c0_i32_0 : i32, i32
  }
  func.func @transform_6(%arg0: i32) -> (i32, i32) {
    %c0_i32 = arith.constant 0 : i32
    %c0_i32_0 = arith.constant 0 : i32
    %c0_i32_1 = arith.constant 0 : i32
    return %c0_i32, %c0_i32_0 : i32, i32
  }
  func.func @transform_7(%arg0: i32) -> (i32, i32) {
    %c0_i32 = arith.constant 0 : i32
    %c0_i32_0 = arith.constant 0 : i32
    %c0_i32_1 = arith.constant 0 : i32
    return %c0_i32, %c0_i32_0 : i32, i32
  }
}

</mosaic_0001>

<sc_bundles>
// kernel: kernel.12.cloned.1.call-start
scs
__scs_entry_jumppad:
0x0: {  	(pc) =	sbr.rel $0x88, $3  }
0x1: {  	(tag) =	ssettag $0x0;
	lr =	simm.s32 $0x1  }
0x2: {  	[smem:$0x3F97] =	sst lr;
	_ =	strace $0xD0000000  }
0x3: {  	_ = 	snop  }
0x4: {  	_ = 	snop  }
0x5: {  	_ = 	snop  }
0x6: {  	_ = 	snop  }
0x7: {  	_ = 	snop  }
__scs_overlays_trampoline_lowered:
0x8: {  	[smem:$0x3FA6] =	sst s0  }
0x9: {  	[smem:$0x3FA7] =	sst s1  }
0xa: {  	[smem:$0x3FA8] =	sst s2  }
0xb: {  	[smem:$0x3FA9] =	sst s3  }
0xc: {  	[smem:$0x3FAA] =	sst s4  }
0xd: {  	[smem:$0x3FAB] =	sst s5  }
0xe: {  	[smem:$0x3FAC] =	sst s6  }
0xf: {  	[smem:$0x3FAD] =	sst s7  }
0x10: {  	[smem:$0x3FAE] =	sst s8  }
0x11: {  	[smem:$0x3FAF] =	sst s9;
	s0 =	simm.s32 @!p0 $0x0  }
0x12: {  	s1 =	sld [smem:$0x3F95];
	s0 =	simm.s32 @p0 $0x1  }
0x13: {  	[smem:$0x3FB0] =	sst s0;
	s0 =	simm.s32 @!p1 $0x0  }
0x14: {  	s2 =	sld [smem:$0x3F94];
	s0 =	simm.s32 @p1 $0x1  }
0x15: {  	[smem:$0x3FB1] =	sst s0;
	s0 =	simm.s32 @!p2 $0x0  }
0x16: {  	s3 =	sld [smem:$0x3FDB];
	s0 =	simm.s32 @p2 $0x1  }
0x17: {  	s4 =	simm.s32 $0x1BF5;
	[smem:$0x3FB3] =	sst s0  }
0x18: {  	s0 =	sld [smem:$0x3F96];
	_ =	swait.ge [sflag:s4], $0x0  }
0x19: {  	s7 =	sld [smem:$0x3F97]  }
0x1a: {  	s8 =	sadd.s32 $0xFFFFE003, lr  }
0x1b: {  	s9 =	sadd.s32 $0xFFFFFEF7, lr;
	s5 =	simm.s32 $0xFFFFFFFF;
	p2 =	slt.u32 s8, $0xFFFFF086  }
0x1c: {  	p1 =	slt.u32 s9, $0xF7A;
	s5 =	simm.s32 @!p2 $0x0  }
0x1d: {  	s5 =	simm.s32 @p1 $0x1;
	p0 =	seq.s32 s7, s2  }
0x1e: {  	s7 =	smul.u32 @!p0 $0xF7A, s2;
	p2 =	seq.s32 @!p0 s5, $0x0  }
0x1f: {  	s9 =	smul.u32 $0xF7A, s1;
	s8 =	simm.s32 @!p0 $0x1BF5;
	p2 =	por !p2, p0  }
0x20: {  	[sflag:s8] =	ssyncset.s32 @!p0 $0xFFFFF086;
	s6 =	sadd.s32 @!p0 s3, s7;
	s7 =	simm.s32 @!p0 $0x108  }
0x21: {  	s3 =	sadd.s32 s3, s9;
	s6 =	sadd.s32 @!p0 $0x88, s6;
	s7 =	simm.s32 @p2 $0x1082  }
0x22: {  	[simem:s7], [sflag:s8] =	dma.local @!p0 [hbm:s6], $0xF7A  }
0x23: {  	s9 =	sor.u32 $0xD0000000, s2;
	s6 =	simm.s32 $0x108;
	_ =	swait.ge @!p0 [sflag:s8], $0x0  }
0x24: {  	s3 =	sadd.s32 $0x88, s3;
	s6 =	simm.s32 @!p1 $0x1082;
	[sflag:s4] =	ssyncset.s32 $0xFFFFF086  }
0x25: {  	[simem:s6], [sflag:s4] =	dma.local [hbm:s3], $0xF7A  }
0x26: {  	[smem:$0x3F97] =	sst s1;
	(tag) =	ssettag s2;
	_ =	strace s9  }
0x27: {  	s1 =	sld [smem:$0x3FA7]  }
0x28: {  	s2 =	sld [smem:$0x3FA8]  }
0x29: {  	s4 =	sld [smem:$0x3FAA]  }
0x2a: {  	p0 =	seq.s32 s5, $0x0;
	s5 =	sld [smem:$0x3FAB]  }
0x2b: {  	s6 =	sld [smem:$0x3FAC]  }
0x2c: {  	s7 =	sld [smem:$0x3FAD]  }
0x2d: {  	s3 =	simm.s32 $0x108;
	s8 =	sld [smem:$0x3FAE]  }
0x2e: {  	s3 =	simm.s32 @!p0 $0x1082;
	s9 =	sld [smem:$0x3FAF]  }
0x2f: {  	lr =	sadd.s32 s0, s3;
	s0 =	sld [smem:$0x3FA6]  }
0x30: {  	s3 =	sld [smem:$0x3FA9]  }
0x31: {  	[smem:$0x3FB2] =	sst s10  }
0x32: {  	s10 =	sld [smem:$0x3FB0];
	_ =	sdelay $0x3  }
0x33: {  	p0 =	seq.s32 s10, $0x1;
	s10 =	sld [smem:$0x3FB2];
	_ =	sdelay $0x3  }
0x34: {  	[smem:$0x3FB2] =	sst s10  }
0x35: {  	s10 =	sld [smem:$0x3FB1];
	_ =	sdelay $0x3  }
0x36: {  	p1 =	seq.s32 s10, $0x1;
	s10 =	sld [smem:$0x3FB2];
	_ =	sdelay $0x3  }
0x37: {  	[smem:$0x3FB2] =	sst s10  }
0x38: {  	s10 =	sld [smem:$0x3FB3]  }
0x39: {  	_ = 	snop;
	(pc) =	sbr.ind lr, $3  }
0x3a: {  	_ = 	snop  }
0x3b: {  	_ = 	snop  }
0x3c: {  	p2 =	seq.s32 s10, $0x1;
	s10 =	sld [smem:$0x3FB2]  }
0x3d: {  	_ =	shalt  }
0x3e: {  	_ =	shalt  }
0x3f: {  	_ =	shalt  }
0x40: {  	_ =	shalt  }
0x41: {  	_ =	shalt  }
0x42: {  	_ =	shalt  }
0x43: {  	_ =	shalt  }
0x44: {  	_ =	shalt  }
0x45: {  	_ =	shalt  }
0x46: {  	_ =	shalt  }
0x47: {  	_ =	shalt  }
0x48: {  	_ =	shalt  }
0x49: {  	_ =	shalt  }
0x4a: {  	_ =	shalt  }
0x4b: {  	_ =	shalt  }
0x4c: {  	_ =	shalt  }
0x4d: {  	_ =	shalt  }
0x4e: {  	_ =	shalt  }
0x4f: {  	_ =	shalt  }
0x50: {  	_ =	shalt  }
0x51: {  	_ =	shalt  }
0x52: {  	_ =	shalt  }
0x53: {  	_ =	shalt  }
0x54: {  	_ =	shalt  }
0x55: {  	_ =	shalt  }
0x56: {  	_ =	shalt  }
0x57: {  	_ =	shalt  }
0x58: {  	_ =	shalt  }
0x59: {  	_ =	shalt  }
0x5a: {  	_ =	shalt  }
0x5b: {  	_ =	shalt  }
0x5c: {  	_ =	shalt  }
0x5d: {  	_ =	shalt  }
0x5e: {  	_ =	shalt  }
0x5f: {  	_ =	shalt  }
0x60: {  	_ =	shalt  }
0x61: {  	_ =	shalt  }
0x62: {  	_ =	shalt  }
0x63: {  	_ =	shalt  }
0x64: {  	_ =	shalt  }
0x65: {  	_ =	shalt  }
0x66: {  	_ =	shalt  }
0x67: {  	_ =	shalt  }
0x68: {  	_ =	shalt  }
0x69: {  	_ =	shalt  }
0x6a: {  	_ =	shalt  }
0x6b: {  	_ =	shalt  }
0x6c: {  	_ =	shalt  }
0x6d: {  	_ =	shalt  }
0x6e: {  	_ =	shalt  }
0x6f: {  	_ =	shalt  }
0x70: {  	_ =	shalt  }
0x71: {  	_ =	shalt  }
0x72: {  	_ =	shalt  }
0x73: {  	_ =	shalt  }
0x74: {  	_ =	shalt  }
0x75: {  	_ =	shalt  }
0x76: {  	_ =	shalt  }
0x77: {  	_ =	shalt  }
0x78: {  	_ =	shalt  }
0x79: {  	_ =	shalt  }
0x7a: {  	_ =	shalt  }
0x7b: {  	_ =	shalt  }
0x7c: {  	_ =	shalt  }
0x7d: {  	_ =	shalt  }
0x7e: {  	_ =	shalt  }
0x7f: {  	_ =	shalt  }
0x80: {  	_ =	shalt  }
0x81: {  	_ =	shalt  }
0x82: {  	_ =	shalt  }
0x83: {  	_ =	shalt  }
0x84: {  	_ =	shalt  }
0x85: {  	_ =	shalt  }
0x86: {  	_ =	shalt  }
0x87: {  	_ =	shalt  }
.Lfunc_end0:
.L_simem_size_0:
called_computation.1_lowered:
.L_overlay_start_0:
0x88: {  	s2 =	sld [smem:$0x3FD9]  }
0x89: {  	s3 =	sld [smem:$0x3FFE];
	_ =	sdelay $0x1  }
0x8a: {  	s1 =	srdreg.scid  }
0x8b: {  	s0 =	sand.u32 $0x1, s1  }
0x8c: {  	s16 =	sshll.u32 s0, $0xA;
	s2 =	sadd.s32 s3, s2  }
0x8d: {  	s2 =	sadd.s32 s2, s16  }
0x8e: {  	[smem:$0x3FBE] =	sst s2  }
0x8f: {  	_ = 	snop  }
0x90: {  	(tm) =	ssettm $0x1  }
0x91: {  	s17 =	sld [smem:$0x3FFB];
	_ =	sdelay $0x3  }
0x92: {  	_ =	strace s17  }
0x93: {  	s2 =	sld [smem:$0x3FFC];
	_ =	sdelay $0x3  }
0x94: {  	_ =	strace s2  }
0x95: {  	s2 =	sld [smem:$0x3FFD];
	_ =	sdelay $0x3  }
0x96: {  	_ =	strace s2  }
0x97: {  	_ =	strace $0x8FFFFFFF  }
0x98: {  	s18 =	sld [smem:$0x3FDB];
	_ =	sdelay $0x1  }
0x99: {  	s19 =	simm.s32 $_scs_section_size  }
0x9a: {  	s4 =	simm.s32 $_size__tile_overlayer_lowered;
	s5 =	simm.s32 $_tile_overlayer_lowered  }
0x9b: {  	s22 =	simm.s32 $0x1BFF;
	s21 =	sshll.u32 s5, $0x1;
	s2 =	sadd.s32 s19, s18  }
0x9c: {  	s6 =	simm.s32 $0x0;
	s20 =	sshll.u32 s4, $0x1;
	s4 =	sadd.s32 s21, s2  }
0x9d: {  	[timem:s6], [sflag:s22] =	dma.local [hbm:s4], s20  }
0x9e: {  	_ =	swait.ge [sflag:s22], s20  }
0x9f: {  	s3 =	ssub.s32 $0x0, s20;
	[sflag:s22] =	ssyncset.done $0x0  }
0xa0: {  	[sflag:s22] =	ssyncadd.s32 s3;
	_ =	sdelay $0x1  }
0xa1: {  	s23 =	simm.s32 $0x1B8B  }
0xa2: {  	_ =	swait.ge [sflag:s23], $0x1  }
0xa3: {  	[sflag:s23] =	ssyncset.done $0x0  }
0xa4: {  	s25 =	simm.s32 $0x1B8E;
	s24 =	sld [smem:$0x3FFE];
	[sflag:s23] =	ssyncadd.s32 $0xFFFFFFFF  }
0xa5: {  	s26 =	simm.s32 $execute0_lowered;
	[smem:$0x3FD2] =	sst s25  }
0xa6: {  	s4 =	sshll.u32 s26, $0x1;
	_ =	strace $0x80000049;
	[dreg:$0x1] =	wrdreg $0xFFFFFFFF  }
0xa7: {  	s28 =	simm.s32 $_size_execute0_lowered;
	s2 =	sadd.s32 s2, s4;
	[dreg:$0x0] =	wrdreg $0x0  }
0xa8: {  	s4 =	sshll.u32 s28, $0x1;
	[dreg:$0x2] =	wrdreg s2  }
0xa9: {  	[dreg:$0x3] =	wrdreg s4  }
0xaa: {  	[dreg:$0x4] =	wrdreg $0xC0  }
0xab: {  	_ =	task [dreg:s6], $0x5FFFF  }
0xac: {  	[dreg:$0x1] =	wrdreg $0xFFFFFFFF  }
0xad: {  	[dreg:$0x0] =	wrdreg $0x60  }
0xae: {  	[dreg:$0x2] =	wrdreg s24  }
0xaf: {  	[dreg:$0x3] =	wrdreg $0x2C000  }
0xb0: {  	[dreg:$0x4] =	wrdreg $0x9  }
0xb1: {  	_ =	task.clear_ibuf [dreg:s6], $0x5FFFF;
	_ =	strace $0x90000049  }
0xb2: {  	s29 =	simm.s32 $0x9;
	_ =	strace $0x8000004B  }
0xb3: {  	_ =	swait.ge [sflag:s29], $0x1  }
0xb4: {  	[sflag:s29] =	ssyncadd.s32 $0xFFFFFFFF  }
0xb5: {  	_ =	strace $0x9000004B  }
0xb6: {  	_ =	sfence  }
0xb7: {  	s30 =	sld [smem:$0x0];
	_ =	sdelay $0x2  }
0xb8: {  	s31 =	sshll.u32 s1, $0xD;
	s1 =	sshrl.u32 s1, $0x2  }
0xb9: {  	s3 =	sand.u32 $0x4000, s31;
	s1 =	sadd.s32 s1, s30  }
0xba: {  	s0 =	sor.u32 s3, s0;
	s1 =	sshll.u32 s1, $0x11  }
0xbb: {  	s0 =	sor.u32 s1, s0  }
0xbc: {  	s0 =	sadd.s32 $0x8F2B, s0  }
0xbd: {  	[sflag:s0] =	ssyncadd.remote.s32 $0x1  }
0xbe: {  	_ =	sfence.sel $0xFFFF  }
0xbf: {  	[dreg:$0x0] =	wrdreg $0xFFFFFFFF;
	(pc) =	sbr.abs _section_cstart, $3  }
0xc0: {  	[dreg:$0x1] =	wrdreg $0xFFFFFFFF  }
0xc1: {  	_ =	task.clear_ibuf [dreg:s6], $0x2FFFF;
	_ =	strace $0x9FFFFFFF  }
0xc2: {  	(tm) =	ssettm $0x7FFFFFFF  }
0xc3: {  	_ =	shalt  }
tec
execute0_lowered:
.L_overlay_start_1:
0x0: {  	(tag) =	ssettag $0x1  }
0x1: {  	s0 =	rddreg [dreg:$0x0]  }
0x2: {  	s2 =	rddreg [dreg:$0x1];
	s3 =	simm.s32 $0x0  }
0x3: {  	s17 =	stileid.u32;
	s6 =	srdreg.scid;
	s28 =	simm.s32 $0x4  }
0x4: {  	s29 =	simm.s32 $0x2;
	s30 =	simm.s32 $0x180;
	s31 =	simm.s32 $0x300  }
0x5: {  	[smem:$0x7FF] =	sst s3;
	s1 =	smul.u32 $0x13800, s17;
	s4 =	sadd.s32 $0x33C00, s0  }
0x6: {  	s5 =	sadd.s32 $0x82600, s0;
	s6 =	sand.u32 $0x1, s6;
	s9 =	smul.u32 $0x4E000, s17  }
0x7: {  	s10 =	sadd.s32 $0xC0E00, s0;
	s21 =	smul.u32 $0xFA00, s17;
	p0 =	sne.s32 s17, $0xF  }
0x8: {  	s19 =	sshll.u32 s17, $0x6;
	_ =	strace $0x8000004A;
	s13 =	smul.u32 $0x138800, s6  }
0x9: {  	s8 =	ssub.s32 $0x2, s6;
	s12 =	sshll.u32 s6, $0x4;
	s6 =	smul.u32 $0xFA000, s6  }
0xa: {  	s7 =	sshrl.u32 s1, $0x3;
	s11 =	sshrl.u32 s8, $0x1;
	s16 =	sor.u32 s17, s12  }
0xb: {  	s9 =	sshrl.u32 s9, $0x2;
	s7 =	sadd.s32 s7, s0;
	s8 =	ssub.s32 s8, s11  }
0xc: {  	s18 =	sadd.s32 s9, s2;
	s11 =	smul.u32 $0xFA00, s16;
	s0 =	sadd.s32 $0x33A00, s0  }
0xd: {  	s1 =	sadd.s32 s1, s13;
	s23 =	sshrl.u32 s13, $0x3;
	s7 =	sadd.s32 $0xCA00, s7  }
0xe: {  	[dreg:$0x4] =	wrdreg s0;
	s1 =	sshrl.u32 s1, $0x3;
	s0 =	sadd.s32 s21, s6  }
0xf: {  	s26 =	smax.u32 s8, $0x1;
	s17 =	sshrl.u32 s18, $0x3;
	s18 =	simm.s32 $0x5  }
0x10: {  	s21 =	simm.s32 $0x28;
	s6 =	simm.s32 $0x380;
	s8 =	simm.s32 $0x0  }
0x11: {  	[dreg:$0x3] =	wrdreg s7;
	s7 =	sor.u32 $0x1C05, s19;
	s19 =	sadd.s32 $0x138000, s2  }
0x12: {  	s20 =	sshrl.u32 s11, $0x3;
	s11 =	sadd.s32 s10, s23;
	s1 =	sadd.s32 s10, s1  }
0x13: {  	s25 =	sadd.s32 $0x600, s0;
	[dreg:$0x8] =	wrdreg s26;
	s16 =	sadd.s32 $0x400, s0  }
0x14: {  	s23 =	simm.s32 $0x1;
	s26 =	simm.s32 $0x80;
	s0 =	simm.s32 $0x280  }
0x15: {  	s9 =	sadd.s32 s5, s20;
	[dreg:$0x6] =	wrdreg s1;
	s24 =	sadd.s32 $0x27000, s11  }
0x16: {  	s1 =	sshrl.u32 s25, $0x3;
	s19 =	sshrl.u32 @!p0 s19, $0x3;
	s20 =	simm.s32 $0x200  }
0x17: {  	s25 =	simm.s32 $0x1800;
	s22 =	sadd.s32 $0x40, s9;
	[dreg:$0x7] =	wrdreg s24  }
0x18: {  	s14 =	sadd.s32 $0x1F00, s9;
	s15 =	sadd.s32 s1, s5;
	s24 =	simm.s32 $0x100  }
0x19: {  	s1 =	simm.s32 $0x3;
	[dreg:$0x5] =	wrdreg s22;
	s22 =	simm.s32 $0x400  }
.LBB2_1:
0x1a: {  	s10 =	rddreg [dreg:$0x3]  }
0x1b: {  	[spmem:s17], [sflag:s7] =	dma.local [hbm:s10], $0x2700  }
0x1c: {  	_ =	swait.ge [sflag:s18], $0x2700  }
0x1d: {  	[sflag:s18] =	ssyncset.done $0x0  }
0x1e: {  	s10 =	rddreg [dreg:$0x4];
	[sflag:s18] =	ssyncadd.s32 $0xFFFFD900  }
0x1f: {  	[spmem:s19], [sflag:s7] =	dma.local @!p0 [hbm:s10], $0x100  }
0x20: {  	s10 =	simm.s32 @!p0 $0x5  }
0x21: {  	_ =	swait.ge @!p0 [sflag:s10], $0x100  }
0x22: {  	[sflag:s10] =	ssyncset.done @!p0 $0x0  }
0x23: {  	[sflag:s10] =	ssyncadd.s32 @!p0 $0xFFFFFF00  }
0x24: {  	[bflag:$0x0] =	sbarrier.arrive $0xFFFF  }
0x25: {  	[tilespmem:s3], [sflag:$0x5] =	stream.linear.gather [hbm4b:s9+s3], $0x200, $0x38;
	[tilespmem:$0x164C0] =	vst v63  }
0x26: {  	_ =	swait.ge [sflag:s18], $0x200  }
0x27: {  	[sflag:s18] =	ssyncset.done $0x0  }
0x28: {  	s12 =	rddreg [dreg:$0x5];
	[sflag:s18] =	ssyncadd.s32 $0xFFFFFE00  }
0x29: {  	[tilespmem:s20], [sflag:$0x4] =	stream.linear.gather [hbm4b:s12+s3], $0x200, $0x38;
	[tilespmem:$0x164C0] =	vst v63  }
0x2a: {  	_ = 	snop  }
0x2b: {  	[tilespmem:s22], [sflag:$0x1] =	stream.indirect.gather [hbm4b:s4+s21], $0x80, s3, s21, $0xb8;
	[tilespmem:$0x164C0] =	vst v63  }
0x2c: {  	_ =	swait.ge [sflag:s23], $0x1400  }
0x2d: {  	[sflag:s23] =	ssyncset.done $0x0  }
0x2e: {  	[sflag:s23] =	ssyncadd.s32 $0xFFFFEC00  }
0x2f: {  	[tilespmem:s25], [sflag:$0x2] =	stream.indirect.gather [hbm4b:s4+s21], $0x80, s24, s21, $0xb8;
	[tilespmem:$0x164C0] =	vst v63  }
0x30: {  	_ = 	snop  }
0x31: {  	[spmem:s2] =	stream.indirect.scatter.add.f32 [tilespmem:s22], [sflag:$0x5], $0x80, s26, s21, $0xb8;
	[tilespmem:$0x164C0] =	vst v63  }
0x32: {  	_ =	swait.ge [sflag:s18], $0x1400  }
0x33: {  	[sflag:s18] =	ssyncset.done $0x0  }
0x34: {  	[sflag:s18] =	ssyncadd.s32 $0xFFFFEC00  }
0x35: {  	_ =	swait.ge [sflag:s28], $0x200  }
0x36: {  	[sflag:s28] =	ssyncset.done $0x0  }
0x37: {  	[sflag:s28] =	ssyncadd.s32 $0xFFFFFE00  }
0x38: {  	_ =	swait.ge [sflag:s29], $0x1400  }
0x39: {  	[sflag:s29] =	ssyncset.done $0x0  }
0x3a: {  	[sflag:s29] =	ssyncadd.s32 $0xFFFFEC00  }
0x3b: {  	[tilespmem:s22], [sflag:$0x1] =	stream.indirect.gather [hbm4b:s4+s21], $0x80, s20, s21, $0xb8;
	[tilespmem:$0x164C0] =	vst v63  }
0x3c: {  	_ = 	snop  }
0x3d: {  	[spmem:s2] =	stream.indirect.scatter.add.f32 [tilespmem:s25], [sflag:$0x5], $0x80, s30, s21, $0xb8;
	[tilespmem:$0x164C0] =	vst v63  }
0x3e: {  	_ =	swait.ge [sflag:s18], $0x1400  }
0x3f: {  	s13 =	sshrl.u32 s16, $0x3;
	[sflag:s18] =	ssyncset.done $0x0  }
0x40: {  	s10 =	sadd.s32 s5, s13;
	[sflag:s18] =	ssyncadd.s32 $0xFFFFEC00  }
0x41: {  	[tilespmem:s3], [sflag:$0x3] =	stream.linear.gather [hbm4b:s10+s3], $0x200, $0x38;
	[tilespmem:$0x164C0] =	vst v63  }
0x42: {  	_ =	swait.ge [sflag:s23], $0x1400  }
0x43: {  	[sflag:s23] =	ssyncset.done $0x0  }
0x44: {  	[sflag:s23] =	ssyncadd.s32 $0xFFFFEC00  }
0x45: {  	[tilespmem:s25], [sflag:$0x2] =	stream.indirect.gather [hbm4b:s4+s21], $0x80, s31, s21, $0xb8;
	[tilespmem:$0x164C0] =	vst v63  }
0x46: {  	_ = 	snop  }
0x47: {  	[spmem:s2] =	stream.indirect.scatter.add.f32 [tilespmem:s22], [sflag:$0x5], $0x80, s0, s21, $0xb8;
	[tilespmem:$0x164C0] =	vst v63  }
0x48: {  	_ =	swait.ge [sflag:s18], $0x1400  }
0x49: {  	[sflag:s18] =	ssyncset.done $0x0  }
0x4a: {  	[sflag:s18] =	ssyncadd.s32 $0xFFFFEC00  }
0x4b: {  	_ =	swait.ge [sflag:s1], $0x200  }
0x4c: {  	[sflag:s1] =	ssyncset.done $0x0  }
0x4d: {  	[sflag:s1] =	ssyncadd.s32 $0xFFFFFE00  }
0x4e: {  	_ =	swait.ge [sflag:s29], $0x1400  }
0x4f: {  	[sflag:s29] =	ssyncset.done $0x0  }
0x50: {  	[sflag:s29] =	ssyncadd.s32 $0xFFFFEC00  }
0x51: {  	[tilespmem:s22], [sflag:$0x1] =	stream.indirect.gather [hbm4b:s4+s21], $0x80, s3, s21, $0xb8;
	[tilespmem:$0x164C0] =	vst v63  }
0x52: {  	_ = 	snop  }
0x53: {  	[spmem:s2] =	stream.indirect.scatter.add.f32 [tilespmem:s25], [sflag:$0x5], $0x80, s6, s21, $0xb8;
	[tilespmem:$0x164C0] =	vst v63  }
0x54: {  	_ =	swait.ge [sflag:s18], $0x1400  }
0x55: {  	s11 =	sadd.s32 $0x400, s16;
	[sflag:s18] =	ssyncset.done $0x0  }
0x56: {  	s12 =	sadd.s32 $0x0, s15;
	s10 =	simm.s32 $0x80;
	[sflag:s18] =	ssyncadd.s32 $0xFFFFEC00  }
.LBB2_2:
0x57: {  	[tilespmem:s20], [sflag:$0x4] =	stream.linear.gather [hbm4b:s12+s3], $0x200, $0x38;
	[tilespmem:$0x164C0] =	vst v63  }
0x58: {  	s12 =	smov.u32 s10  }
0x59: {  	p1 =	sne.s32 s10, $0x1E00;
	s10 =	sadd.s32 $0x80, s10;
	_ =	swait.ge [sflag:s23], $0x1400  }
0x5a: {  	[sflag:s23] =	ssyncset.done $0x0  }
0x5b: {  	[sflag:s23] =	ssyncadd.s32 $0xFFFFEC00  }
0x5c: {  	[tilespmem:s25], [sflag:$0x2] =	stream.indirect.gather [hbm4b:s4+s21], $0x80, s24, s21, $0xb8;
	[tilespmem:$0x164C0] =	vst v63  }
0x5d: {  	_ = 	snop  }
0x5e: {  	[spmem:s2] =	stream.indirect.scatter.add.f32 [tilespmem:s22], [sflag:$0x5], $0x80, s26, s21, $0xb8;
	[tilespmem:$0x164C0] =	vst v63  }
0x5f: {  	_ =	swait.ge [sflag:s18], $0x1400  }
0x60: {  	[sflag:s18] =	ssyncset.done $0x0  }
0x61: {  	[sflag:s18] =	ssyncadd.s32 $0xFFFFEC00  }
0x62: {  	_ =	swait.ge [sflag:s28], $0x200  }
0x63: {  	[sflag:s28] =	ssyncset.done $0x0  }
0x64: {  	[sflag:s28] =	ssyncadd.s32 $0xFFFFFE00  }
0x65: {  	_ =	swait.ge [sflag:s29], $0x1400  }
0x66: {  	[sflag:s29] =	ssyncset.done $0x0  }
0x67: {  	[sflag:s29] =	ssyncadd.s32 $0xFFFFEC00  }
0x68: {  	[tilespmem:s22], [sflag:$0x1] =	stream.indirect.gather [hbm4b:s4+s21], $0x80, s20, s21, $0xb8;
	[tilespmem:$0x164C0] =	vst v63  }
0x69: {  	_ = 	snop  }
0x6a: {  	[spmem:s2] =	stream.indirect.scatter.add.f32 [tilespmem:s25], [sflag:$0x5], $0x80, s30, s21, $0xb8;
	[tilespmem:$0x164C0] =	vst v63  }
0x6b: {  	_ =	swait.ge [sflag:s18], $0x1400  }
0x6c: {  	s13 =	sshrl.u32 s11, $0x3;
	[sflag:s18] =	ssyncset.done $0x0  }
0x6d: {  	s13 =	sadd.s32 s5, s13;
	[sflag:s18] =	ssyncadd.s32 $0xFFFFEC00  }
0x6e: {  	[tilespmem:s3], [sflag:$0x3] =	stream.linear.gather [hbm4b:s13+s3], $0x200, $0x38;
	[tilespmem:$0x164C0] =	vst v63  }
0x6f: {  	_ =	swait.ge [sflag:s23], $0x1400  }
0x70: {  	[sflag:s23] =	ssyncset.done $0x0  }
0x71: {  	[sflag:s23] =	ssyncadd.s32 $0xFFFFEC00  }
0x72: {  	[tilespmem:s25], [sflag:$0x2] =	stream.indirect.gather [hbm4b:s4+s21], $0x80, s31, s21, $0xb8;
	[tilespmem:$0x164C0] =	vst v63  }
0x73: {  	_ = 	snop  }
0x74: {  	[spmem:s2] =	stream.indirect.scatter.add.f32 [tilespmem:s22], [sflag:$0x5], $0x80, s0, s21, $0xb8;
	[tilespmem:$0x164C0] =	vst v63  }
0x75: {  	_ =	swait.ge [sflag:s18], $0x1400  }
0x76: {  	[sflag:s18] =	ssyncset.done $0x0  }
0x77: {  	[sflag:s18] =	ssyncadd.s32 $0xFFFFEC00  }
0x78: {  	_ =	swait.ge [sflag:s1], $0x200  }
0x79: {  	[sflag:s1] =	ssyncset.done $0x0  }
0x7a: {  	[sflag:s1] =	ssyncadd.s32 $0xFFFFFE00  }
0x7b: {  	_ =	swait.ge [sflag:s29], $0x1400  }
0x7c: {  	[sflag:s29] =	ssyncset.done $0x0  }
0x7d: {  	[sflag:s29] =	ssyncadd.s32 $0xFFFFEC00  }
0x7e: {  	[tilespmem:s22], [sflag:$0x1] =	stream.indirect.gather [hbm4b:s4+s21], $0x80, s3, s21, $0xb8;
	[tilespmem:$0x164C0] =	vst v63  }
.Ltmp0:
0x7f: {  	(pc) =	sbr.rel @p1 .LBB2_2-.Ltmp0, $4  }
0x80: {  	[spmem:s2] =	stream.indirect.scatter.add.f32 [tilespmem:s25], [sflag:$0x5], $0x80, s6, s21, $0xb8;
	[tilespmem:$0x164C0] =	vst v63  }
0x81: {  	_ =	swait.ge [sflag:s18], $0x1400  }
0x82: {  	[sflag:s18] =	ssyncset.done $0x0  }
0x83: {  	s11 =	sadd.s32 $0x400, s11;
	s12 =	sadd.s32 s12, s15;
	[sflag:s18] =	ssyncadd.s32 $0xFFFFEC00  }
0x84: {  	[tilespmem:s20], [sflag:$0x4] =	stream.linear.gather [hbm4b:s12+s3], $0x200, $0x38;
	[tilespmem:$0x164C0] =	vst v63  }
0x85: {  	_ =	swait.ge [sflag:s23], $0x1400  }
0x86: {  	[sflag:s23] =	ssyncset.done $0x0  }
0x87: {  	[sflag:s23] =	ssyncadd.s32 $0xFFFFEC00  }
0x88: {  	[tilespmem:s25], [sflag:$0x2] =	stream.indirect.gather [hbm4b:s4+s21], $0x80, s24, s21, $0xb8;
	[tilespmem:$0x164C0] =	vst v63  }
0x89: {  	_ = 	snop  }
0x8a: {  	[spmem:s2] =	stream.indirect.scatter.add.f32 [tilespmem:s22], [sflag:$0x5], $0x80, s26, s21, $0xb8;
	[tilespmem:$0x164C0] =	vst v63  }
0x8b: {  	_ =	swait.ge [sflag:s18], $0x1400  }
0x8c: {  	[sflag:s18] =	ssyncset.done $0x0  }
0x8d: {  	[sflag:s18] =	ssyncadd.s32 $0xFFFFEC00  }
0x8e: {  	_ =	swait.ge [sflag:s28], $0x200  }
0x8f: {  	[sflag:s28] =	ssyncset.done $0x0  }
0x90: {  	[sflag:s28] =	ssyncadd.s32 $0xFFFFFE00  }
0x91: {  	_ =	swait.ge [sflag:s29], $0x1400  }
0x92: {  	[sflag:s29] =	ssyncset.done $0x0  }
0x93: {  	[sflag:s29] =	ssyncadd.s32 $0xFFFFEC00  }
0x94: {  	[tilespmem:s22], [sflag:$0x1] =	stream.indirect.gather [hbm4b:s4+s21], $0x80, s20, s21, $0xb8;
	[tilespmem:$0x164C0] =	vst v63  }
0x95: {  	_ = 	snop  }
0x96: {  	[spmem:s2] =	stream.indirect.scatter.add.f32 [tilespmem:s25], [sflag:$0x5], $0x80, s30, s21, $0xb8;
	[tilespmem:$0x164C0] =	vst v63  }
0x97: {  	_ =	swait.ge [sflag:s18], $0x1400  }
0x98: {  	[sflag:s18] =	ssyncset.done $0x0  }
0x99: {  	[sflag:s18] =	ssyncadd.s32 $0xFFFFEC00  }
0x9a: {  	[tilespmem:s3], [sflag:$0x3] =	stream.linear.gather [hbm4b:s14+s3], $0x200, $0x38;
	[tilespmem:$0x164C0] =	vst v63  }
0x9b: {  	_ =	swait.ge [sflag:s23], $0x1400  }
0x9c: {  	[sflag:s23] =	ssyncset.done $0x0  }
0x9d: {  	[sflag:s23] =	ssyncadd.s32 $0xFFFFEC00  }
0x9e: {  	[tilespmem:s25], [sflag:$0x2] =	stream.indirect.gather [hbm4b:s4+s21], $0x80, s31, s21, $0xb8;
	[tilespmem:$0x164C0] =	vst v63  }
0x9f: {  	_ = 	snop  }
0xa0: {  	[spmem:s2] =	stream.indirect.scatter.add.f32 [tilespmem:s22], [sflag:$0x5], $0x80, s0, s21, $0xb8;
	[tilespmem:$0x164C0] =	vst v63  }
0xa1: {  	_ =	swait.ge [sflag:s18], $0x1400  }
0xa2: {  	[sflag:s18] =	ssyncset.done $0x0  }
0xa3: {  	[sflag:s18] =	ssyncadd.s32 $0xFFFFEC00  }
0xa4: {  	_ =	swait.ge [sflag:s1], $0x200  }
0xa5: {  	[sflag:s1] =	ssyncset.done $0x0  }
0xa6: {  	[sflag:s1] =	ssyncadd.s32 $0xFFFFFE00  }
0xa7: {  	_ =	swait.ge [sflag:s29], $0x1400  }
0xa8: {  	[sflag:s29] =	ssyncset.done $0x0  }
0xa9: {  	[sflag:s29] =	ssyncadd.s32 $0xFFFFEC00  }
0xaa: {  	[tilespmem:s22], [sflag:$0x1] =	stream.indirect.gather [hbm4b:s4+s21], $0x80, s3, s21, $0xb8;
	[tilespmem:$0x164C0] =	vst v63  }
0xab: {  	_ = 	snop  }
0xac: {  	[spmem:s2] =	stream.indirect.scatter.add.f32 [tilespmem:s25], [sflag:$0x5], $0x80, s6, s21, $0xb8;
	[tilespmem:$0x164C0] =	vst v63  }
0xad: {  	_ =	swait.ge [sflag:s18], $0x1400  }
0xae: {  	[sflag:s18] =	ssyncset.done $0x0  }
0xaf: {  	[sflag:s18] =	ssyncadd.s32 $0xFFFFEC00  }
0xb0: {  	_ =	swait.ge [sflag:s23], $0x1400  }
0xb1: {  	[sflag:s23] =	ssyncset.done $0x0  }
0xb2: {  	[sflag:s23] =	ssyncadd.s32 $0xFFFFEC00  }
0xb3: {  	[tilespmem:s25], [sflag:$0x2] =	stream.indirect.gather [hbm4b:s4+s21], $0x80, s24, s21, $0xb8;
	[tilespmem:$0x164C0] =	vst v63  }
0xb4: {  	_ = 	snop  }
0xb5: {  	[spmem:s2] =	stream.indirect.scatter.add.f32 [tilespmem:s22], [sflag:$0x5], $0x80, s26, s21, $0xb8;
	[tilespmem:$0x164C0] =	vst v63  }
0xb6: {  	_ =	swait.ge [sflag:s18], $0x1400  }
0xb7: {  	[sflag:s18] =	ssyncset.done $0x0  }
0xb8: {  	[sflag:s18] =	ssyncadd.s32 $0xFFFFEC00  }
0xb9: {  	_ =	swait.ge [sflag:s29], $0x1400  }
0xba: {  	[sflag:s29] =	ssyncset.done $0x0  }
0xbb: {  	[sflag:s29] =	ssyncadd.s32 $0xFFFFEC00  }
0xbc: {  	[spmem:s2] =	stream.indirect.scatter.add.f32 [tilespmem:s25], [sflag:$0x5], $0x80, s30, s21, $0xb8;
	[tilespmem:$0x164C0] =	vst v63  }
0xbd: {  	_ =	swait.ge [sflag:s18], $0x1400  }
0xbe: {  	[sflag:s18] =	ssyncset.done $0x0  }
0xbf: {  	[sflag:s18] =	ssyncadd.s32 $0xFFFFEC00  }
0xc0: {  	[bflag:$0x0] =	sbarrier.arrive $0xFFFF  }
0xc1: {  	s10 =	rddreg [dreg:$0x6]  }
0xc2: {  	[hbm:s10], [sflag:s7] =	dma.local [spmem:s17], $0x2700  }
0xc3: {  	_ =	swait.ge [sflag:s18], $0x2700  }
0xc4: {  	[sflag:s18] =	ssyncset.done $0x0  }
0xc5: {  	s10 =	rddreg [dreg:$0x7];
	[sflag:s18] =	ssyncadd.s32 $0xFFFFD900  }
0xc6: {  	[hbm:s10], [sflag:s7] =	dma.local @!p0 [spmem:s19], $0x100  }
0xc7: {  	s10 =	simm.s32 @!p0 $0x5  }
0xc8: {  	_ =	swait.ge @!p0 [sflag:s10], $0x100  }
0xc9: {  	s8 =	sadd.s32 $0x1, s8;
	s11 =	rddreg [dreg:$0x8]  }
0xca: {  	p1 =	sne.s32 s8, s11  }
.Ltmp1:
0xcb: {  	_ = 	snop;
	(pc) =	sbr.rel @p1 .LBB2_1-.Ltmp1, $3  }
0xcc: {  	_ =	sdelay $0x1  }
0xcd: {  	[sflag:s10] =	ssyncset.done @!p0 $0x0  }
0xce: {  	[sflag:s10] =	ssyncadd.s32 @!p0 $0xFFFFFF00  }
0xcf: {  	_ =	sfence.sel $0x180000  }
0xd0: {  	[bflag:$0x0] =	sbarrier.arrive $0xFFFF  }
0xd1: {  	_ =	strace $0x9000004A  }
0xd2: {  	s0 =	stileid.u32;
	[bflag:$0x2] =	sbarrier.arrive $0xFFFF  }
0xd3: {  	p0 =	sne.s32 s0, $0x0;
	s0 =	rddreg [dreg:$0x2]  }
0xd4: {  	s0 =	sadd.s32 @!p0 $0x100000, s0  }
0xd5: {  	[sflag:s0] =	ssyncadd.tile.s32 @!p0 $0x1;
	_ =	shalt  }
.Lfunc_end2:
_tile_overlayer_lowered:
.L_overlay_start_2:
0xd6: {  	(tag) =	ssettag $0x2  }
0xd7: {  	s0 =	rddreg [dreg:$0x0];
	s2 =	stileid.u32  }
0xd8: {  	s1 =	rddreg [dreg:$0x1];
	p0 =	sne.s32 s2, $0x0  }
0xd9: {  	s3 =	rddreg [dreg:$0x2];
	[bflag:$0x3] =	sbarrier.arrive $0xFFFF;
	s2 =	simm.s32 @!p0 $0x1C05  }
0xda: {  	[timem:s3], [sflag:s2] =	dma.local @!p0 [hbm:s0], s1  }
0xdb: {  	s0 =	simm.s32 @!p0 $0x5  }
0xdc: {  	_ =	swait.ge @!p0 [sflag:s0], s1  }
0xdd: {  	s1 =	ssub.s32 @!p0 $0x0, s1;
	[sflag:s0] =	ssyncset.done @!p0 $0x0  }
0xde: {  	[sflag:s0] =	ssyncadd.s32 @!p0 s1  }
0xdf: {  	[bflag:$0x3] =	sbarrier.arrive $0xFFFF  }
0xe0: {  	_ =	shalt  }

// kernel: kernel.15.cloned.1.call-start
scs
__scs_entry_jumppad:
0x0: {  	(pc) =	sbr.rel $0x88, $3  }
0x1: {  	(tag) =	ssettag $0x0;
	lr =	simm.s32 $0x1  }
0x2: {  	[smem:$0x3F97] =	sst lr;
	_ =	strace $0xD0000000  }
0x3: {  	_ = 	snop  }
0x4: {  	_ = 	snop  }
0x5: {  	_ = 	snop  }
0x6: {  	_ = 	snop  }
0x7: {  	_ = 	snop  }
__scs_overlays_trampoline_lowered:
0x8: {  	[smem:$0x3FA6] =	sst s0  }
0x9: {  	[smem:$0x3FA7] =	sst s1  }
0xa: {  	[smem:$0x3FA8] =	sst s2  }
0xb: {  	[smem:$0x3FA9] =	sst s3  }
0xc: {  	[smem:$0x3FAA] =	sst s4  }
0xd: {  	[smem:$0x3FAB] =	sst s5  }
0xe: {  	[smem:$0x3FAC] =	sst s6  }
0xf: {  	[smem:$0x3FAD] =	sst s7  }
0x10: {  	[smem:$0x3FAE] =	sst s8  }
0x11: {  	[smem:$0x3FAF] =	sst s9;
	s0 =	simm.s32 @!p0 $0x0  }
0x12: {  	s1 =	sld [smem:$0x3F95];
	s0 =	simm.s32 @p0 $0x1  }
0x13: {  	[smem:$0x3FB0] =	sst s0;
	s0 =	simm.s32 @!p1 $0x0  }
0x14: {  	s2 =	sld [smem:$0x3F94];
	s0 =	simm.s32 @p1 $0x1  }
0x15: {  	[smem:$0x3FB1] =	sst s0;
	s0 =	simm.s32 @!p2 $0x0  }
0x16: {  	s3 =	sld [smem:$0x3FDB];
	s0 =	simm.s32 @p2 $0x1  }
0x17: {  	s4 =	simm.s32 $0x1BF5;
	[smem:$0x3FB3] =	sst s0  }
0x18: {  	s0 =	sld [smem:$0x3F96];
	_ =	swait.ge [sflag:s4], $0x0  }
0x19: {  	s7 =	sld [smem:$0x3F97]  }
0x1a: {  	s8 =	sadd.s32 $0xFFFFE003, lr  }
0x1b: {  	s9 =	sadd.s32 $0xFFFFFEF7, lr;
	s5 =	simm.s32 $0xFFFFFFFF;
	p2 =	slt.u32 s8, $0xFFFFF086  }
0x1c: {  	p1 =	slt.u32 s9, $0xF7A;
	s5 =	simm.s32 @!p2 $0x0  }
0x1d: {  	s5 =	simm.s32 @p1 $0x1;
	p0 =	seq.s32 s7, s2  }
0x1e: {  	s7 =	smul.u32 @!p0 $0xF7A, s2;
	p2 =	seq.s32 @!p0 s5, $0x0  }
0x1f: {  	s9 =	smul.u32 $0xF7A, s1;
	s8 =	simm.s32 @!p0 $0x1BF5;
	p2 =	por !p2, p0  }
0x20: {  	[sflag:s8] =	ssyncset.s32 @!p0 $0xFFFFF086;
	s6 =	sadd.s32 @!p0 s3, s7;
	s7 =	simm.s32 @!p0 $0x108  }
0x21: {  	s3 =	sadd.s32 s3, s9;
	s6 =	sadd.s32 @!p0 $0x88, s6;
	s7 =	simm.s32 @p2 $0x1082  }
0x22: {  	[simem:s7], [sflag:s8] =	dma.local @!p0 [hbm:s6], $0xF7A  }
0x23: {  	s9 =	sor.u32 $0xD0000000, s2;
	s6 =	simm.s32 $0x108;
	_ =	swait.ge @!p0 [sflag:s8], $0x0  }
0x24: {  	s3 =	sadd.s32 $0x88, s3;
	s6 =	simm.s32 @!p1 $0x1082;
	[sflag:s4] =	ssyncset.s32 $0xFFFFF086  }
0x25: {  	[simem:s6], [sflag:s4] =	dma.local [hbm:s3], $0xF7A  }
0x26: {  	[smem:$0x3F97] =	sst s1;
	(tag) =	ssettag s2;
	_ =	strace s9  }
0x27: {  	s1 =	sld [smem:$0x3FA7]  }
0x28: {  	s2 =	sld [smem:$0x3FA8]  }
0x29: {  	s4 =	sld [smem:$0x3FAA]  }
0x2a: {  	p0 =	seq.s32 s5, $0x0;
	s5 =	sld [smem:$0x3FAB]  }
0x2b: {  	s6 =	sld [smem:$0x3FAC]  }
0x2c: {  	s7 =	sld [smem:$0x3FAD]  }
0x2d: {  	s3 =	simm.s32 $0x108;
	s8 =	sld [smem:$0x3FAE]  }
0x2e: {  	s3 =	simm.s32 @!p0 $0x1082;
	s9 =	sld [smem:$0x3FAF]  }
0x2f: {  	lr =	sadd.s32 s0, s3;
	s0 =	sld [smem:$0x3FA6]  }
0x30: {  	s3 =	sld [smem:$0x3FA9]  }
0x31: {  	[smem:$0x3FB2] =	sst s10  }
0x32: {  	s10 =	sld [smem:$0x3FB0];
	_ =	sdelay $0x3  }
0x33: {  	p0 =	seq.s32 s10, $0x1;
	s10 =	sld [smem:$0x3FB2];
	_ =	sdelay $0x3  }
0x34: {  	[smem:$0x3FB2] =	sst s10  }
0x35: {  	s10 =	sld [smem:$0x3FB1];
	_ =	sdelay $0x3  }
0x36: {  	p1 =	seq.s32 s10, $0x1;
	s10 =	sld [smem:$0x3FB2];
	_ =	sdelay $0x3  }
0x37: {  	[smem:$0x3FB2] =	sst s10  }
0x38: {  	s10 =	sld [smem:$0x3FB3]  }
0x39: {  	_ = 	snop;
	(pc) =	sbr.ind lr, $3  }
0x3a: {  	_ = 	snop  }
0x3b: {  	_ = 	snop  }
0x3c: {  	p2 =	seq.s32 s10, $0x1;
	s10 =	sld [smem:$0x3FB2]  }
0x3d: {  	_ =	shalt  }
0x3e: {  	_ =	shalt  }
0x3f: {  	_ =	shalt  }
0x40: {  	_ =	shalt  }
0x41: {  	_ =	shalt  }
0x42: {  	_ =	shalt  }
0x43: {  	_ =	shalt  }
0x44: {  	_ =	shalt  }
0x45: {  	_ =	shalt  }
0x46: {  	_ =	shalt  }
0x47: {  	_ =	shalt  }
0x48: {  	_ =	shalt  }
0x49: {  	_ =	shalt  }
0x4a: {  	_ =	shalt  }
0x4b: {  	_ =	shalt  }
0x4c: {  	_ =	shalt  }
0x4d: {  	_ =	shalt  }
0x4e: {  	_ =	shalt  }
0x4f: {  	_ =	shalt  }
0x50: {  	_ =	shalt  }
0x51: {  	_ =	shalt  }
0x52: {  	_ =	shalt  }
0x53: {  	_ =	shalt  }
0x54: {  	_ =	shalt  }
0x55: {  	_ =	shalt  }
0x56: {  	_ =	shalt  }
0x57: {  	_ =	shalt  }
0x58: {  	_ =	shalt  }
0x59: {  	_ =	shalt  }
0x5a: {  	_ =	shalt  }
0x5b: {  	_ =	shalt  }
0x5c: {  	_ =	shalt  }
0x5d: {  	_ =	shalt  }
0x5e: {  	_ =	shalt  }
0x5f: {  	_ =	shalt  }
0x60: {  	_ =	shalt  }
0x61: {  	_ =	shalt  }
0x62: {  	_ =	shalt  }
0x63: {  	_ =	shalt  }
0x64: {  	_ =	shalt  }
0x65: {  	_ =	shalt  }
0x66: {  	_ =	shalt  }
0x67: {  	_ =	shalt  }
0x68: {  	_ =	shalt  }
0x69: {  	_ =	shalt  }
0x6a: {  	_ =	shalt  }
0x6b: {  	_ =	shalt  }
0x6c: {  	_ =	shalt  }
0x6d: {  	_ =	shalt  }
0x6e: {  	_ =	shalt  }
0x6f: {  	_ =	shalt  }
0x70: {  	_ =	shalt  }
0x71: {  	_ =	shalt  }
0x72: {  	_ =	shalt  }
0x73: {  	_ =	shalt  }
0x74: {  	_ =	shalt  }
0x75: {  	_ =	shalt  }
0x76: {  	_ =	shalt  }
0x77: {  	_ =	shalt  }
0x78: {  	_ =	shalt  }
0x79: {  	_ =	shalt  }
0x7a: {  	_ =	shalt  }
0x7b: {  	_ =	shalt  }
0x7c: {  	_ =	shalt  }
0x7d: {  	_ =	shalt  }
0x7e: {  	_ =	shalt  }
0x7f: {  	_ =	shalt  }
0x80: {  	_ =	shalt  }
0x81: {  	_ =	shalt  }
0x82: {  	_ =	shalt  }
0x83: {  	_ =	shalt  }
0x84: {  	_ =	shalt  }
0x85: {  	_ =	shalt  }
0x86: {  	_ =	shalt  }
0x87: {  	_ =	shalt  }
.Lfunc_end0:
.L_simem_size_0:
called_computation.2_lowered:
.L_overlay_start_0:
0x88: {  	s2 =	sld [smem:$0x3FD9]  }
0x89: {  	s3 =	sld [smem:$0x3FFE];
	_ =	sdelay $0x1  }
0x8a: {  	s1 =	srdreg.scid  }
0x8b: {  	s0 =	sand.u32 $0x1, s1  }
0x8c: {  	s16 =	sshll.u32 s0, $0xA;
	s2 =	sadd.s32 s3, s2  }
0x8d: {  	s2 =	sadd.s32 s2, s16  }
0x8e: {  	[smem:$0x3FBE] =	sst s2  }
0x8f: {  	_ = 	snop  }
0x90: {  	(tm) =	ssettm $0x1  }
0x91: {  	s17 =	sld [smem:$0x3FFB];
	_ =	sdelay $0x3  }
0x92: {  	_ =	strace s17  }
0x93: {  	s2 =	sld [smem:$0x3FFC];
	_ =	sdelay $0x3  }
0x94: {  	_ =	strace s2  }
0x95: {  	s2 =	sld [smem:$0x3FFD];
	_ =	sdelay $0x3  }
0x96: {  	_ =	strace s2  }
0x97: {  	_ =	strace $0x8FFFFFFF  }
0x98: {  	s18 =	sld [smem:$0x3FDB];
	_ =	sdelay $0x1  }
0x99: {  	s19 =	simm.s32 $_scs_section_size  }
0x9a: {  	s4 =	simm.s32 $_size__tile_overlayer_lowered;
	s5 =	simm.s32 $_tile_overlayer_lowered  }
0x9b: {  	s22 =	simm.s32 $0x1BFF;
	s21 =	sshll.u32 s5, $0x1;
	s2 =	sadd.s32 s19, s18  }
0x9c: {  	s6 =	simm.s32 $0x0;
	s20 =	sshll.u32 s4, $0x1;
	s4 =	sadd.s32 s21, s2  }
0x9d: {  	[timem:s6], [sflag:s22] =	dma.local [hbm:s4], s20  }
0x9e: {  	_ =	swait.ge [sflag:s22], s20  }
0x9f: {  	s3 =	ssub.s32 $0x0, s20;
	[sflag:s22] =	ssyncset.done $0x0  }
0xa0: {  	[sflag:s22] =	ssyncadd.s32 s3;
	_ =	sdelay $0x1  }
0xa1: {  	s23 =	simm.s32 $0x1B8B  }
0xa2: {  	_ =	swait.ge [sflag:s23], $0x1  }
0xa3: {  	[sflag:s23] =	ssyncset.done $0x0  }
0xa4: {  	s25 =	simm.s32 $0x1B8E;
	s24 =	sld [smem:$0x3FFE];
	[sflag:s23] =	ssyncadd.s32 $0xFFFFFFFF  }
0xa5: {  	s26 =	simm.s32 $execute0_lowered;
	[smem:$0x3FD2] =	sst s25  }
0xa6: {  	s4 =	sshll.u32 s26, $0x1;
	_ =	strace $0x8000004C;
	[dreg:$0x1] =	wrdreg $0xFFFFFFFF  }
0xa7: {  	s28 =	simm.s32 $_size_execute0_lowered;
	s2 =	sadd.s32 s2, s4;
	[dreg:$0x0] =	wrdreg $0x0  }
0xa8: {  	s4 =	sshll.u32 s28, $0x1;
	[dreg:$0x2] =	wrdreg s2  }
0xa9: {  	[dreg:$0x3] =	wrdreg s4  }
0xaa: {  	[dreg:$0x4] =	wrdreg $0xC0  }
0xab: {  	_ =	task [dreg:s6], $0x5FFFF  }
0xac: {  	[dreg:$0x1] =	wrdreg $0xFFFFFFFF  }
0xad: {  	[dreg:$0x0] =	wrdreg $0x60  }
0xae: {  	[dreg:$0x2] =	wrdreg s24  }
0xaf: {  	[dreg:$0x3] =	wrdreg $0x2C000  }
0xb0: {  	[dreg:$0x4] =	wrdreg $0x9  }
0xb1: {  	_ =	task.clear_ibuf [dreg:s6], $0x5FFFF;
	_ =	strace $0x9000004C  }
0xb2: {  	s29 =	simm.s32 $0x9;
	_ =	strace $0x8000004E  }
0xb3: {  	_ =	swait.ge [sflag:s29], $0x1  }
0xb4: {  	[sflag:s29] =	ssyncadd.s32 $0xFFFFFFFF  }
0xb5: {  	_ =	strace $0x9000004E  }
0xb6: {  	_ =	sfence  }
0xb7: {  	s30 =	sld [smem:$0x0];
	_ =	sdelay $0x2  }
0xb8: {  	s31 =	sshll.u32 s1, $0xD;
	s1 =	sshrl.u32 s1, $0x2  }
0xb9: {  	s3 =	sand.u32 $0x4000, s31;
	s1 =	sadd.s32 s1, s30  }
0xba: {  	s0 =	sor.u32 s3, s0;
	s1 =	sshll.u32 s1, $0x11  }
0xbb: {  	s0 =	sor.u32 s1, s0  }
0xbc: {  	s0 =	sadd.s32 $0x8F2B, s0  }
0xbd: {  	[sflag:s0] =	ssyncadd.remote.s32 $0x1  }
0xbe: {  	_ =	sfence.sel $0xFFFF  }
0xbf: {  	[dreg:$0x0] =	wrdreg $0xFFFFFFFF;
	(pc) =	sbr.abs _section_cstart, $3  }
0xc0: {  	[dreg:$0x1] =	wrdreg $0xFFFFFFFF  }
0xc1: {  	_ =	task.clear_ibuf [dreg:s6], $0x2FFFF;
	_ =	strace $0x9FFFFFFF  }
0xc2: {  	(tm) =	ssettm $0x7FFFFFFF  }
0xc3: {  	_ =	shalt  }
tec
execute0_lowered:
.L_overlay_start_1:
0x0: {  	(tag) =	ssettag $0x1  }
0x1: {  	s0 =	rddreg [dreg:$0x0]  }
0x2: {  	s2 =	rddreg [dreg:$0x1];
	s3 =	simm.s32 $0x0  }
0x3: {  	s17 =	stileid.u32;
	s6 =	srdreg.scid;
	s28 =	simm.s32 $0x4  }
0x4: {  	s29 =	simm.s32 $0x2;
	s30 =	simm.s32 $0x180;
	s31 =	simm.s32 $0x300  }
0x5: {  	[smem:$0x7FF] =	sst s3;
	s1 =	smul.u32 $0x13800, s17;
	s4 =	sadd.s32 $0x33C00, s0  }
0x6: {  	s5 =	sadd.s32 $0x82600, s0;
	s6 =	sand.u32 $0x1, s6;
	s9 =	smul.u32 $0x4E000, s17  }
0x7: {  	s10 =	sadd.s32 $0xC0E00, s0;
	s21 =	smul.u32 $0xFA00, s17;
	p0 =	sne.s32 s17, $0xF  }
0x8: {  	s19 =	sshll.u32 s17, $0x6;
	_ =	strace $0x8000004D;
	s13 =	smul.u32 $0x138800, s6  }
0x9: {  	s8 =	ssub.s32 $0x2, s6;
	s12 =	sshll.u32 s6, $0x4;
	s6 =	smul.u32 $0xFA000, s6  }
0xa: {  	s7 =	sshrl.u32 s1, $0x3;
	s11 =	sshrl.u32 s8, $0x1;
	s16 =	sor.u32 s17, s12  }
0xb: {  	s9 =	sshrl.u32 s9, $0x2;
	s7 =	sadd.s32 s7, s0;
	s8 =	ssub.s32 s8, s11  }
0xc: {  	s18 =	sadd.s32 s9, s2;
	s11 =	smul.u32 $0xFA00, s16;
	s0 =	sadd.s32 $0x33A00, s0  }
0xd: {  	s1 =	sadd.s32 s1, s13;
	s23 =	sshrl.u32 s13, $0x3;
	s7 =	sadd.s32 $0xCA00, s7  }
0xe: {  	[dreg:$0x4] =	wrdreg s0;
	s1 =	sshrl.u32 s1, $0x3;
	s0 =	sadd.s32 s21, s6  }
0xf: {  	s26 =	smax.u32 s8, $0x1;
	s17 =	sshrl.u32 s18, $0x3;
	s18 =	simm.s32 $0x5  }
0x10: {  	s21 =	simm.s32 $0x28;
	s6 =	simm.s32 $0x380;
	s8 =	simm.s32 $0x0  }
0x11: {  	[dreg:$0x3] =	wrdreg s7;
	s7 =	sor.u32 $0x1C05, s19;
	s19 =	sadd.s32 $0x138000, s2  }
0x12: {  	s20 =	sshrl.u32 s11, $0x3;
	s11 =	sadd.s32 s10, s23;
	s1 =	sadd.s32 s10, s1  }
0x13: {  	s25 =	sadd.s32 $0x600, s0;
	[dreg:$0x8] =	wrdreg s26;
	s16 =	sadd.s32 $0x400, s0  }
0x14: {  	s23 =	simm.s32 $0x1;
	s26 =	simm.s32 $0x80;
	s0 =	simm.s32 $0x280  }
0x15: {  	s9 =	sadd.s32 s5, s20;
	[dreg:$0x6] =	wrdreg s1;
	s24 =	sadd.s32 $0x27000, s11  }
0x16: {  	s1 =	sshrl.u32 s25, $0x3;
	s19 =	sshrl.u32 @!p0 s19, $0x3;
	s20 =	simm.s32 $0x200  }
0x17: {  	s25 =	simm.s32 $0x1800;
	s22 =	sadd.s32 $0x40, s9;
	[dreg:$0x7] =	wrdreg s24  }
0x18: {  	s14 =	sadd.s32 $0x1F00, s9;
	s15 =	sadd.s32 s1, s5;
	s24 =	simm.s32 $0x100  }
0x19: {  	s1 =	simm.s32 $0x3;
	[dreg:$0x5] =	wrdreg s22;
	s22 =	simm.s32 $0x400  }
.LBB2_1:
0x1a: {  	s10 =	rddreg [dreg:$0x3]  }
0x1b: {  	[spmem:s17], [sflag:s7] =	dma.local [hbm:s10], $0x2700  }
0x1c: {  	_ =	swait.ge [sflag:s18], $0x2700  }
0x1d: {  	[sflag:s18] =	ssyncset.done $0x0  }
0x1e: {  	s10 =	rddreg [dreg:$0x4];
	[sflag:s18] =	ssyncadd.s32 $0xFFFFD900  }
0x1f: {  	[spmem:s19], [sflag:s7] =	dma.local @!p0 [hbm:s10], $0x100  }
0x20: {  	s10 =	simm.s32 @!p0 $0x5  }
0x21: {  	_ =	swait.ge @!p0 [sflag:s10], $0x100  }
0x22: {  	[sflag:s10] =	ssyncset.done @!p0 $0x0  }
0x23: {  	[sflag:s10] =	ssyncadd.s32 @!p0 $0xFFFFFF00  }
0x24: {  	[bflag:$0x0] =	sbarrier.arrive $0xFFFF  }
0x25: {  	[tilespmem:s3], [sflag:$0x5] =	stream.linear.gather [hbm4b:s9+s3], $0x200, $0x38;
	[tilespmem:$0x164C0] =	vst v63  }
0x26: {  	_ =	swait.ge [sflag:s18], $0x200  }
0x27: {  	[sflag:s18] =	ssyncset.done $0x0  }
0x28: {  	s12 =	rddreg [dreg:$0x5];
	[sflag:s18] =	ssyncadd.s32 $0xFFFFFE00  }
0x29: {  	[tilespmem:s20], [sflag:$0x4] =	stream.linear.gather [hbm4b:s12+s3], $0x200, $0x38;
	[tilespmem:$0x164C0] =	vst v63  }
0x2a: {  	_ = 	snop  }
0x2b: {  	[tilespmem:s22], [sflag:$0x1] =	stream.indirect.gather [hbm4b:s4+s21], $0x80, s3, s21, $0xb8;
	[tilespmem:$0x164C0] =	vst v63  }
0x2c: {  	_ =	swait.ge [sflag:s23], $0x1400  }
0x2d: {  	[sflag:s23] =	ssyncset.done $0x0  }
0x2e: {  	[sflag:s23] =	ssyncadd.s32 $0xFFFFEC00  }
0x2f: {  	[tilespmem:s25], [sflag:$0x2] =	stream.indirect.gather [hbm4b:s4+s21], $0x80, s24, s21, $0xb8;
	[tilespmem:$0x164C0] =	vst v63  }
0x30: {  	_ = 	snop  }
0x31: {  	[spmem:s2] =	stream.indirect.scatter.add.f32 [tilespmem:s22], [sflag:$0x5], $0x80, s26, s21, $0xb8;
	[tilespmem:$0x164C0] =	vst v63  }
0x32: {  	_ =	swait.ge [sflag:s18], $0x1400  }
0x33: {  	[sflag:s18] =	ssyncset.done $0x0  }
0x34: {  	[sflag:s18] =	ssyncadd.s32 $0xFFFFEC00  }
0x35: {  	_ =	swait.ge [sflag:s28], $0x200  }
0x36: {  	[sflag:s28] =	ssyncset.done $0x0  }
0x37: {  	[sflag:s28] =	ssyncadd.s32 $0xFFFFFE00  }
0x38: {  	_ =	swait.ge [sflag:s29], $0x1400  }
0x39: {  	[sflag:s29] =	ssyncset.done $0x0  }
0x3a: {  	[sflag:s29] =	ssyncadd.s32 $0xFFFFEC00  }
0x3b: {  	[tilespmem:s22], [sflag:$0x1] =	stream.indirect.gather [hbm4b:s4+s21], $0x80, s20, s21, $0xb8;
	[tilespmem:$0x164C0] =	vst v63  }
0x3c: {  	_ = 	snop  }
0x3d: {  	[spmem:s2] =	stream.indirect.scatter.add.f32 [tilespmem:s25], [sflag:$0x5], $0x80, s30, s21, $0xb8;
	[tilespmem:$0x164C0] =	vst v63  }
0x3e: {  	_ =	swait.ge [sflag:s18], $0x1400  }
0x3f: {  	s13 =	sshrl.u32 s16, $0x3;
	[sflag:s18] =	ssyncset.done $0x0  }
0x40: {  	s10 =	sadd.s32 s5, s13;
	[sflag:s18] =	ssyncadd.s32 $0xFFFFEC00  }
0x41: {  	[tilespmem:s3], [sflag:$0x3] =	stream.linear.gather [hbm4b:s10+s3], $0x200, $0x38;
	[tilespmem:$0x164C0] =	vst v63  }
0x42: {  	_ =	swait.ge [sflag:s23], $0x1400  }
0x43: {  	[sflag:s23] =	ssyncset.done $0x0  }
0x44: {  	[sflag:s23] =	ssyncadd.s32 $0xFFFFEC00  }
0x45: {  	[tilespmem:s25], [sflag:$0x2] =	stream.indirect.gather [hbm4b:s4+s21], $0x80, s31, s21, $0xb8;
	[tilespmem:$0x164C0] =	vst v63  }
0x46: {  	_ = 	snop  }
0x47: {  	[spmem:s2] =	stream.indirect.scatter.add.f32 [tilespmem:s22], [sflag:$0x5], $0x80, s0, s21, $0xb8;
	[tilespmem:$0x164C0] =	vst v63  }
0x48: {  	_ =	swait.ge [sflag:s18], $0x1400  }
0x49: {  	[sflag:s18] =	ssyncset.done $0x0  }
0x4a: {  	[sflag:s18] =	ssyncadd.s32 $0xFFFFEC00  }
0x4b: {  	_ =	swait.ge [sflag:s1], $0x200  }
0x4c: {  	[sflag:s1] =	ssyncset.done $0x0  }
0x4d: {  	[sflag:s1] =	ssyncadd.s32 $0xFFFFFE00  }
0x4e: {  	_ =	swait.ge [sflag:s29], $0x1400  }
0x4f: {  	[sflag:s29] =	ssyncset.done $0x0  }
0x50: {  	[sflag:s29] =	ssyncadd.s32 $0xFFFFEC00  }
0x51: {  	[tilespmem:s22], [sflag:$0x1] =	stream.indirect.gather [hbm4b:s4+s21], $0x80, s3, s21, $0xb8;
	[tilespmem:$0x164C0] =	vst v63  }
0x52: {  	_ = 	snop  }
0x53: {  	[spmem:s2] =	stream.indirect.scatter.add.f32 [tilespmem:s25], [sflag:$0x5], $0x80, s6, s21, $0xb8;
	[tilespmem:$0x164C0] =	vst v63  }
0x54: {  	_ =	swait.ge [sflag:s18], $0x1400  }
0x55: {  	s11 =	sadd.s32 $0x400, s16;
	[sflag:s18] =	ssyncset.done $0x0  }
0x56: {  	s12 =	sadd.s32 $0x0, s15;
	s10 =	simm.s32 $0x80;
	[sflag:s18] =	ssyncadd.s32 $0xFFFFEC00  }
.LBB2_2:
0x57: {  	[tilespmem:s20], [sflag:$0x4] =	stream.linear.gather [hbm4b:s12+s3], $0x200, $0x38;
	[tilespmem:$0x164C0] =	vst v63  }
0x58: {  	s12 =	smov.u32 s10  }
0x59: {  	p1 =	sne.s32 s10, $0x1E00;
	s10 =	sadd.s32 $0x80, s10;
	_ =	swait.ge [sflag:s23], $0x1400  }
0x5a: {  	[sflag:s23] =	ssyncset.done $0x0  }
0x5b: {  	[sflag:s23] =	ssyncadd.s32 $0xFFFFEC00  }
0x5c: {  	[tilespmem:s25], [sflag:$0x2] =	stream.indirect.gather [hbm4b:s4+s21], $0x80, s24, s21, $0xb8;
	[tilespmem:$0x164C0] =	vst v63  }
0x5d: {  	_ = 	snop  }
0x5e: {  	[spmem:s2] =	stream.indirect.scatter.add.f32 [tilespmem:s22], [sflag:$0x5], $0x80, s26, s21, $0xb8;
	[tilespmem:$0x164C0] =	vst v63  }
0x5f: {  	_ =	swait.ge [sflag:s18], $0x1400  }
0x60: {  	[sflag:s18] =	ssyncset.done $0x0  }
0x61: {  	[sflag:s18] =	ssyncadd.s32 $0xFFFFEC00  }
0x62: {  	_ =	swait.ge [sflag:s28], $0x200  }
0x63: {  	[sflag:s28] =	ssyncset.done $0x0  }
0x64: {  	[sflag:s28] =	ssyncadd.s32 $0xFFFFFE00  }
0x65: {  	_ =	swait.ge [sflag:s29], $0x1400  }
0x66: {  	[sflag:s29] =	ssyncset.done $0x0  }
0x67: {  	[sflag:s29] =	ssyncadd.s32 $0xFFFFEC00  }
0x68: {  	[tilespmem:s22], [sflag:$0x1] =	stream.indirect.gather [hbm4b:s4+s21], $0x80, s20, s21, $0xb8;
	[tilespmem:$0x164C0] =	vst v63  }
0x69: {  	_ = 	snop  }
0x6a: {  	[spmem:s2] =	stream.indirect.scatter.add.f32 [tilespmem:s25], [sflag:$0x5], $0x80, s30, s21, $0xb8;
	[tilespmem:$0x164C0] =	vst v63  }
0x6b: {  	_ =	swait.ge [sflag:s18], $0x1400  }
0x6c: {  	s13 =	sshrl.u32 s11, $0x3;
	[sflag:s18] =	ssyncset.done $0x0  }
0x6d: {  	s13 =	sadd.s32 s5, s13;
	[sflag:s18] =	ssyncadd.s32 $0xFFFFEC00  }
0x6e: {  	[tilespmem:s3], [sflag:$0x3] =	stream.linear.gather [hbm4b:s13+s3], $0x200, $0x38;
	[tilespmem:$0x164C0] =	vst v63  }
0x6f: {  	_ =	swait.ge [sflag:s23], $0x1400  }
0x70: {  	[sflag:s23] =	ssyncset.done $0x0  }
0x71: {  	[sflag:s23] =	ssyncadd.s32 $0xFFFFEC00  }
0x72: {  	[tilespmem:s25], [sflag:$0x2] =	stream.indirect.gather [hbm4b:s4+s21], $0x80, s31, s21, $0xb8;
	[tilespmem:$0x164C0] =	vst v63  }
0x73: {  	_ = 	snop  }
0x74: {  	[spmem:s2] =	stream.indirect.scatter.add.f32 [tilespmem:s22], [sflag:$0x5], $0x80, s0, s21, $0xb8;
	[tilespmem:$0x164C0] =	vst v63  }
0x75: {  	_ =	swait.ge [sflag:s18], $0x1400  }
0x76: {  	[sflag:s18] =	ssyncset.done $0x0  }
0x77: {  	[sflag:s18] =	ssyncadd.s32 $0xFFFFEC00  }
0x78: {  	_ =	swait.ge [sflag:s1], $0x200  }
0x79: {  	[sflag:s1] =	ssyncset.done $0x0  }
0x7a: {  	[sflag:s1] =	ssyncadd.s32 $0xFFFFFE00  }
0x7b: {  	_ =	swait.ge [sflag:s29], $0x1400  }
0x7c: {  	[sflag:s29] =	ssyncset.done $0x0  }
0x7d: {  	[sflag:s29] =	ssyncadd.s32 $0xFFFFEC00  }
0x7e: {  	[tilespmem:s22], [sflag:$0x1] =	stream.indirect.gather [hbm4b:s4+s21], $0x80, s3, s21, $0xb8;
	[tilespmem:$0x164C0] =	vst v63  }
.Ltmp0:
0x7f: {  	(pc) =	sbr.rel @p1 .LBB2_2-.Ltmp0, $4  }
0x80: {  	[spmem:s2] =	stream.indirect.scatter.add.f32 [tilespmem:s25], [sflag:$0x5], $0x80, s6, s21, $0xb8;
	[tilespmem:$0x164C0] =	vst v63  }
0x81: {  	_ =	swait.ge [sflag:s18], $0x1400  }
0x82: {  	[sflag:s18] =	ssyncset.done $0x0  }
0x83: {  	s11 =	sadd.s32 $0x400, s11;
	s12 =	sadd.s32 s12, s15;
	[sflag:s18] =	ssyncadd.s32 $0xFFFFEC00  }
0x84: {  	[tilespmem:s20], [sflag:$0x4] =	stream.linear.gather [hbm4b:s12+s3], $0x200, $0x38;
	[tilespmem:$0x164C0] =	vst v63  }
0x85: {  	_ =	swait.ge [sflag:s23], $0x1400  }
0x86: {  	[sflag:s23] =	ssyncset.done $0x0  }
0x87: {  	[sflag:s23] =	ssyncadd.s32 $0xFFFFEC00  }
0x88: {  	[tilespmem:s25], [sflag:$0x2] =	stream.indirect.gather [hbm4b:s4+s21], $0x80, s24, s21, $0xb8;
	[tilespmem:$0x164C0] =	vst v63  }
0x89: {  	_ = 	snop  }
0x8a: {  	[spmem:s2] =	stream.indirect.scatter.add.f32 [tilespmem:s22], [sflag:$0x5], $0x80, s26, s21, $0xb8;
	[tilespmem:$0x164C0] =	vst v63  }
0x8b: {  	_ =	swait.ge [sflag:s18], $0x1400  }
0x8c: {  	[sflag:s18] =	ssyncset.done $0x0  }
0x8d: {  	[sflag:s18] =	ssyncadd.s32 $0xFFFFEC00  }
0x8e: {  	_ =	swait.ge [sflag:s28], $0x200  }
0x8f: {  	[sflag:s28] =	ssyncset.done $0x0  }
0x90: {  	[sflag:s28] =	ssyncadd.s32 $0xFFFFFE00  }
0x91: {  	_ =	swait.ge [sflag:s29], $0x1400  }
0x92: {  	[sflag:s29] =	ssyncset.done $0x0  }
0x93: {  	[sflag:s29] =	ssyncadd.s32 $0xFFFFEC00  }
0x94: {  	[tilespmem:s22], [sflag:$0x1] =	stream.indirect.gather [hbm4b:s4+s21], $0x80, s20, s21, $0xb8;
	[tilespmem:$0x164C0] =	vst v63  }
0x95: {  	_ = 	snop  }
0x96: {  	[spmem:s2] =	stream.indirect.scatter.add.f32 [tilespmem:s25], [sflag:$0x5], $0x80, s30, s21, $0xb8;
	[tilespmem:$0x164C0] =	vst v63  }
0x97: {  	_ =	swait.ge [sflag:s18], $0x1400  }
0x98: {  	[sflag:s18] =	ssyncset.done $0x0  }
0x99: {  	[sflag:s18] =	ssyncadd.s32 $0xFFFFEC00  }
0x9a: {  	[tilespmem:s3], [sflag:$0x3] =	stream.linear.gather [hbm4b:s14+s3], $0x200, $0x38;
	[tilespmem:$0x164C0] =	vst v63  }
0x9b: {  	_ =	swait.ge [sflag:s23], $0x1400  }
0x9c: {  	[sflag:s23] =	ssyncset.done $0x0  }
0x9d: {  	[sflag:s23] =	ssyncadd.s32 $0xFFFFEC00  }
0x9e: {  	[tilespmem:s25], [sflag:$0x2] =	stream.indirect.gather [hbm4b:s4+s21], $0x80, s31, s21, $0xb8;
	[tilespmem:$0x164C0] =	vst v63  }
0x9f: {  	_ = 	snop  }
0xa0: {  	[spmem:s2] =	stream.indirect.scatter.add.f32 [tilespmem:s22], [sflag:$0x5], $0x80, s0, s21, $0xb8;
	[tilespmem:$0x164C0] =	vst v63  }
0xa1: {  	_ =	swait.ge [sflag:s18], $0x1400  }
0xa2: {  	[sflag:s18] =	ssyncset.done $0x0  }
0xa3: {  	[sflag:s18] =	ssyncadd.s32 $0xFFFFEC00  }
0xa4: {  	_ =	swait.ge [sflag:s1], $0x200  }
0xa5: {  	[sflag:s1] =	ssyncset.done $0x0  }
0xa6: {  	[sflag:s1] =	ssyncadd.s32 $0xFFFFFE00  }
0xa7: {  	_ =	swait.ge [sflag:s29], $0x1400  }
0xa8: {  	[sflag:s29] =	ssyncset.done $0x0  }
0xa9: {  	[sflag:s29] =	ssyncadd.s32 $0xFFFFEC00  }
0xaa: {  	[tilespmem:s22], [sflag:$0x1] =	stream.indirect.gather [hbm4b:s4+s21], $0x80, s3, s21, $0xb8;
	[tilespmem:$0x164C0] =	vst v63  }
0xab: {  	_ = 	snop  }
0xac: {  	[spmem:s2] =	stream.indirect.scatter.add.f32 [tilespmem:s25], [sflag:$0x5], $0x80, s6, s21, $0xb8;
	[tilespmem:$0x164C0] =	vst v63  }
0xad: {  	_ =	swait.ge [sflag:s18], $0x1400  }
0xae: {  	[sflag:s18] =	ssyncset.done $0x0  }
0xaf: {  	[sflag:s18] =	ssyncadd.s32 $0xFFFFEC00  }
0xb0: {  	_ =	swait.ge [sflag:s23], $0x1400  }
0xb1: {  	[sflag:s23] =	ssyncset.done $0x0  }
0xb2: {  	[sflag:s23] =	ssyncadd.s32 $0xFFFFEC00  }
0xb3: {  	[tilespmem:s25], [sflag:$0x2] =	stream.indirect.gather [hbm4b:s4+s21], $0x80, s24, s21, $0xb8;
	[tilespmem:$0x164C0] =	vst v63  }
0xb4: {  	_ = 	snop  }
0xb5: {  	[spmem:s2] =	stream.indirect.scatter.add.f32 [tilespmem:s22], [sflag:$0x5], $0x80, s26, s21, $0xb8;
	[tilespmem:$0x164C0] =	vst v63  }
0xb6: {  	_ =	swait.ge [sflag:s18], $0x1400  }
0xb7: {  	[sflag:s18] =	ssyncset.done $0x0  }
0xb8: {  	[sflag:s18] =	ssyncadd.s32 $0xFFFFEC00  }
0xb9: {  	_ =	swait.ge [sflag:s29], $0x1400  }
0xba: {  	[sflag:s29] =	ssyncset.done $0x0  }
0xbb: {  	[sflag:s29] =	ssyncadd.s32 $0xFFFFEC00  }
0xbc: {  	[spmem:s2] =	stream.indirect.scatter.add.f32 [tilespmem:s25], [sflag:$0x5], $0x80, s30, s21, $0xb8;
	[tilespmem:$0x164C0] =	vst v63  }
0xbd: {  	_ =	swait.ge [sflag:s18], $0x1400  }
0xbe: {  	[sflag:s18] =	ssyncset.done $0x0  }
0xbf: {  	[sflag:s18] =	ssyncadd.s32 $0xFFFFEC00  }
0xc0: {  	[bflag:$0x0] =	sbarrier.arrive $0xFFFF  }
0xc1: {  	s10 =	rddreg [dreg:$0x6]  }
0xc2: {  	[hbm:s10], [sflag:s7] =	dma.local [spmem:s17], $0x2700  }
0xc3: {  	_ =	swait.ge [sflag:s18], $0x2700  }
0xc4: {  	[sflag:s18] =	ssyncset.done $0x0  }
0xc5: {  	s10 =	rddreg [dreg:$0x7];
	[sflag:s18] =	ssyncadd.s32 $0xFFFFD900  }
0xc6: {  	[hbm:s10], [sflag:s7] =	dma.local @!p0 [spmem:s19], $0x100  }
0xc7: {  	s10 =	simm.s32 @!p0 $0x5  }
0xc8: {  	_ =	swait.ge @!p0 [sflag:s10], $0x100  }
0xc9: {  	s8 =	sadd.s32 $0x1, s8;
	s11 =	rddreg [dreg:$0x8]  }
0xca: {  	p1 =	sne.s32 s8, s11  }
.Ltmp1:
0xcb: {  	_ = 	snop;
	(pc) =	sbr.rel @p1 .LBB2_1-.Ltmp1, $3  }
0xcc: {  	_ =	sdelay $0x1  }
0xcd: {  	[sflag:s10] =	ssyncset.done @!p0 $0x0  }
0xce: {  	[sflag:s10] =	ssyncadd.s32 @!p0 $0xFFFFFF00  }
0xcf: {  	_ =	sfence.sel $0x180000  }
0xd0: {  	[bflag:$0x0] =	sbarrier.arrive $0xFFFF  }
0xd1: {  	_ =	strace $0x9000004D  }
0xd2: {  	s0 =	stileid.u32;
	[bflag:$0x2] =	sbarrier.arrive $0xFFFF  }
0xd3: {  	p0 =	sne.s32 s0, $0x0;
	s0 =	rddreg [dreg:$0x2]  }
0xd4: {  	s0 =	sadd.s32 @!p0 $0x100000, s0  }
0xd5: {  	[sflag:s0] =	ssyncadd.tile.s32 @!p0 $0x1;
	_ =	shalt  }
.Lfunc_end2:
_tile_overlayer_lowered:
.L_overlay_start_2:
0xd6: {  	(tag) =	ssettag $0x2  }
0xd7: {  	s0 =	rddreg [dreg:$0x0];
	s2 =	stileid.u32  }
0xd8: {  	s1 =	rddreg [dreg:$0x1];
	p0 =	sne.s32 s2, $0x0  }
0xd9: {  	s3 =	rddreg [dreg:$0x2];
	[bflag:$0x3] =	sbarrier.arrive $0xFFFF;
	s2 =	simm.s32 @!p0 $0x1C05  }
0xda: {  	[timem:s3], [sflag:s2] =	dma.local @!p0 [hbm:s0], s1  }
0xdb: {  	s0 =	simm.s32 @!p0 $0x5  }
0xdc: {  	_ =	swait.ge @!p0 [sflag:s0], s1  }
0xdd: {  	s1 =	ssub.s32 @!p0 $0x0, s1;
	[sflag:s0] =	ssyncset.done @!p0 $0x0  }
0xde: {  	[sflag:s0] =	ssyncadd.s32 @!p0 s1  }
0xdf: {  	[bflag:$0x3] =	sbarrier.arrive $0xFFFF  }
0xe0: {  	_ =	shalt  }

// kernel: kernel.9.cloned.1.call-start
scs
__scs_entry_jumppad:
0x0: {  	(pc) =	sbr.rel $0x88, $3  }
0x1: {  	(tag) =	ssettag $0x0;
	lr =	simm.s32 $0x1  }
0x2: {  	[smem:$0x3F97] =	sst lr;
	_ =	strace $0xD0000000  }
0x3: {  	_ = 	snop  }
0x4: {  	_ = 	snop  }
0x5: {  	_ = 	snop  }
0x6: {  	_ = 	snop  }
0x7: {  	_ = 	snop  }
__scs_overlays_trampoline_lowered:
0x8: {  	[smem:$0x3FA6] =	sst s0  }
0x9: {  	[smem:$0x3FA7] =	sst s1  }
0xa: {  	[smem:$0x3FA8] =	sst s2  }
0xb: {  	[smem:$0x3FA9] =	sst s3  }
0xc: {  	[smem:$0x3FAA] =	sst s4  }
0xd: {  	[smem:$0x3FAB] =	sst s5  }
0xe: {  	[smem:$0x3FAC] =	sst s6  }
0xf: {  	[smem:$0x3FAD] =	sst s7  }
0x10: {  	[smem:$0x3FAE] =	sst s8  }
0x11: {  	[smem:$0x3FAF] =	sst s9;
	s0 =	simm.s32 @!p0 $0x0  }
0x12: {  	s1 =	sld [smem:$0x3F95];
	s0 =	simm.s32 @p0 $0x1  }
0x13: {  	[smem:$0x3FB0] =	sst s0;
	s0 =	simm.s32 @!p1 $0x0  }
0x14: {  	s2 =	sld [smem:$0x3F94];
	s0 =	simm.s32 @p1 $0x1  }
0x15: {  	[smem:$0x3FB1] =	sst s0;
	s0 =	simm.s32 @!p2 $0x0  }
0x16: {  	s3 =	sld [smem:$0x3FDB];
	s0 =	simm.s32 @p2 $0x1  }
0x17: {  	s4 =	simm.s32 $0x1BF5;
	[smem:$0x3FB3] =	sst s0  }
0x18: {  	s0 =	sld [smem:$0x3F96];
	_ =	swait.ge [sflag:s4], $0x0  }
0x19: {  	s7 =	sld [smem:$0x3F97]  }
0x1a: {  	s8 =	sadd.s32 $0xFFFFE003, lr  }
0x1b: {  	s9 =	sadd.s32 $0xFFFFFEF7, lr;
	s5 =	simm.s32 $0xFFFFFFFF;
	p2 =	slt.u32 s8, $0xFFFFF086  }
0x1c: {  	p1 =	slt.u32 s9, $0xF7A;
	s5 =	simm.s32 @!p2 $0x0  }
0x1d: {  	s5 =	simm.s32 @p1 $0x1;
	p0 =	seq.s32 s7, s2  }
0x1e: {  	s7 =	smul.u32 @!p0 $0xF7A, s2;
	p2 =	seq.s32 @!p0 s5, $0x0  }
0x1f: {  	s9 =	smul.u32 $0xF7A, s1;
	s8 =	simm.s32 @!p0 $0x1BF5;
	p2 =	por !p2, p0  }
0x20: {  	[sflag:s8] =	ssyncset.s32 @!p0 $0xFFFFF086;
	s6 =	sadd.s32 @!p0 s3, s7;
	s7 =	simm.s32 @!p0 $0x108  }
0x21: {  	s3 =	sadd.s32 s3, s9;
	s6 =	sadd.s32 @!p0 $0x88, s6;
	s7 =	simm.s32 @p2 $0x1082  }
0x22: {  	[simem:s7], [sflag:s8] =	dma.local @!p0 [hbm:s6], $0xF7A  }
0x23: {  	s9 =	sor.u32 $0xD0000000, s2;
	s6 =	simm.s32 $0x108;
	_ =	swait.ge @!p0 [sflag:s8], $0x0  }
0x24: {  	s3 =	sadd.s32 $0x88, s3;
	s6 =	simm.s32 @!p1 $0x1082;
	[sflag:s4] =	ssyncset.s32 $0xFFFFF086  }
0x25: {  	[simem:s6], [sflag:s4] =	dma.local [hbm:s3], $0xF7A  }
0x26: {  	[smem:$0x3F97] =	sst s1;
	(tag) =	ssettag s2;
	_ =	strace s9  }
0x27: {  	s1 =	sld [smem:$0x3FA7]  }
0x28: {  	s2 =	sld [smem:$0x3FA8]  }
0x29: {  	s4 =	sld [smem:$0x3FAA]  }
0x2a: {  	p0 =	seq.s32 s5, $0x0;
	s5 =	sld [smem:$0x3FAB]  }
0x2b: {  	s6 =	sld [smem:$0x3FAC]  }
0x2c: {  	s7 =	sld [smem:$0x3FAD]  }
0x2d: {  	s3 =	simm.s32 $0x108;
	s8 =	sld [smem:$0x3FAE]  }
0x2e: {  	s3 =	simm.s32 @!p0 $0x1082;
	s9 =	sld [smem:$0x3FAF]  }
0x2f: {  	lr =	sadd.s32 s0, s3;
	s0 =	sld [smem:$0x3FA6]  }
0x30: {  	s3 =	sld [smem:$0x3FA9]  }
0x31: {  	[smem:$0x3FB2] =	sst s10  }
0x32: {  	s10 =	sld [smem:$0x3FB0];
	_ =	sdelay $0x3  }
0x33: {  	p0 =	seq.s32 s10, $0x1;
	s10 =	sld [smem:$0x3FB2];
	_ =	sdelay $0x3  }
0x34: {  	[smem:$0x3FB2] =	sst s10  }
0x35: {  	s10 =	sld [smem:$0x3FB1];
	_ =	sdelay $0x3  }
0x36: {  	p1 =	seq.s32 s10, $0x1;
	s10 =	sld [smem:$0x3FB2];
	_ =	sdelay $0x3  }
0x37: {  	[smem:$0x3FB2] =	sst s10  }
0x38: {  	s10 =	sld [smem:$0x3FB3]  }
0x39: {  	_ = 	snop;
	(pc) =	sbr.ind lr, $3  }
0x3a: {  	_ = 	snop  }
0x3b: {  	_ = 	snop  }
0x3c: {  	p2 =	seq.s32 s10, $0x1;
	s10 =	sld [smem:$0x3FB2]  }
0x3d: {  	_ =	shalt  }
0x3e: {  	_ =	shalt  }
0x3f: {  	_ =	shalt  }
0x40: {  	_ =	shalt  }
0x41: {  	_ =	shalt  }
0x42: {  	_ =	shalt  }
0x43: {  	_ =	shalt  }
0x44: {  	_ =	shalt  }
0x45: {  	_ =	shalt  }
0x46: {  	_ =	shalt  }
0x47: {  	_ =	shalt  }
0x48: {  	_ =	shalt  }
0x49: {  	_ =	shalt  }
0x4a: {  	_ =	shalt  }
0x4b: {  	_ =	shalt  }
0x4c: {  	_ =	shalt  }
0x4d: {  	_ =	shalt  }
0x4e: {  	_ =	shalt  }
0x4f: {  	_ =	shalt  }
0x50: {  	_ =	shalt  }
0x51: {  	_ =	shalt  }
0x52: {  	_ =	shalt  }
0x53: {  	_ =	shalt  }
0x54: {  	_ =	shalt  }
0x55: {  	_ =	shalt  }
0x56: {  	_ =	shalt  }
0x57: {  	_ =	shalt  }
0x58: {  	_ =	shalt  }
0x59: {  	_ =	shalt  }
0x5a: {  	_ =	shalt  }
0x5b: {  	_ =	shalt  }
0x5c: {  	_ =	shalt  }
0x5d: {  	_ =	shalt  }
0x5e: {  	_ =	shalt  }
0x5f: {  	_ =	shalt  }
0x60: {  	_ =	shalt  }
0x61: {  	_ =	shalt  }
0x62: {  	_ =	shalt  }
0x63: {  	_ =	shalt  }
0x64: {  	_ =	shalt  }
0x65: {  	_ =	shalt  }
0x66: {  	_ =	shalt  }
0x67: {  	_ =	shalt  }
0x68: {  	_ =	shalt  }
0x69: {  	_ =	shalt  }
0x6a: {  	_ =	shalt  }
0x6b: {  	_ =	shalt  }
0x6c: {  	_ =	shalt  }
0x6d: {  	_ =	shalt  }
0x6e: {  	_ =	shalt  }
0x6f: {  	_ =	shalt  }
0x70: {  	_ =	shalt  }
0x71: {  	_ =	shalt  }
0x72: {  	_ =	shalt  }
0x73: {  	_ =	shalt  }
0x74: {  	_ =	shalt  }
0x75: {  	_ =	shalt  }
0x76: {  	_ =	shalt  }
0x77: {  	_ =	shalt  }
0x78: {  	_ =	shalt  }
0x79: {  	_ =	shalt  }
0x7a: {  	_ =	shalt  }
0x7b: {  	_ =	shalt  }
0x7c: {  	_ =	shalt  }
0x7d: {  	_ =	shalt  }
0x7e: {  	_ =	shalt  }
0x7f: {  	_ =	shalt  }
0x80: {  	_ =	shalt  }
0x81: {  	_ =	shalt  }
0x82: {  	_ =	shalt  }
0x83: {  	_ =	shalt  }
0x84: {  	_ =	shalt  }
0x85: {  	_ =	shalt  }
0x86: {  	_ =	shalt  }
0x87: {  	_ =	shalt  }
.Lfunc_end0:
.L_simem_size_0:
called_computation_lowered:
.L_overlay_start_0:
0x88: {  	s2 =	sld [smem:$0x3FD9]  }
0x89: {  	s3 =	sld [smem:$0x3FFE];
	_ =	sdelay $0x1  }
0x8a: {  	s1 =	srdreg.scid  }
0x8b: {  	s0 =	sand.u32 $0x1, s1  }
0x8c: {  	s16 =	sshll.u32 s0, $0xA;
	s2 =	sadd.s32 s3, s2  }
0x8d: {  	s2 =	sadd.s32 s2, s16  }
0x8e: {  	[smem:$0x3FBE] =	sst s2  }
0x8f: {  	_ = 	snop  }
0x90: {  	(tm) =	ssettm $0x1  }
0x91: {  	s17 =	sld [smem:$0x3FFB];
	_ =	sdelay $0x3  }
0x92: {  	_ =	strace s17  }
0x93: {  	s2 =	sld [smem:$0x3FFC];
	_ =	sdelay $0x3  }
0x94: {  	_ =	strace s2  }
0x95: {  	s2 =	sld [smem:$0x3FFD];
	_ =	sdelay $0x3  }
0x96: {  	_ =	strace s2  }
0x97: {  	_ =	strace $0x8FFFFFFF  }
0x98: {  	s18 =	sld [smem:$0x3FDB];
	_ =	sdelay $0x1  }
0x99: {  	s19 =	simm.s32 $_scs_section_size  }
0x9a: {  	s4 =	simm.s32 $_size__tile_overlayer_lowered;
	s5 =	simm.s32 $_tile_overlayer_lowered  }
0x9b: {  	s22 =	simm.s32 $0x1BFF;
	s21 =	sshll.u32 s5, $0x1;
	s2 =	sadd.s32 s19, s18  }
0x9c: {  	s6 =	simm.s32 $0x0;
	s20 =	sshll.u32 s4, $0x1;
	s4 =	sadd.s32 s21, s2  }
0x9d: {  	[timem:s6], [sflag:s22] =	dma.local [hbm:s4], s20  }
0x9e: {  	_ =	swait.ge [sflag:s22], s20  }
0x9f: {  	s3 =	ssub.s32 $0x0, s20;
	[sflag:s22] =	ssyncset.done $0x0  }
0xa0: {  	[sflag:s22] =	ssyncadd.s32 s3;
	_ =	sdelay $0x1  }
0xa1: {  	s23 =	simm.s32 $0x1B8B  }
0xa2: {  	_ =	swait.ge [sflag:s23], $0x1  }
0xa3: {  	[sflag:s23] =	ssyncset.done $0x0  }
0xa4: {  	s25 =	simm.s32 $0x1B8E;
	s24 =	sld [smem:$0x3FFE];
	[sflag:s23] =	ssyncadd.s32 $0xFFFFFFFF  }
0xa5: {  	s26 =	simm.s32 $execute0_lowered;
	[smem:$0x3FD2] =	sst s25  }
0xa6: {  	s4 =	sshll.u32 s26, $0x1;
	_ =	strace $0x80000046;
	[dreg:$0x1] =	wrdreg $0xFFFFFFFF  }
0xa7: {  	s28 =	simm.s32 $_size_execute0_lowered;
	s2 =	sadd.s32 s2, s4;
	[dreg:$0x0] =	wrdreg $0x0  }
0xa8: {  	s4 =	sshll.u32 s28, $0x1;
	[dreg:$0x2] =	wrdreg s2  }
0xa9: {  	[dreg:$0x3] =	wrdreg s4  }
0xaa: {  	[dreg:$0x4] =	wrdreg $0xC0  }
0xab: {  	_ =	task [dreg:s6], $0x5FFFF  }
0xac: {  	[dreg:$0x1] =	wrdreg $0xFFFFFFFF  }
0xad: {  	[dreg:$0x0] =	wrdreg $0x60  }
0xae: {  	[dreg:$0x2] =	wrdreg s24  }
0xaf: {  	[dreg:$0x3] =	wrdreg $0x68000  }
0xb0: {  	[dreg:$0x4] =	wrdreg $0x9  }
0xb1: {  	_ =	task.clear_ibuf [dreg:s6], $0x5FFFF;
	_ =	strace $0x90000046  }
0xb2: {  	s29 =	simm.s32 $0x9;
	_ =	strace $0x80000048  }
0xb3: {  	_ =	swait.ge [sflag:s29], $0x1  }
0xb4: {  	[sflag:s29] =	ssyncadd.s32 $0xFFFFFFFF  }
0xb5: {  	_ =	strace $0x90000048  }
0xb6: {  	_ =	sfence  }
0xb7: {  	s30 =	sld [smem:$0x0];
	_ =	sdelay $0x2  }
0xb8: {  	s31 =	sshll.u32 s1, $0xD;
	s1 =	sshrl.u32 s1, $0x2  }
0xb9: {  	s3 =	sand.u32 $0x4000, s31;
	s1 =	sadd.s32 s1, s30  }
0xba: {  	s0 =	sor.u32 s3, s0;
	s1 =	sshll.u32 s1, $0x11  }
0xbb: {  	s0 =	sor.u32 s1, s0  }
0xbc: {  	s0 =	sadd.s32 $0x8F2B, s0  }
0xbd: {  	[sflag:s0] =	ssyncadd.remote.s32 $0x1  }
0xbe: {  	_ =	sfence.sel $0xFFFF  }
0xbf: {  	[dreg:$0x0] =	wrdreg $0xFFFFFFFF;
	(pc) =	sbr.abs _section_cstart, $3  }
0xc0: {  	[dreg:$0x1] =	wrdreg $0xFFFFFFFF  }
0xc1: {  	_ =	task.clear_ibuf [dreg:s6], $0x2FFFF;
	_ =	strace $0x9FFFFFFF  }
0xc2: {  	(tm) =	ssettm $0x7FFFFFFF  }
0xc3: {  	_ =	shalt  }
tec
execute0_lowered:
.L_overlay_start_1:
0x0: {  	(tag) =	ssettag $0x1  }
0x1: {  	s0 =	srdreg.scid;
	s7 =	rddreg [dreg:$0x0]  }
0x2: {  	s2 =	rddreg [dreg:$0x1];
	s1 =	stileid.u32  }
0x3: {  	s3 =	simm.s32 $0x0;
	s17 =	simm.s32 $0x1;
	s18 =	simm.s32 $0x0  }
0x4: {  	s5 =	sand.u32 $0x1, s0;
	s0 =	rddreg [dreg:$0x2];
	s8 =	smul.u32 $0x13800, s1  }
0x5: {  	[smem:$0x7FF] =	sst s3;
	s12 =	smul.u32 $0x4E000, s1;
	s13 =	sadd.s32 $0x34400, s7  }
0x6: {  	s29 =	sshll.u32 s1, $0x6;
	s16 =	sadd.s32 $0x138000, s2;
	p0 =	sne.s32 s1, $0xF  }
0x7: {  	s4 =	sshll.u32 s5, $0x4;
	_ =	strace $0x80000047;
	s6 =	ssub.s32 $0x2, s5  }
0x8: {  	s14 =	smul.u32 $0x138800, s5;
	s4 =	sor.u32 s1, s4;
	s10 =	sshrl.u32 s8, $0x3  }
0x9: {  	s11 =	sshrl.u32 s6, $0x1;
	s28 =	sshrl.u32 s12, $0x2;
	s4 =	smul.u32 $0x500, s4  }
0xa: {  	s10 =	sadd.s32 s10, s7;
	s11 =	ssub.s32 s6, s11;
	s15 =	sadd.s32 s28, s2  }
0xb: {  	s6 =	sor.u32 $0x1C02, s29;
	s8 =	sadd.s32 s8, s14;
	s30 =	sshrl.u32 s14, $0x3  }
0xc: {  	s14 =	sshrl.u32 @!p0 s16, $0x3;
	s16 =	simm.s32 $0x80;
	s5 =	sadd.s32 $0xCA00, s10  }
0xd: {  	s31 =	sshrl.u32 s8, $0x3;
	s10 =	sadd.s32 s13, s30;
	s11 =	smax.u32 s11, $0x1  }
0xe: {  	s12 =	sshrl.u32 s15, $0x3;
	s15 =	simm.s32 $0x2800;
	s9 =	sadd.s32 s4, s7  }
0xf: {  	s4 =	sadd.s32 $0x33C00, s7;
	s7 =	sadd.s32 $0x33A00, s7;
	s10 =	sadd.s32 $0x27000, s10  }
0x10: {  	s8 =	sadd.s32 $0x2A00, s9;
	s9 =	sadd.s32 s13, s31;
	s13 =	simm.s32 $0x2  }
.LBB2_1:
0x11: {  	[spmem:s12], [sflag:s6] =	dma.local [hbm:s5], $0x2700  }
0x12: {  	_ =	swait.ge [sflag:s13], $0x2700  }
0x13: {  	[sflag:s13] =	ssyncset.done $0x0  }
0x14: {  	s19 =	simm.s32 @!p0 $0x2;
	[sflag:s13] =	ssyncadd.s32 $0xFFFFD900  }
0x15: {  	[spmem:s14], [sflag:s6] =	dma.local @!p0 [hbm:s7], $0x100  }
0x16: {  	_ =	swait.ge @!p0 [sflag:s19], $0x100  }
0x17: {  	[sflag:s19] =	ssyncset.done @!p0 $0x0  }
0x18: {  	[sflag:s19] =	ssyncadd.s32 @!p0 $0xFFFFFF00  }
0x19: {  	[tilespmem:s15], [sflag:$0x2] =	stream.linear.gather [hbm4b:s4+s3], $0x4000, $0x38;
	[tilespmem:$0x1A0C0] =	vst v63  }
0x1a: {  	_ =	swait.ge [sflag:s13], $0x4000  }
0x1b: {  	[sflag:s13] =	ssyncset.done $0x0  }
0x1c: {  	[sflag:s13] =	ssyncadd.s32 $0xFFFFC000  }
0x1d: {  	[tilespmem:s3], [sflag:$0x2] =	stream.linear.gather [hbm4b:s8+s3], $0x2780, $0x38;
	[tilespmem:$0x1A0C0] =	vst v63  }
0x1e: {  	_ =	swait.ge [sflag:s13], $0x2780  }
0x1f: {  	[sflag:s13] =	ssyncset.done $0x0  }
0x20: {  	[sflag:s13] =	ssyncadd.s32 $0xFFFFD880  }
0x21: {  	s19 =	simm.s32 $0x0;
	[bflag:$0x0] =	sbarrier.arrive $0xFFFF  }
.LBB2_2:
0x22: {  	p1 =	sne.s32 s19, $0x9C00  }
.Ltmp0:
0x23: {  	_ = 	snop;
	(pc) =	sbr.rel @p1 .LBB2_2-.Ltmp0, $3  }
0x24: {  	_ =	sdelay $0x1  }
0x25: {  	s20 =	sshra.s32 s19, $0x2;
	s19 =	sadd.s32 $0x200, s19  }
0x26: {  	[spmem:s2] =	stream.indirect.scatter.add.f32 [tilespmem:s15], [sflag:$0x1], $0x80, s20, s16, $0xb8;
	[tilespmem:$0x1A0C0] =	vst v63  }
0x27: {  	_ =	swait.ge [sflag:s17], $0x4000  }
0x28: {  	s19 =	simm.s32 $0x4E;
	[sflag:s17] =	ssyncset.done $0x0  }
.LBB2_4:
0x29: {  	p1 =	sne.s32 s19, $0x1;
	s19 =	sadd.s32 $0xFFFFFFFF, s19;
	[sflag:s17] =	ssyncadd.s32 $0xFFFFC000  }
.Ltmp1:
0x2a: {  	(pc) =	sbr.rel @p1 .LBB2_4-.Ltmp1, $3  }
0x2b: {  	_ =	sdelay $0x1  }
0x2c: {  	_ =	swait.ge [sflag:s17], $0x4000  }
0x2d: {  	[sflag:s17] =	ssyncset.done $0x0  }
0x2e: {  	[sflag:s17] =	ssyncadd.s32 $0xFFFFC000  }
0x2f: {  	[bflag:$0x0] =	sbarrier.arrive $0xFFFF  }
0x30: {  	[hbm:s9], [sflag:s6] =	dma.local [spmem:s12], $0x2700  }
0x31: {  	s18 =	sadd.s32 $0x1, s18;
	_ =	swait.ge [sflag:s13], $0x2700  }
0x32: {  	p1 =	sne.s32 s18, s11;
	[sflag:s13] =	ssyncset.done $0x0  }
.Ltmp2:
0x33: {  	s19 =	simm.s32 @!p0 $0x2;
	[sflag:s13] =	ssyncadd.s32 $0xFFFFD900;
	(pc) =	sbr.rel @p1 .LBB2_1-.Ltmp2, $4  }
0x34: {  	[hbm:s10], [sflag:s6] =	dma.local @!p0 [spmem:s14], $0x100  }
0x35: {  	_ =	swait.ge @!p0 [sflag:s19], $0x100  }
0x36: {  	[sflag:s19] =	ssyncset.done @!p0 $0x0  }
0x37: {  	[sflag:s19] =	ssyncadd.s32 @!p0 $0xFFFFFF00  }
0x38: {  	_ =	sfence.sel $0x180000  }
0x39: {  	[bflag:$0x0] =	sbarrier.arrive $0xFFFF  }
0x3a: {  	p0 =	sne.s32 s1, $0x0;
	_ =	strace $0x90000047  }
0x3b: {  	s0 =	sadd.s32 @!p0 $0x100000, s0;
	[bflag:$0x2] =	sbarrier.arrive $0xFFFF  }
0x3c: {  	[sflag:s0] =	ssyncadd.tile.s32 @!p0 $0x1;
	_ =	shalt  }
.Lfunc_end2:
_tile_overlayer_lowered:
.L_overlay_start_2:
0x3d: {  	(tag) =	ssettag $0x2  }
0x3e: {  	s0 =	rddreg [dreg:$0x0];
	s2 =	stileid.u32  }
0x3f: {  	s1 =	rddreg [dreg:$0x1];
	p0 =	sne.s32 s2, $0x0  }
0x40: {  	s3 =	rddreg [dreg:$0x2];
	[bflag:$0x3] =	sbarrier.arrive $0xFFFF;
	s2 =	simm.s32 @!p0 $0x1C02  }
0x41: {  	[timem:s3], [sflag:s2] =	dma.local @!p0 [hbm:s0], s1  }
0x42: {  	s0 =	simm.s32 @!p0 $0x2  }
0x43: {  	_ =	swait.ge @!p0 [sflag:s0], s1  }
0x44: {  	s1 =	ssub.s32 @!p0 $0x0, s1;
	[sflag:s0] =	ssyncset.done @!p0 $0x0  }
0x45: {  	[sflag:s0] =	ssyncadd.s32 @!p0 s1  }
0x46: {  	[bflag:$0x3] =	sbarrier.arrive $0xFFFF  }
0x47: {  	_ =	shalt  }

</sc_bundles>
